<compile_context>
chip_gen: v7x
topology: tpu7x:2x2x1
jax: 0.10.2.dev20260603
libtpu: 0.0.44.dev20260713+nightly
codegen_flags: <defaults>
</compile_context>

<pallas_src>
import functools

import jax
import jax.numpy as jnp
from jax import lax
from jax.experimental import pallas as pl
from jax.experimental.pallas import tpu as pltpu
from jax.experimental.pallas import tpu_sc as plsc

N = 10000
E = 320000
D_IN = 128
H = 32
Z = 16

NC = 2
NS = 16
NW = NC * NS
B = 125
NCHT = E // B // NW
DW = 8
K = 4
A = 2
KD = 8
FR = N * H // 128

_mesh = plsc.VectorSubcoreMesh(core_axis_name="c", subcore_axis_name="s")



@functools.partial(
    pl.kernel,
    out_type=jax.ShapeDtypeStruct((NC, N, DW), jnp.float32),
    mesh=_mesh,
    compiler_params=pltpu.CompilerParams(use_tc_tiling_on_sc=False),
    scratch_types=[
        pltpu.VMEM((B, DW), jnp.float32),
        pltpu.VMEM((NCHT, B), jnp.int32),
        pltpu.VMEM_SHARED((N, DW), jnp.float32),
        pltpu.SemaphoreType.DMA((KD,)),
    ],
)
def _sc_deg(ei_hbm, ones_hbm, zeros_hbm, degp_hbm, onesb, dsti, degsh, ssem):
    c = lax.axis_index("c")
    s = lax.axis_index("s")
    w = c * NS + s
    @pl.when(s < 10)
    def _():
        pltpu.sync_copy(zeros_hbm.at[pl.ds(s * 1000, 1000)],
                        degsh.at[pl.ds(s * 1000, 1000)])
    pltpu.sync_copy(ones_hbm, onesb)
    pltpu.sync_copy(ei_hbm.at[1, pl.ds(w * NCHT, NCHT)], dsti)
    plsc.subcore_barrier()

    @pl.loop(0, NCHT, step=KD)
    def _(j0):
        for b in range(KD):
            j = j0 + b

            @pl.when(j >= KD)
            def _():
                pltpu.make_async_copy(
                    onesb, degsh.at[dsti.at[j - KD]], ssem.at[b]).wait()

            pltpu.async_copy(onesb, degsh.at[dsti.at[j]], ssem.at[b],
                             add=True)

    for b in range(KD):
        pltpu.make_async_copy(
            onesb, degsh.at[dsti.at[NCHT - KD + b]], ssem.at[b]).wait()

    plsc.subcore_barrier()

    @pl.when(s < 10)
    def _():
        pltpu.sync_copy(degsh.at[pl.ds(s * 1000, 1000)],
                        degp_hbm.at[c, pl.ds(s * 1000, 1000)])



@functools.partial(
    pl.kernel,
    out_type=jax.ShapeDtypeStruct((NC, N, H), jnp.float32),
    mesh=_mesh,
    compiler_params=pltpu.CompilerParams(use_tc_tiling_on_sc=False),
    scratch_types=[
        pltpu.VMEM((NCHT, B), jnp.int32),
        pltpu.VMEM((NCHT, B), jnp.int32),
        pltpu.VMEM((K, B, H), jnp.float32),
        pltpu.VMEM_SHARED((N, H), jnp.float32),
        pltpu.SemaphoreType.DMA((K,)),
        pltpu.SemaphoreType.DMA((K,)),
    ],
)
def _sc_prop(y_hbm, ei_hbm, zeros_hbm, p_hbm,
             srci, dsti, rows, accsh, gsem, ssem):
    c = lax.axis_index("c")
    s = lax.axis_index("s")
    w = c * NS + s
    row_base = s * 1000

    @pl.when(jnp.logical_and(s < 10, c == 0))
    def _():
        pltpu.sync_copy(y_hbm.at[pl.ds(row_base, 1000)],
                        accsh.at[pl.ds(row_base, 1000)])

    @pl.when(jnp.logical_and(s < 10, c == 1))
    def _():
        pltpu.sync_copy(zeros_hbm.at[pl.ds(row_base, 1000)],
                        accsh.at[pl.ds(row_base, 1000)])

    pltpu.sync_copy(ei_hbm.at[0, pl.ds(w * NCHT, NCHT)], srci)
    pltpu.sync_copy(ei_hbm.at[1, pl.ds(w * NCHT, NCHT)], dsti)
    plsc.subcore_barrier()

    for j in range(A):
        pltpu.async_copy(y_hbm.at[srci.at[j]], rows.at[j % K], gsem.at[j % K])

    @pl.loop(0, NCHT, step=K)
    def _(j0):
        for b in range(K):
            j = j0 + b
            b2 = (b + A) % K

            @pl.when(j + A >= K)
            def _():
                pltpu.make_async_copy(
                    rows.at[b2], accsh.at[dsti.at[j + A - K]],
                    ssem.at[b2]).wait()

            @pl.when(j + A < NCHT)
            def _():
                pltpu.async_copy(y_hbm.at[srci.at[j + A]], rows.at[b2],
                                 gsem.at[b2])

            pltpu.make_async_copy(
                y_hbm.at[srci.at[j]], rows.at[b], gsem.at[b]).wait()
            pltpu.async_copy(rows.at[b], accsh.at[dsti.at[j]], ssem.at[b],
                             add=True)

    for i in range(K - A):
        j = NCHT - (K - A) + i
        b = j % K
        pltpu.make_async_copy(
            rows.at[b], accsh.at[dsti.at[j]], ssem.at[b]).wait()

    plsc.subcore_barrier()

    @pl.when(s < 10)
    def _():
        pltpu.sync_copy(accsh.at[pl.ds(row_base, 1000)],
                        p_hbm.at[c, pl.ds(row_base, 1000)])



def _tc_pre_body(x_ref, w1_ref, degp_ref, y1_ref, dis_ref):
    deg = degp_ref[0, :, 0:1] + degp_ref[1, :, 0:1] + 1.0
    dis = lax.rsqrt(deg)
    xw = jnp.dot(x_ref[...], w1_ref[...], preferred_element_type=jnp.float32)
    y1_ref[...] = dis * xw
    dis_ref[...] = jnp.broadcast_to(dis, (N, H))


def _tc_mid_body(p_ref, dis_ref, y2_ref):
    dis = dis_ref[...]
    t = p_ref[0:FR] + p_ref[FR:2 * FR]
    y2_ref[...] = dis * jnp.maximum(dis * t, 0.0)


def _tc_post_body(p_ref, dis_ref, wbd_ref, zf_ref):
    sfin = dis_ref[...] * (p_ref[0:FR] + p_ref[FR:2 * FR])
    zf_ref[...] = jnp.dot(sfin, wbd_ref[...],
                          preferred_element_type=jnp.float32)


_tc_pre = pl.pallas_call(
    _tc_pre_body,
    out_shape=(
        jax.ShapeDtypeStruct((N, H), jnp.float32),
        jax.ShapeDtypeStruct((N, H), jnp.float32),
    ),
)

_tc_mid = pl.pallas_call(
    _tc_mid_body,
    out_shape=jax.ShapeDtypeStruct((FR, 128), jnp.float32),
)

_tc_post = pl.pallas_call(
    _tc_post_body,
    out_shape=jax.ShapeDtypeStruct((FR, 128), jnp.float32),
)


@jax.jit
def kernel(features, edge_index, W1, W_mean, W_var):
    ones_rows = jnp.ones((B, DW), jnp.float32)
    zeros_deg = jnp.zeros((N, DW), jnp.float32)
    zeros_acc = jnp.zeros((N, H), jnp.float32)
    wcat = jnp.concatenate([W_mean, W_var], axis=1)
    wbd = jnp.kron(jnp.eye(4, dtype=jnp.float32), wcat)

    ei3 = edge_index.reshape(2, E // B, B)
    degp = _sc_deg(ei3, ones_rows, zeros_deg)
    y1, dis32 = _tc_pre(features, W1, degp)
    disf = dis32.reshape(FR, 128)
    p1 = _sc_prop(y1, ei3, zeros_acc)
    y2f = _tc_mid(p1.reshape(NC * FR, 128), disf)
    p2 = _sc_prop(y2f.reshape(N, H), ei3, zeros_acc)
    zf = _tc_post(p2.reshape(NC * FR, 128), disf, wbd)
    z = zf.reshape(N, H)
    return (z[:, :Z], z[:, Z:])

# --- scband reference (transcript-rebuilt; emitter-appended) ---
"""Pipeline reference for scband-encoder-36730560315395 (READ-ONLY COPY).

The authoritative reference and input builder live on the scoring server;
editing this copy changes nothing except your own understanding.
"""

import jax, jax.numpy as jnp
import numpy as np

N = 10000
E = 320000
D_IN = 128
H = 32
Z = 16


def setup_inputs(seed: int = 0) -> dict:
    key = jax.random.key(seed)
    k1, k2, k3, k4, k5 = jax.random.split(key, 5)
    features = jax.random.normal(k1, (N, D_IN), dtype=jnp.float32)
    edge_index = jax.random.randint(k2, (2, E), 0, N, dtype=jnp.int32)
    W1 = jax.random.normal(k3, (D_IN, H), dtype=jnp.float32) * (1.0 / np.sqrt(D_IN))
    W_mean = jax.random.normal(k4, (H, Z), dtype=jnp.float32) * (1.0 / np.sqrt(H))
    W_var = jax.random.normal(k5, (H, Z), dtype=jnp.float32) * (1.0 / np.sqrt(H))
    return {"features": features, "edge_index": edge_index, "W1": W1, "W_mean": W_mean, "W_var": W_var}


def _gcn_layer(x, W, src, dst, deg_inv_sqrt):
    # symmetric-normalized GCN conv: D^-1/2 (A+I) D^-1/2 X W
    xw = x @ W
    norm = deg_inv_sqrt[src] * deg_inv_sqrt[dst]
    msg = jnp.take(xw, src, axis=0) * norm[:, None]
    out = jax.ops.segment_sum(msg, dst, num_segments=N)
    return out


def reference(features, edge_index, W1, W_mean, W_var):
    loops = jnp.arange(N, dtype=edge_index.dtype)
    src = jnp.concatenate([edge_index[0], loops])
    dst = jnp.concatenate([edge_index[1], loops])
    deg = jax.ops.segment_sum(jnp.ones_like(src, dtype=jnp.float32), dst, num_segments=N)
    deg_inv_sqrt = jnp.where(deg > 0, 1.0 / jnp.sqrt(jnp.maximum(deg, 1e-12)), 0.0)
    # shared GCN stack (VGAE-style encoder): hidden layer with relu,
    # then two parallel GCN heads producing z_mean and z_var (dropout=0.0 -> no-op)
    h = jax.nn.relu(_gcn_layer(features, W1, src, dst, deg_inv_sqrt))
    z_mean = _gcn_layer(h, W_mean, src, dst, deg_inv_sqrt)
    z_var = _gcn_layer(h, W_var, src, dst, deg_inv_sqrt)
    return (z_mean, z_var)

if __name__ == "__main__":
    import jax
    _d = setup_inputs()
    print(jax.jit(kernel)(*tuple(_d.values())))

</pallas_src>

<mosaic_0001>
#map = affine_map<(d0, d1) -> (0, 0)>
#map1 = affine_map<(d0, d1) -> (0, 0, 0)>
module attributes {stable_mosaic.version = 14 : i64} {
  func.func @_sc_prop(%arg0: i32, %arg1: i32, %arg2: memref<10000x32xf32, #tpu.memory_space<hbm>>, %arg3: memref<2x2560x125xi32, #tpu.memory_space<hbm>>, %arg4: memref<10000x32xf32, #tpu.memory_space<hbm>>, %arg5: memref<2x10000x32xf32, #tpu.memory_space<hbm>>, %arg6: memref<80x125xi32, #tpu.memory_space<vmem>>, %arg7: memref<80x125xi32, #tpu.memory_space<vmem>>, %arg8: memref<4x125x32xf32, #tpu.memory_space<vmem>>, %arg9: memref<10000x32xf32, #tpu.memory_space<vmem_shared>>, %arg10: memref<4x!tpu.dma_semaphore, #tpu.memory_space<semaphore_mem>>, %arg11: memref<4x!tpu.dma_semaphore, #tpu.memory_space<semaphore_mem>>) attributes {dimension_semantics = [#tpu.dimension_semantics<core_parallel>, #tpu.dimension_semantics<subcore_parallel>], iteration_bounds = array<i64: 2, 16>, scalar_prefetch = 0 : i64, scratch_operands = 6 : i64, tpu.core_type = #tpu.core_type<sc_vector_subcore>, window_params = [{transform_indices = #map}, {transform_indices = #map1}, {transform_indices = #map}, {transform_indices = #map1}]} {
    %mul3A = arith.constant 16 : i32
    %mul3A_0 = arith.muli %arg0, %mul3A : i32
    %add3A = arith.addi %mul3A_0, %arg1 : i32
    %mul3A_1 = arith.constant 1000 : i32
    %mul3A_2 = arith.muli %arg1, %mul3A_1 : i32
    %lt3A = arith.constant 10 : i32
    %lt3A_3 = arith.cmpi slt, %arg1, %lt3A : i32
    %eq3A = arith.constant 0 : i32
    %eq3A_4 = arith.cmpi eq, %arg0, %eq3A : i32
    %and3A = arith.andi %lt3A_3, %eq3A_4 : i1
    %convert_element_type3A = arith.extui %and3A : i1 to i32
    %cond3A = arith.constant 0 : i32
    %cond3A_5 = arith.cmpi ne, %convert_element_type3A, %cond3A : i32
    scf.if %cond3A_5 {
      "tpu.region"() ({
        %run_scoped3A_87 = tpu.sem_alloc : memref<!tpu.dma_semaphore, #tpu.memory_space<semaphore_mem>>
        %dma_start3A_88 = arith.constant 0 : i32
        %dma_start3A_89 = tpu.memref_slice %arg9[%mul3A_2, %dma_start3A_88] : memref<10000x32xf32, #tpu.memory_space<vmem_shared>> -> memref<1000x32xf32, #tpu.memory_space<vmem_shared>>
        %dma_start3A_90 = arith.constant 0 : i32
        %dma_start3A_91 = tpu.memref_slice %arg2[%mul3A_2, %dma_start3A_90] : memref<10000x32xf32, #tpu.memory_space<hbm>> -> memref<1000x32xf32, #tpu.memory_space<hbm>>
        tpu.enqueue_dma source(%dma_start3A_91 : memref<1000x32xf32, #tpu.memory_space<hbm>>) target(%dma_start3A_89 : memref<1000x32xf32, #tpu.memory_space<vmem_shared>>) target_semaphore(%run_scoped3A_87 : memref<!tpu.dma_semaphore, #tpu.memory_space<semaphore_mem>>)
        %dma_wait3A_92 = arith.constant 0 : i32
        %dma_wait3A_93 = tpu.memref_slice %arg9[%mul3A_2, %dma_wait3A_92] : memref<10000x32xf32, #tpu.memory_space<vmem_shared>> -> memref<1000x32xf32, #tpu.memory_space<vmem_shared>>
        %dma_wait3A_94 = arith.constant 0 : i32
        %dma_wait3A_95 = tpu.memref_slice %arg2[%mul3A_2, %dma_wait3A_94] : memref<10000x32xf32, #tpu.memory_space<hbm>> -> memref<1000x32xf32, #tpu.memory_space<hbm>>
        tpu.wait_dma2 semaphore(%run_scoped3A_87 : memref<!tpu.dma_semaphore, #tpu.memory_space<semaphore_mem>>) src(%dma_wait3A_95 : memref<1000x32xf32, #tpu.memory_space<hbm>>) dst(%dma_wait3A_93 : memref<1000x32xf32, #tpu.memory_space<vmem_shared>>)
        tpu.yield
      }) : () -> ()
    } else {
    }
    %lt3A_6 = arith.constant 10 : i32
    %lt3A_7 = arith.cmpi slt, %arg1, %lt3A_6 : i32
    %eq3A_8 = arith.constant 1 : i32
    %eq3A_9 = arith.cmpi eq, %arg0, %eq3A_8 : i32
    %and3A_10 = arith.andi %lt3A_7, %eq3A_9 : i1
    %convert_element_type3A_11 = arith.extui %and3A_10 : i1 to i32
    %cond3A_12 = arith.constant 0 : i32
    %cond3A_13 = arith.cmpi ne, %convert_element_type3A_11, %cond3A_12 : i32
    scf.if %cond3A_13 {
      "tpu.region"() ({
        %run_scoped3A_87 = tpu.sem_alloc : memref<!tpu.dma_semaphore, #tpu.memory_space<semaphore_mem>>
        %dma_start3A_88 = arith.constant 0 : i32
        %dma_start3A_89 = tpu.memref_slice %arg9[%mul3A_2, %dma_start3A_88] : memref<10000x32xf32, #tpu.memory_space<vmem_shared>> -> memref<1000x32xf32, #tpu.memory_space<vmem_shared>>
        %dma_start3A_90 = arith.constant 0 : i32
        %dma_start3A_91 = tpu.memref_slice %arg4[%mul3A_2, %dma_start3A_90] : memref<10000x32xf32, #tpu.memory_space<hbm>> -> memref<1000x32xf32, #tpu.memory_space<hbm>>
        tpu.enqueue_dma source(%dma_start3A_91 : memref<1000x32xf32, #tpu.memory_space<hbm>>) target(%dma_start3A_89 : memref<1000x32xf32, #tpu.memory_space<vmem_shared>>) target_semaphore(%run_scoped3A_87 : memref<!tpu.dma_semaphore, #tpu.memory_space<semaphore_mem>>)
        %dma_wait3A_92 = arith.constant 0 : i32
        %dma_wait3A_93 = tpu.memref_slice %arg9[%mul3A_2, %dma_wait3A_92] : memref<10000x32xf32, #tpu.memory_space<vmem_shared>> -> memref<1000x32xf32, #tpu.memory_space<vmem_shared>>
        %dma_wait3A_94 = arith.constant 0 : i32
        %dma_wait3A_95 = tpu.memref_slice %arg4[%mul3A_2, %dma_wait3A_94] : memref<10000x32xf32, #tpu.memory_space<hbm>> -> memref<1000x32xf32, #tpu.memory_space<hbm>>
        tpu.wait_dma2 semaphore(%run_scoped3A_87 : memref<!tpu.dma_semaphore, #tpu.memory_space<semaphore_mem>>) src(%dma_wait3A_95 : memref<1000x32xf32, #tpu.memory_space<hbm>>) dst(%dma_wait3A_93 : memref<1000x32xf32, #tpu.memory_space<vmem_shared>>)
        tpu.yield
      }) : () -> ()
    } else {
    }
    %mul3A_14 = arith.constant 80 : i32
    %mul3A_15 = arith.muli %add3A, %mul3A_14 : i32
    %run_scoped3A = arith.constant 0 : i32
    "tpu.region"() ({
      %run_scoped3A_87 = tpu.sem_alloc : memref<!tpu.dma_semaphore, #tpu.memory_space<semaphore_mem>>
      %dma_start3A_88 = arith.constant 0 : i32
      %dma_start3A_89 = tpu.memref_slice %arg3[%run_scoped3A, %mul3A_15, %dma_start3A_88] : memref<2x2560x125xi32, #tpu.memory_space<hbm>> -> memref<1x80x125xi32, #tpu.memory_space<hbm>>
      %dma_start3A_90 = tpu.memref_squeeze %dma_start3A_89 : memref<1x80x125xi32, #tpu.memory_space<hbm>> -> memref<80x125xi32, #tpu.memory_space<hbm>>
      %dma_start3A_91 = arith.constant 0 : i32
      %dma_start3A_92 = tpu.memref_slice %arg3[%run_scoped3A, %mul3A_15, %dma_start3A_91] : memref<2x2560x125xi32, #tpu.memory_space<hbm>> -> memref<1x80x125xi32, #tpu.memory_space<hbm>>
      %dma_start3A_93 = tpu.memref_squeeze %dma_start3A_92 : memref<1x80x125xi32, #tpu.memory_space<hbm>> -> memref<80x125xi32, #tpu.memory_space<hbm>>
      tpu.enqueue_dma source(%dma_start3A_93 : memref<80x125xi32, #tpu.memory_space<hbm>>) target(%arg6 : memref<80x125xi32, #tpu.memory_space<vmem>>) target_semaphore(%run_scoped3A_87 : memref<!tpu.dma_semaphore, #tpu.memory_space<semaphore_mem>>)
      %dma_wait3A_94 = arith.constant 0 : i32
      %dma_wait3A_95 = tpu.memref_slice %arg3[%run_scoped3A, %mul3A_15, %dma_wait3A_94] : memref<2x2560x125xi32, #tpu.memory_space<hbm>> -> memref<1x80x125xi32, #tpu.memory_space<hbm>>
      %dma_wait3A_96 = tpu.memref_squeeze %dma_wait3A_95 : memref<1x80x125xi32, #tpu.memory_space<hbm>> -> memref<80x125xi32, #tpu.memory_space<hbm>>
      %dma_wait3A_97 = arith.constant 0 : i32
      %dma_wait3A_98 = tpu.memref_slice %arg3[%run_scoped3A, %mul3A_15, %dma_wait3A_97] : memref<2x2560x125xi32, #tpu.memory_space<hbm>> -> memref<1x80x125xi32, #tpu.memory_space<hbm>>
      %dma_wait3A_99 = tpu.memref_squeeze %dma_wait3A_98 : memref<1x80x125xi32, #tpu.memory_space<hbm>> -> memref<80x125xi32, #tpu.memory_space<hbm>>
      tpu.wait_dma2 semaphore(%run_scoped3A_87 : memref<!tpu.dma_semaphore, #tpu.memory_space<semaphore_mem>>) src(%dma_wait3A_99 : memref<80x125xi32, #tpu.memory_space<hbm>>) dst(%arg6 : memref<80x125xi32, #tpu.memory_space<vmem>>)
      tpu.yield
    }) : () -> ()
    %mul3A_16 = arith.constant 80 : i32
    %mul3A_17 = arith.muli %add3A, %mul3A_16 : i32
    %run_scoped3A_18 = arith.constant 1 : i32
    "tpu.region"() ({
      %run_scoped3A_87 = tpu.sem_alloc : memref<!tpu.dma_semaphore, #tpu.memory_space<semaphore_mem>>
      %dma_start3A_88 = arith.constant 0 : i32
      %dma_start3A_89 = tpu.memref_slice %arg3[%run_scoped3A_18, %mul3A_17, %dma_start3A_88] : memref<2x2560x125xi32, #tpu.memory_space<hbm>> -> memref<1x80x125xi32, #tpu.memory_space<hbm>>
      %dma_start3A_90 = tpu.memref_squeeze %dma_start3A_89 : memref<1x80x125xi32, #tpu.memory_space<hbm>> -> memref<80x125xi32, #tpu.memory_space<hbm>>
      %dma_start3A_91 = arith.constant 0 : i32
      %dma_start3A_92 = tpu.memref_slice %arg3[%run_scoped3A_18, %mul3A_17, %dma_start3A_91] : memref<2x2560x125xi32, #tpu.memory_space<hbm>> -> memref<1x80x125xi32, #tpu.memory_space<hbm>>
      %dma_start3A_93 = tpu.memref_squeeze %dma_start3A_92 : memref<1x80x125xi32, #tpu.memory_space<hbm>> -> memref<80x125xi32, #tpu.memory_space<hbm>>
      tpu.enqueue_dma source(%dma_start3A_93 : memref<80x125xi32, #tpu.memory_space<hbm>>) target(%arg7 : memref<80x125xi32, #tpu.memory_space<vmem>>) target_semaphore(%run_scoped3A_87 : memref<!tpu.dma_semaphore, #tpu.memory_space<semaphore_mem>>)
      %dma_wait3A_94 = arith.constant 0 : i32
      %dma_wait3A_95 = tpu.memref_slice %arg3[%run_scoped3A_18, %mul3A_17, %dma_wait3A_94] : memref<2x2560x125xi32, #tpu.memory_space<hbm>> -> memref<1x80x125xi32, #tpu.memory_space<hbm>>
      %dma_wait3A_96 = tpu.memref_squeeze %dma_wait3A_95 : memref<1x80x125xi32, #tpu.memory_space<hbm>> -> memref<80x125xi32, #tpu.memory_space<hbm>>
      %dma_wait3A_97 = arith.constant 0 : i32
      %dma_wait3A_98 = tpu.memref_slice %arg3[%run_scoped3A_18, %mul3A_17, %dma_wait3A_97] : memref<2x2560x125xi32, #tpu.memory_space<hbm>> -> memref<1x80x125xi32, #tpu.memory_space<hbm>>
      %dma_wait3A_99 = tpu.memref_squeeze %dma_wait3A_98 : memref<1x80x125xi32, #tpu.memory_space<hbm>> -> memref<80x125xi32, #tpu.memory_space<hbm>>
      tpu.wait_dma2 semaphore(%run_scoped3A_87 : memref<!tpu.dma_semaphore, #tpu.memory_space<semaphore_mem>>) src(%dma_wait3A_99 : memref<80x125xi32, #tpu.memory_space<hbm>>) dst(%arg7 : memref<80x125xi32, #tpu.memory_space<vmem>>)
      tpu.yield
    }) : () -> ()
    %barrier3A = arith.constant 0 : index
    tpu.barrier barrier_id(%barrier3A)
    %dma_start3A = arith.constant 0 : i32
    %dma_start3A_19 = arith.constant 0 : i32
    %dma_start3A_20 = arith.constant 0 : i32
    %dma_start3A_21 = arith.constant 0 : i32
    %dma_start3A_22 = arith.constant 0 : i32
    %dma_start3A_23 = tpu.memref_slice %arg8[%dma_start3A_19, %dma_start3A_21, %dma_start3A_22] : memref<4x125x32xf32, #tpu.memory_space<vmem>> -> memref<1x125x32xf32, #tpu.memory_space<vmem>>
    %dma_start3A_24 = tpu.memref_squeeze %dma_start3A_23 : memref<1x125x32xf32, #tpu.memory_space<vmem>> -> memref<125x32xf32, #tpu.memory_space<vmem>>
    %dma_start3A_25 = arith.constant 0 : i32
    %dma_start3A_26 = tpu.memref_slice %arg6[%dma_start3A, %dma_start3A_25] : memref<80x125xi32, #tpu.memory_space<vmem>> -> memref<1x125xi32, #tpu.memory_space<vmem>>
    %dma_start3A_27 = tpu.memref_squeeze %dma_start3A_26 : memref<1x125xi32, #tpu.memory_space<vmem>> -> memref<125xi32, #tpu.memory_space<vmem>>
    %dma_start3A_28 = arith.constant 0 : i32
    %dma_start3A_29 = arith.constant 0 : i32
    %dma_start3A_30 = tpu.memref_slice %arg2[%dma_start3A_28, %dma_start3A_29] : memref<10000x32xf32, #tpu.memory_space<hbm>> -> memref<10000x32xf32, #tpu.memory_space<hbm>>
    %dma_start3A_31 = tpu.memref_slice %arg10[%dma_start3A_20] : memref<4x!tpu.dma_semaphore, #tpu.memory_space<semaphore_mem>> -> memref<1x!tpu.dma_semaphore, #tpu.memory_space<semaphore_mem>>
    %dma_start3A_32 = tpu.memref_squeeze %dma_start3A_31 : memref<1x!tpu.dma_semaphore, #tpu.memory_space<semaphore_mem>> -> memref<!tpu.dma_semaphore, #tpu.memory_space<semaphore_mem>>
    tpu.enqueue_indirect_dma source(%dma_start3A_30 : memref<10000x32xf32, #tpu.memory_space<hbm>>) target(%dma_start3A_24 : memref<125x32xf32, #tpu.memory_space<vmem>>) offsets(%dma_start3A_27 : memref<125xi32, #tpu.memory_space<vmem>>) semaphore(%dma_start3A_32 : memref<!tpu.dma_semaphore, #tpu.memory_space<semaphore_mem>>)
    %dma_start3A_33 = arith.constant 1 : i32
    %dma_start3A_34 = arith.constant 1 : i32
    %dma_start3A_35 = arith.constant 1 : i32
    %dma_start3A_36 = arith.constant 0 : i32
    %dma_start3A_37 = arith.constant 0 : i32
    %dma_start3A_38 = tpu.memref_slice %arg8[%dma_start3A_34, %dma_start3A_36, %dma_start3A_37] : memref<4x125x32xf32, #tpu.memory_space<vmem>> -> memref<1x125x32xf32, #tpu.memory_space<vmem>>
    %dma_start3A_39 = tpu.memref_squeeze %dma_start3A_38 : memref<1x125x32xf32, #tpu.memory_space<vmem>> -> memref<125x32xf32, #tpu.memory_space<vmem>>
    %dma_start3A_40 = arith.constant 0 : i32
    %dma_start3A_41 = tpu.memref_slice %arg6[%dma_start3A_33, %dma_start3A_40] : memref<80x125xi32, #tpu.memory_space<vmem>> -> memref<1x125xi32, #tpu.memory_space<vmem>>
    %dma_start3A_42 = tpu.memref_squeeze %dma_start3A_41 : memref<1x125xi32, #tpu.memory_space<vmem>> -> memref<125xi32, #tpu.memory_space<vmem>>
    %dma_start3A_43 = arith.constant 0 : i32
    %dma_start3A_44 = arith.constant 0 : i32
    %dma_start3A_45 = tpu.memref_slice %arg2[%dma_start3A_43, %dma_start3A_44] : memref<10000x32xf32, #tpu.memory_space<hbm>> -> memref<10000x32xf32, #tpu.memory_space<hbm>>
    %dma_start3A_46 = tpu.memref_slice %arg10[%dma_start3A_35] : memref<4x!tpu.dma_semaphore, #tpu.memory_space<semaphore_mem>> -> memref<1x!tpu.dma_semaphore, #tpu.memory_space<semaphore_mem>>
    %dma_start3A_47 = tpu.memref_squeeze %dma_start3A_46 : memref<1x!tpu.dma_semaphore, #tpu.memory_space<semaphore_mem>> -> memref<!tpu.dma_semaphore, #tpu.memory_space<semaphore_mem>>
    tpu.enqueue_indirect_dma source(%dma_start3A_45 : memref<10000x32xf32, #tpu.memory_space<hbm>>) target(%dma_start3A_39 : memref<125x32xf32, #tpu.memory_space<vmem>>) offsets(%dma_start3A_42 : memref<125xi32, #tpu.memory_space<vmem>>) semaphore(%dma_start3A_47 : memref<!tpu.dma_semaphore, #tpu.memory_space<semaphore_mem>>)
    %scan3A = arith.constant 0 : i32
    %scan3A_48 = arith.constant 20 : i32
    %scan3A_49 = arith.addi %scan3A, %scan3A_48 : i32
    %scan3A_50 = arith.constant 1 : i32
    scf.for %scan3A_87 = %scan3A to %scan3A_49 step %scan3A_50  : i32 {
      %mul3A_88 = arith.constant 4 : i32
      %mul3A_89 = arith.muli %scan3A_87, %mul3A_88 : i32
      %add3A_90 = arith.constant 0 : i32
      %add3A_91 = arith.addi %add3A_90, %mul3A_89 : i32
      %add3A_92 = arith.constant 0 : i32
      %add3A_93 = arith.addi %add3A_91, %add3A_92 : i32
      %add3A_94 = arith.constant 2 : i32
      %add3A_95 = arith.addi %add3A_93, %add3A_94 : i32
      %ge3A = arith.constant 4 : i32
      %ge3A_96 = arith.cmpi sge, %add3A_95, %ge3A : i32
      %convert_element_type3A_97 = arith.extui %ge3A_96 : i1 to i32
      %cond3A_98 = arith.constant 0 : i32
      %cond3A_99 = arith.cmpi ne, %convert_element_type3A_97, %cond3A_98 : i32
      scf.if %cond3A_99 {
        %add3A_267 = arith.constant 2 : i32
        %add3A_268 = arith.addi %add3A_93, %add3A_267 : i32
        %sub3A = arith.constant 4 : i32
        %sub3A_269 = arith.subi %add3A_268, %sub3A : i32
        %dma_wait3A_270 = arith.constant 2 : i32
        %dma_wait3A_271 = arith.constant 2 : i32
        %dma_wait3A_272 = arith.constant 0 : i32
        %dma_wait3A_273 = arith.constant 0 : i32
        %dma_wait3A_274 = tpu.memref_slice %arg8[%dma_wait3A_270, %dma_wait3A_272, %dma_wait3A_273] : memref<4x125x32xf32, #tpu.memory_space<vmem>> -> memref<1x125x32xf32, #tpu.memory_space<vmem>>
        %dma_wait3A_275 = tpu.memref_squeeze %dma_wait3A_274 : memref<1x125x32xf32, #tpu.memory_space<vmem>> -> memref<125x32xf32, #tpu.memory_space<vmem>>
        %dma_wait3A_276 = arith.constant 0 : i32
        %dma_wait3A_277 = tpu.memref_slice %arg7[%sub3A_269, %dma_wait3A_276] : memref<80x125xi32, #tpu.memory_space<vmem>> -> memref<1x125xi32, #tpu.memory_space<vmem>>
        %dma_wait3A_278 = tpu.memref_squeeze %dma_wait3A_277 : memref<1x125xi32, #tpu.memory_space<vmem>> -> memref<125xi32, #tpu.memory_space<vmem>>
        %dma_wait3A_279 = arith.constant 0 : i32
        %dma_wait3A_280 = arith.constant 0 : i32
        %dma_wait3A_281 = tpu.memref_slice %arg9[%dma_wait3A_279, %dma_wait3A_280] : memref<10000x32xf32, #tpu.memory_space<vmem_shared>> -> memref<10000x32xf32, #tpu.memory_space<vmem_shared>>
        %dma_wait3A_282 = tpu.memref_slice %arg11[%dma_wait3A_271] : memref<4x!tpu.dma_semaphore, #tpu.memory_space<semaphore_mem>> -> memref<1x!tpu.dma_semaphore, #tpu.memory_space<semaphore_mem>>
        %dma_wait3A_283 = tpu.memref_squeeze %dma_wait3A_282 : memref<1x!tpu.dma_semaphore, #tpu.memory_space<semaphore_mem>> -> memref<!tpu.dma_semaphore, #tpu.memory_space<semaphore_mem>>
        tpu.wait_indirect_dma semaphore(%dma_wait3A_283 : memref<!tpu.dma_semaphore, #tpu.memory_space<semaphore_mem>>) src(%dma_wait3A_275 : memref<125x32xf32, #tpu.memory_space<vmem>>) dst(%dma_wait3A_281 : memref<10000x32xf32, #tpu.memory_space<vmem_shared>>)
      } else {
      }
      %add3A_100 = arith.constant 2 : i32
      %add3A_101 = arith.addi %add3A_93, %add3A_100 : i32
      %lt3A_102 = arith.constant 80 : i32
      %lt3A_103 = arith.cmpi slt, %add3A_101, %lt3A_102 : i32
      %convert_element_type3A_104 = arith.extui %lt3A_103 : i1 to i32
      %cond3A_105 = arith.constant 0 : i32
      %cond3A_106 = arith.cmpi ne, %convert_element_type3A_104, %cond3A_105 : i32
      scf.if %cond3A_106 {
        %add3A_267 = arith.constant 2 : i32
        %add3A_268 = arith.addi %add3A_93, %add3A_267 : i32
        %dma_start3A_269 = arith.constant 2 : i32
        %dma_start3A_270 = arith.constant 2 : i32
        %dma_start3A_271 = arith.constant 0 : i32
        %dma_start3A_272 = arith.constant 0 : i32
        %dma_start3A_273 = tpu.memref_slice %arg8[%dma_start3A_269, %dma_start3A_271, %dma_start3A_272] : memref<4x125x32xf32, #tpu.memory_space<vmem>> -> memref<1x125x32xf32, #tpu.memory_space<vmem>>
        %dma_start3A_274 = tpu.memref_squeeze %dma_start3A_273 : memref<1x125x32xf32, #tpu.memory_space<vmem>> -> memref<125x32xf32, #tpu.memory_space<vmem>>
        %dma_start3A_275 = arith.constant 0 : i32
        %dma_start3A_276 = tpu.memref_slice %arg6[%add3A_268, %dma_start3A_275] : memref<80x125xi32, #tpu.memory_space<vmem>> -> memref<1x125xi32, #tpu.memory_space<vmem>>
        %dma_start3A_277 = tpu.memref_squeeze %dma_start3A_276 : memref<1x125xi32, #tpu.memory_space<vmem>> -> memref<125xi32, #tpu.memory_space<vmem>>
        %dma_start3A_278 = arith.constant 0 : i32
        %dma_start3A_279 = arith.constant 0 : i32
        %dma_start3A_280 = tpu.memref_slice %arg2[%dma_start3A_278, %dma_start3A_279] : memref<10000x32xf32, #tpu.memory_space<hbm>> -> memref<10000x32xf32, #tpu.memory_space<hbm>>
        %dma_start3A_281 = tpu.memref_slice %arg10[%dma_start3A_270] : memref<4x!tpu.dma_semaphore, #tpu.memory_space<semaphore_mem>> -> memref<1x!tpu.dma_semaphore, #tpu.memory_space<semaphore_mem>>
        %dma_start3A_282 = tpu.memref_squeeze %dma_start3A_281 : memref<1x!tpu.dma_semaphore, #tpu.memory_space<semaphore_mem>> -> memref<!tpu.dma_semaphore, #tpu.memory_space<semaphore_mem>>
        tpu.enqueue_indirect_dma source(%dma_start3A_280 : memref<10000x32xf32, #tpu.memory_space<hbm>>) target(%dma_start3A_274 : memref<125x32xf32, #tpu.memory_space<vmem>>) offsets(%dma_start3A_277 : memref<125xi32, #tpu.memory_space<vmem>>) semaphore(%dma_start3A_282 : memref<!tpu.dma_semaphore, #tpu.memory_space<semaphore_mem>>)
      } else {
      }
      %dma_wait3A_107 = arith.constant 0 : i32
      %dma_wait3A_108 = arith.constant 0 : i32
      %dma_wait3A_109 = arith.constant 0 : i32
      %dma_wait3A_110 = arith.constant 0 : i32
      %dma_wait3A_111 = tpu.memref_slice %arg8[%dma_wait3A_107, %dma_wait3A_109, %dma_wait3A_110] : memref<4x125x32xf32, #tpu.memory_space<vmem>> -> memref<1x125x32xf32, #tpu.memory_space<vmem>>
      %dma_wait3A_112 = tpu.memref_squeeze %dma_wait3A_111 : memref<1x125x32xf32, #tpu.memory_space<vmem>> -> memref<125x32xf32, #tpu.memory_space<vmem>>
      %dma_wait3A_113 = arith.constant 0 : i32
      %dma_wait3A_114 = tpu.memref_slice %arg6[%add3A_93, %dma_wait3A_113] : memref<80x125xi32, #tpu.memory_space<vmem>> -> memref<1x125xi32, #tpu.memory_space<vmem>>
      %dma_wait3A_115 = tpu.memref_squeeze %dma_wait3A_114 : memref<1x125xi32, #tpu.memory_space<vmem>> -> memref<125xi32, #tpu.memory_space<vmem>>
      %dma_wait3A_116 = arith.constant 0 : i32
      %dma_wait3A_117 = arith.constant 0 : i32
      %dma_wait3A_118 = tpu.memref_slice %arg2[%dma_wait3A_116, %dma_wait3A_117] : memref<10000x32xf32, #tpu.memory_space<hbm>> -> memref<10000x32xf32, #tpu.memory_space<hbm>>
      %dma_wait3A_119 = tpu.memref_slice %arg10[%dma_wait3A_108] : memref<4x!tpu.dma_semaphore, #tpu.memory_space<semaphore_mem>> -> memref<1x!tpu.dma_semaphore, #tpu.memory_space<semaphore_mem>>
      %dma_wait3A_120 = tpu.memref_squeeze %dma_wait3A_119 : memref<1x!tpu.dma_semaphore, #tpu.memory_space<semaphore_mem>> -> memref<!tpu.dma_semaphore, #tpu.memory_space<semaphore_mem>>
      tpu.wait_indirect_dma semaphore(%dma_wait3A_120 : memref<!tpu.dma_semaphore, #tpu.memory_space<semaphore_mem>>) src(%dma_wait3A_118 : memref<10000x32xf32, #tpu.memory_space<hbm>>) dst(%dma_wait3A_112 : memref<125x32xf32, #tpu.memory_space<vmem>>)
      %dma_start3A_121 = arith.constant 0 : i32
      %dma_start3A_122 = arith.constant 0 : i32
      %dma_start3A_123 = arith.constant 0 : i32
      %dma_start3A_124 = arith.constant 0 : i32
      %dma_start3A_125 = tpu.memref_slice %arg8[%dma_start3A_121, %dma_start3A_123, %dma_start3A_124] : memref<4x125x32xf32, #tpu.memory_space<vmem>> -> memref<1x125x32xf32, #tpu.memory_space<vmem>>
      %dma_start3A_126 = tpu.memref_squeeze %dma_start3A_125 : memref<1x125x32xf32, #tpu.memory_space<vmem>> -> memref<125x32xf32, #tpu.memory_space<vmem>>
      %dma_start3A_127 = arith.constant 0 : i32
      %dma_start3A_128 = tpu.memref_slice %arg7[%add3A_93, %dma_start3A_127] : memref<80x125xi32, #tpu.memory_space<vmem>> -> memref<1x125xi32, #tpu.memory_space<vmem>>
      %dma_start3A_129 = tpu.memref_squeeze %dma_start3A_128 : memref<1x125xi32, #tpu.memory_space<vmem>> -> memref<125xi32, #tpu.memory_space<vmem>>
      %dma_start3A_130 = arith.constant 0 : i32
      %dma_start3A_131 = arith.constant 0 : i32
      %dma_start3A_132 = tpu.memref_slice %arg9[%dma_start3A_130, %dma_start3A_131] : memref<10000x32xf32, #tpu.memory_space<vmem_shared>> -> memref<10000x32xf32, #tpu.memory_space<vmem_shared>>
      %dma_start3A_133 = tpu.memref_slice %arg11[%dma_start3A_122] : memref<4x!tpu.dma_semaphore, #tpu.memory_space<semaphore_mem>> -> memref<1x!tpu.dma_semaphore, #tpu.memory_space<semaphore_mem>>
      %dma_start3A_134 = tpu.memref_squeeze %dma_start3A_133 : memref<1x!tpu.dma_semaphore, #tpu.memory_space<semaphore_mem>> -> memref<!tpu.dma_semaphore, #tpu.memory_space<semaphore_mem>>
      tpu.enqueue_indirect_dma source(%dma_start3A_126 : memref<125x32xf32, #tpu.memory_space<vmem>>) target(%dma_start3A_132 : memref<10000x32xf32, #tpu.memory_space<vmem_shared>>) offsets(%dma_start3A_129 : memref<125xi32, #tpu.memory_space<vmem>>) semaphore(%dma_start3A_134 : memref<!tpu.dma_semaphore, #tpu.memory_space<semaphore_mem>>) {add = true}
      %add3A_135 = arith.constant 1 : i32
      %add3A_136 = arith.addi %add3A_91, %add3A_135 : i32
      %add3A_137 = arith.constant 2 : i32
      %add3A_138 = arith.addi %add3A_136, %add3A_137 : i32
      %ge3A_139 = arith.constant 4 : i32
      %ge3A_140 = arith.cmpi sge, %add3A_138, %ge3A_139 : i32
      %convert_element_type3A_141 = arith.extui %ge3A_140 : i1 to i32
      %cond3A_142 = arith.constant 0 : i32
      %cond3A_143 = arith.cmpi ne, %convert_element_type3A_141, %cond3A_142 : i32
      scf.if %cond3A_143 {
        %add3A_267 = arith.constant 2 : i32
        %add3A_268 = arith.addi %add3A_136, %add3A_267 : i32
        %sub3A = arith.constant 4 : i32
        %sub3A_269 = arith.subi %add3A_268, %sub3A : i32
        %dma_wait3A_270 = arith.constant 3 : i32
        %dma_wait3A_271 = arith.constant 3 : i32
        %dma_wait3A_272 = arith.constant 0 : i32
        %dma_wait3A_273 = arith.constant 0 : i32
        %dma_wait3A_274 = tpu.memref_slice %arg8[%dma_wait3A_270, %dma_wait3A_272, %dma_wait3A_273] : memref<4x125x32xf32, #tpu.memory_space<vmem>> -> memref<1x125x32xf32, #tpu.memory_space<vmem>>
        %dma_wait3A_275 = tpu.memref_squeeze %dma_wait3A_274 : memref<1x125x32xf32, #tpu.memory_space<vmem>> -> memref<125x32xf32, #tpu.memory_space<vmem>>
        %dma_wait3A_276 = arith.constant 0 : i32
        %dma_wait3A_277 = tpu.memref_slice %arg7[%sub3A_269, %dma_wait3A_276] : memref<80x125xi32, #tpu.memory_space<vmem>> -> memref<1x125xi32, #tpu.memory_space<vmem>>
        %dma_wait3A_278 = tpu.memref_squeeze %dma_wait3A_277 : memref<1x125xi32, #tpu.memory_space<vmem>> -> memref<125xi32, #tpu.memory_space<vmem>>
        %dma_wait3A_279 = arith.constant 0 : i32
        %dma_wait3A_280 = arith.constant 0 : i32
        %dma_wait3A_281 = tpu.memref_slice %arg9[%dma_wait3A_279, %dma_wait3A_280] : memref<10000x32xf32, #tpu.memory_space<vmem_shared>> -> memref<10000x32xf32, #tpu.memory_space<vmem_shared>>
        %dma_wait3A_282 = tpu.memref_slice %arg11[%dma_wait3A_271] : memref<4x!tpu.dma_semaphore, #tpu.memory_space<semaphore_mem>> -> memref<1x!tpu.dma_semaphore, #tpu.memory_space<semaphore_mem>>
        %dma_wait3A_283 = tpu.memref_squeeze %dma_wait3A_282 : memref<1x!tpu.dma_semaphore, #tpu.memory_space<semaphore_mem>> -> memref<!tpu.dma_semaphore, #tpu.memory_space<semaphore_mem>>
        tpu.wait_indirect_dma semaphore(%dma_wait3A_283 : memref<!tpu.dma_semaphore, #tpu.memory_space<semaphore_mem>>) src(%dma_wait3A_275 : memref<125x32xf32, #tpu.memory_space<vmem>>) dst(%dma_wait3A_281 : memref<10000x32xf32, #tpu.memory_space<vmem_shared>>)
      } else {
      }
      %add3A_144 = arith.constant 2 : i32
      %add3A_145 = arith.addi %add3A_136, %add3A_144 : i32
      %lt3A_146 = arith.constant 80 : i32
      %lt3A_147 = arith.cmpi slt, %add3A_145, %lt3A_146 : i32
      %convert_element_type3A_148 = arith.extui %lt3A_147 : i1 to i32
      %cond3A_149 = arith.constant 0 : i32
      %cond3A_150 = arith.cmpi ne, %convert_element_type3A_148, %cond3A_149 : i32
      scf.if %cond3A_150 {
        %add3A_267 = arith.constant 2 : i32
        %add3A_268 = arith.addi %add3A_136, %add3A_267 : i32
        %dma_start3A_269 = arith.constant 3 : i32
        %dma_start3A_270 = arith.constant 3 : i32
        %dma_start3A_271 = arith.constant 0 : i32
        %dma_start3A_272 = arith.constant 0 : i32
        %dma_start3A_273 = tpu.memref_slice %arg8[%dma_start3A_269, %dma_start3A_271, %dma_start3A_272] : memref<4x125x32xf32, #tpu.memory_space<vmem>> -> memref<1x125x32xf32, #tpu.memory_space<vmem>>
        %dma_start3A_274 = tpu.memref_squeeze %dma_start3A_273 : memref<1x125x32xf32, #tpu.memory_space<vmem>> -> memref<125x32xf32, #tpu.memory_space<vmem>>
        %dma_start3A_275 = arith.constant 0 : i32
        %dma_start3A_276 = tpu.memref_slice %arg6[%add3A_268, %dma_start3A_275] : memref<80x125xi32, #tpu.memory_space<vmem>> -> memref<1x125xi32, #tpu.memory_space<vmem>>
        %dma_start3A_277 = tpu.memref_squeeze %dma_start3A_276 : memref<1x125xi32, #tpu.memory_space<vmem>> -> memref<125xi32, #tpu.memory_space<vmem>>
        %dma_start3A_278 = arith.constant 0 : i32
        %dma_start3A_279 = arith.constant 0 : i32
        %dma_start3A_280 = tpu.memref_slice %arg2[%dma_start3A_278, %dma_start3A_279] : memref<10000x32xf32, #tpu.memory_space<hbm>> -> memref<10000x32xf32, #tpu.memory_space<hbm>>
        %dma_start3A_281 = tpu.memref_slice %arg10[%dma_start3A_270] : memref<4x!tpu.dma_semaphore, #tpu.memory_space<semaphore_mem>> -> memref<1x!tpu.dma_semaphore, #tpu.memory_space<semaphore_mem>>
        %dma_start3A_282 = tpu.memref_squeeze %dma_start3A_281 : memref<1x!tpu.dma_semaphore, #tpu.memory_space<semaphore_mem>> -> memref<!tpu.dma_semaphore, #tpu.memory_space<semaphore_mem>>
        tpu.enqueue_indirect_dma source(%dma_start3A_280 : memref<10000x32xf32, #tpu.memory_space<hbm>>) target(%dma_start3A_274 : memref<125x32xf32, #tpu.memory_space<vmem>>) offsets(%dma_start3A_277 : memref<125xi32, #tpu.memory_space<vmem>>) semaphore(%dma_start3A_282 : memref<!tpu.dma_semaphore, #tpu.memory_space<semaphore_mem>>)
      } else {
      }
      %dma_wait3A_151 = arith.constant 1 : i32
      %dma_wait3A_152 = arith.constant 1 : i32
      %dma_wait3A_153 = arith.constant 0 : i32
      %dma_wait3A_154 = arith.constant 0 : i32
      %dma_wait3A_155 = tpu.memref_slice %arg8[%dma_wait3A_151, %dma_wait3A_153, %dma_wait3A_154] : memref<4x125x32xf32, #tpu.memory_space<vmem>> -> memref<1x125x32xf32, #tpu.memory_space<vmem>>
      %dma_wait3A_156 = tpu.memref_squeeze %dma_wait3A_155 : memref<1x125x32xf32, #tpu.memory_space<vmem>> -> memref<125x32xf32, #tpu.memory_space<vmem>>
      %dma_wait3A_157 = arith.constant 0 : i32
      %dma_wait3A_158 = tpu.memref_slice %arg6[%add3A_136, %dma_wait3A_157] : memref<80x125xi32, #tpu.memory_space<vmem>> -> memref<1x125xi32, #tpu.memory_space<vmem>>
      %dma_wait3A_159 = tpu.memref_squeeze %dma_wait3A_158 : memref<1x125xi32, #tpu.memory_space<vmem>> -> memref<125xi32, #tpu.memory_space<vmem>>
      %dma_wait3A_160 = arith.constant 0 : i32
      %dma_wait3A_161 = arith.constant 0 : i32
      %dma_wait3A_162 = tpu.memref_slice %arg2[%dma_wait3A_160, %dma_wait3A_161] : memref<10000x32xf32, #tpu.memory_space<hbm>> -> memref<10000x32xf32, #tpu.memory_space<hbm>>
      %dma_wait3A_163 = tpu.memref_slice %arg10[%dma_wait3A_152] : memref<4x!tpu.dma_semaphore, #tpu.memory_space<semaphore_mem>> -> memref<1x!tpu.dma_semaphore, #tpu.memory_space<semaphore_mem>>
      %dma_wait3A_164 = tpu.memref_squeeze %dma_wait3A_163 : memref<1x!tpu.dma_semaphore, #tpu.memory_space<semaphore_mem>> -> memref<!tpu.dma_semaphore, #tpu.memory_space<semaphore_mem>>
      tpu.wait_indirect_dma semaphore(%dma_wait3A_164 : memref<!tpu.dma_semaphore, #tpu.memory_space<semaphore_mem>>) src(%dma_wait3A_162 : memref<10000x32xf32, #tpu.memory_space<hbm>>) dst(%dma_wait3A_156 : memref<125x32xf32, #tpu.memory_space<vmem>>)
      %dma_start3A_165 = arith.constant 1 : i32
      %dma_start3A_166 = arith.constant 1 : i32
      %dma_start3A_167 = arith.constant 0 : i32
      %dma_start3A_168 = arith.constant 0 : i32
      %dma_start3A_169 = tpu.memref_slice %arg8[%dma_start3A_165, %dma_start3A_167, %dma_start3A_168] : memref<4x125x32xf32, #tpu.memory_space<vmem>> -> memref<1x125x32xf32, #tpu.memory_space<vmem>>
      %dma_start3A_170 = tpu.memref_squeeze %dma_start3A_169 : memref<1x125x32xf32, #tpu.memory_space<vmem>> -> memref<125x32xf32, #tpu.memory_space<vmem>>
      %dma_start3A_171 = arith.constant 0 : i32
      %dma_start3A_172 = tpu.memref_slice %arg7[%add3A_136, %dma_start3A_171] : memref<80x125xi32, #tpu.memory_space<vmem>> -> memref<1x125xi32, #tpu.memory_space<vmem>>
      %dma_start3A_173 = tpu.memref_squeeze %dma_start3A_172 : memref<1x125xi32, #tpu.memory_space<vmem>> -> memref<125xi32, #tpu.memory_space<vmem>>
      %dma_start3A_174 = arith.constant 0 : i32
      %dma_start3A_175 = arith.constant 0 : i32
      %dma_start3A_176 = tpu.memref_slice %arg9[%dma_start3A_174, %dma_start3A_175] : memref<10000x32xf32, #tpu.memory_space<vmem_shared>> -> memref<10000x32xf32, #tpu.memory_space<vmem_shared>>
      %dma_start3A_177 = tpu.memref_slice %arg11[%dma_start3A_166] : memref<4x!tpu.dma_semaphore, #tpu.memory_space<semaphore_mem>> -> memref<1x!tpu.dma_semaphore, #tpu.memory_space<semaphore_mem>>
      %dma_start3A_178 = tpu.memref_squeeze %dma_start3A_177 : memref<1x!tpu.dma_semaphore, #tpu.memory_space<semaphore_mem>> -> memref<!tpu.dma_semaphore, #tpu.memory_space<semaphore_mem>>
      tpu.enqueue_indirect_dma source(%dma_start3A_170 : memref<125x32xf32, #tpu.memory_space<vmem>>) target(%dma_start3A_176 : memref<10000x32xf32, #tpu.memory_space<vmem_shared>>) offsets(%dma_start3A_173 : memref<125xi32, #tpu.memory_space<vmem>>) semaphore(%dma_start3A_178 : memref<!tpu.dma_semaphore, #tpu.memory_space<semaphore_mem>>) {add = true}
      %add3A_179 = arith.constant 2 : i32
      %add3A_180 = arith.addi %add3A_91, %add3A_179 : i32
      %add3A_181 = arith.constant 2 : i32
      %add3A_182 = arith.addi %add3A_180, %add3A_181 : i32
      %ge3A_183 = arith.constant 4 : i32
      %ge3A_184 = arith.cmpi sge, %add3A_182, %ge3A_183 : i32
      %convert_element_type3A_185 = arith.extui %ge3A_184 : i1 to i32
      %cond3A_186 = arith.constant 0 : i32
      %cond3A_187 = arith.cmpi ne, %convert_element_type3A_185, %cond3A_186 : i32
      scf.if %cond3A_187 {
        %add3A_267 = arith.constant 2 : i32
        %add3A_268 = arith.addi %add3A_180, %add3A_267 : i32
        %sub3A = arith.constant 4 : i32
        %sub3A_269 = arith.subi %add3A_268, %sub3A : i32
        %dma_wait3A_270 = arith.constant 0 : i32
        %dma_wait3A_271 = arith.constant 0 : i32
        %dma_wait3A_272 = arith.constant 0 : i32
        %dma_wait3A_273 = arith.constant 0 : i32
        %dma_wait3A_274 = tpu.memref_slice %arg8[%dma_wait3A_270, %dma_wait3A_272, %dma_wait3A_273] : memref<4x125x32xf32, #tpu.memory_space<vmem>> -> memref<1x125x32xf32, #tpu.memory_space<vmem>>
        %dma_wait3A_275 = tpu.memref_squeeze %dma_wait3A_274 : memref<1x125x32xf32, #tpu.memory_space<vmem>> -> memref<125x32xf32, #tpu.memory_space<vmem>>
        %dma_wait3A_276 = arith.constant 0 : i32
        %dma_wait3A_277 = tpu.memref_slice %arg7[%sub3A_269, %dma_wait3A_276] : memref<80x125xi32, #tpu.memory_space<vmem>> -> memref<1x125xi32, #tpu.memory_space<vmem>>
        %dma_wait3A_278 = tpu.memref_squeeze %dma_wait3A_277 : memref<1x125xi32, #tpu.memory_space<vmem>> -> memref<125xi32, #tpu.memory_space<vmem>>
        %dma_wait3A_279 = arith.constant 0 : i32
        %dma_wait3A_280 = arith.constant 0 : i32
        %dma_wait3A_281 = tpu.memref_slice %arg9[%dma_wait3A_279, %dma_wait3A_280] : memref<10000x32xf32, #tpu.memory_space<vmem_shared>> -> memref<10000x32xf32, #tpu.memory_space<vmem_shared>>
        %dma_wait3A_282 = tpu.memref_slice %arg11[%dma_wait3A_271] : memref<4x!tpu.dma_semaphore, #tpu.memory_space<semaphore_mem>> -> memref<1x!tpu.dma_semaphore, #tpu.memory_space<semaphore_mem>>
        %dma_wait3A_283 = tpu.memref_squeeze %dma_wait3A_282 : memref<1x!tpu.dma_semaphore, #tpu.memory_space<semaphore_mem>> -> memref<!tpu.dma_semaphore, #tpu.memory_space<semaphore_mem>>
        tpu.wait_indirect_dma semaphore(%dma_wait3A_283 : memref<!tpu.dma_semaphore, #tpu.memory_space<semaphore_mem>>) src(%dma_wait3A_275 : memref<125x32xf32, #tpu.memory_space<vmem>>) dst(%dma_wait3A_281 : memref<10000x32xf32, #tpu.memory_space<vmem_shared>>)
      } else {
      }
      %add3A_188 = arith.constant 2 : i32
      %add3A_189 = arith.addi %add3A_180, %add3A_188 : i32
      %lt3A_190 = arith.constant 80 : i32
      %lt3A_191 = arith.cmpi slt, %add3A_189, %lt3A_190 : i32
      %convert_element_type3A_192 = arith.extui %lt3A_191 : i1 to i32
      %cond3A_193 = arith.constant 0 : i32
      %cond3A_194 = arith.cmpi ne, %convert_element_type3A_192, %cond3A_193 : i32
      scf.if %cond3A_194 {
        %add3A_267 = arith.constant 2 : i32
        %add3A_268 = arith.addi %add3A_180, %add3A_267 : i32
        %dma_start3A_269 = arith.constant 0 : i32
        %dma_start3A_270 = arith.constant 0 : i32
        %dma_start3A_271 = arith.constant 0 : i32
        %dma_start3A_272 = arith.constant 0 : i32
        %dma_start3A_273 = tpu.memref_slice %arg8[%dma_start3A_269, %dma_start3A_271, %dma_start3A_272] : memref<4x125x32xf32, #tpu.memory_space<vmem>> -> memref<1x125x32xf32, #tpu.memory_space<vmem>>
        %dma_start3A_274 = tpu.memref_squeeze %dma_start3A_273 : memref<1x125x32xf32, #tpu.memory_space<vmem>> -> memref<125x32xf32, #tpu.memory_space<vmem>>
        %dma_start3A_275 = arith.constant 0 : i32
        %dma_start3A_276 = tpu.memref_slice %arg6[%add3A_268, %dma_start3A_275] : memref<80x125xi32, #tpu.memory_space<vmem>> -> memref<1x125xi32, #tpu.memory_space<vmem>>
        %dma_start3A_277 = tpu.memref_squeeze %dma_start3A_276 : memref<1x125xi32, #tpu.memory_space<vmem>> -> memref<125xi32, #tpu.memory_space<vmem>>
        %dma_start3A_278 = arith.constant 0 : i32
        %dma_start3A_279 = arith.constant 0 : i32
        %dma_start3A_280 = tpu.memref_slice %arg2[%dma_start3A_278, %dma_start3A_279] : memref<10000x32xf32, #tpu.memory_space<hbm>> -> memref<10000x32xf32, #tpu.memory_space<hbm>>
        %dma_start3A_281 = tpu.memref_slice %arg10[%dma_start3A_270] : memref<4x!tpu.dma_semaphore, #tpu.memory_space<semaphore_mem>> -> memref<1x!tpu.dma_semaphore, #tpu.memory_space<semaphore_mem>>
        %dma_start3A_282 = tpu.memref_squeeze %dma_start3A_281 : memref<1x!tpu.dma_semaphore, #tpu.memory_space<semaphore_mem>> -> memref<!tpu.dma_semaphore, #tpu.memory_space<semaphore_mem>>
        tpu.enqueue_indirect_dma source(%dma_start3A_280 : memref<10000x32xf32, #tpu.memory_space<hbm>>) target(%dma_start3A_274 : memref<125x32xf32, #tpu.memory_space<vmem>>) offsets(%dma_start3A_277 : memref<125xi32, #tpu.memory_space<vmem>>) semaphore(%dma_start3A_282 : memref<!tpu.dma_semaphore, #tpu.memory_space<semaphore_mem>>)
      } else {
      }
      %dma_wait3A_195 = arith.constant 2 : i32
      %dma_wait3A_196 = arith.constant 2 : i32
      %dma_wait3A_197 = arith.constant 0 : i32
      %dma_wait3A_198 = arith.constant 0 : i32
      %dma_wait3A_199 = tpu.memref_slice %arg8[%dma_wait3A_195, %dma_wait3A_197, %dma_wait3A_198] : memref<4x125x32xf32, #tpu.memory_space<vmem>> -> memref<1x125x32xf32, #tpu.memory_space<vmem>>
      %dma_wait3A_200 = tpu.memref_squeeze %dma_wait3A_199 : memref<1x125x32xf32, #tpu.memory_space<vmem>> -> memref<125x32xf32, #tpu.memory_space<vmem>>
      %dma_wait3A_201 = arith.constant 0 : i32
      %dma_wait3A_202 = tpu.memref_slice %arg6[%add3A_180, %dma_wait3A_201] : memref<80x125xi32, #tpu.memory_space<vmem>> -> memref<1x125xi32, #tpu.memory_space<vmem>>
      %dma_wait3A_203 = tpu.memref_squeeze %dma_wait3A_202 : memref<1x125xi32, #tpu.memory_space<vmem>> -> memref<125xi32, #tpu.memory_space<vmem>>
      %dma_wait3A_204 = arith.constant 0 : i32
      %dma_wait3A_205 = arith.constant 0 : i32
      %dma_wait3A_206 = tpu.memref_slice %arg2[%dma_wait3A_204, %dma_wait3A_205] : memref<10000x32xf32, #tpu.memory_space<hbm>> -> memref<10000x32xf32, #tpu.memory_space<hbm>>
      %dma_wait3A_207 = tpu.memref_slice %arg10[%dma_wait3A_196] : memref<4x!tpu.dma_semaphore, #tpu.memory_space<semaphore_mem>> -> memref<1x!tpu.dma_semaphore, #tpu.memory_space<semaphore_mem>>
      %dma_wait3A_208 = tpu.memref_squeeze %dma_wait3A_207 : memref<1x!tpu.dma_semaphore, #tpu.memory_space<semaphore_mem>> -> memref<!tpu.dma_semaphore, #tpu.memory_space<semaphore_mem>>
      tpu.wait_indirect_dma semaphore(%dma_wait3A_208 : memref<!tpu.dma_semaphore, #tpu.memory_space<semaphore_mem>>) src(%dma_wait3A_206 : memref<10000x32xf32, #tpu.memory_space<hbm>>) dst(%dma_wait3A_200 : memref<125x32xf32, #tpu.memory_space<vmem>>)
      %dma_start3A_209 = arith.constant 2 : i32
      %dma_start3A_210 = arith.constant 2 : i32
      %dma_start3A_211 = arith.constant 0 : i32
      %dma_start3A_212 = arith.constant 0 : i32
      %dma_start3A_213 = tpu.memref_slice %arg8[%dma_start3A_209, %dma_start3A_211, %dma_start3A_212] : memref<4x125x32xf32, #tpu.memory_space<vmem>> -> memref<1x125x32xf32, #tpu.memory_space<vmem>>
      %dma_start3A_214 = tpu.memref_squeeze %dma_start3A_213 : memref<1x125x32xf32, #tpu.memory_space<vmem>> -> memref<125x32xf32, #tpu.memory_space<vmem>>
      %dma_start3A_215 = arith.constant 0 : i32
      %dma_start3A_216 = tpu.memref_slice %arg7[%add3A_180, %dma_start3A_215] : memref<80x125xi32, #tpu.memory_space<vmem>> -> memref<1x125xi32, #tpu.memory_space<vmem>>
      %dma_start3A_217 = tpu.memref_squeeze %dma_start3A_216 : memref<1x125xi32, #tpu.memory_space<vmem>> -> memref<125xi32, #tpu.memory_space<vmem>>
      %dma_start3A_218 = arith.constant 0 : i32
      %dma_start3A_219 = arith.constant 0 : i32
      %dma_start3A_220 = tpu.memref_slice %arg9[%dma_start3A_218, %dma_start3A_219] : memref<10000x32xf32, #tpu.memory_space<vmem_shared>> -> memref<10000x32xf32, #tpu.memory_space<vmem_shared>>
      %dma_start3A_221 = tpu.memref_slice %arg11[%dma_start3A_210] : memref<4x!tpu.dma_semaphore, #tpu.memory_space<semaphore_mem>> -> memref<1x!tpu.dma_semaphore, #tpu.memory_space<semaphore_mem>>
      %dma_start3A_222 = tpu.memref_squeeze %dma_start3A_221 : memref<1x!tpu.dma_semaphore, #tpu.memory_space<semaphore_mem>> -> memref<!tpu.dma_semaphore, #tpu.memory_space<semaphore_mem>>
      tpu.enqueue_indirect_dma source(%dma_start3A_214 : memref<125x32xf32, #tpu.memory_space<vmem>>) target(%dma_start3A_220 : memref<10000x32xf32, #tpu.memory_space<vmem_shared>>) offsets(%dma_start3A_217 : memref<125xi32, #tpu.memory_space<vmem>>) semaphore(%dma_start3A_222 : memref<!tpu.dma_semaphore, #tpu.memory_space<semaphore_mem>>) {add = true}
      %add3A_223 = arith.constant 3 : i32
      %add3A_224 = arith.addi %add3A_91, %add3A_223 : i32
      %add3A_225 = arith.constant 2 : i32
      %add3A_226 = arith.addi %add3A_224, %add3A_225 : i32
      %ge3A_227 = arith.constant 4 : i32
      %ge3A_228 = arith.cmpi sge, %add3A_226, %ge3A_227 : i32
      %convert_element_type3A_229 = arith.extui %ge3A_228 : i1 to i32
      %cond3A_230 = arith.constant 0 : i32
      %cond3A_231 = arith.cmpi ne, %convert_element_type3A_229, %cond3A_230 : i32
      scf.if %cond3A_231 {
        %add3A_267 = arith.constant 2 : i32
        %add3A_268 = arith.addi %add3A_224, %add3A_267 : i32
        %sub3A = arith.constant 4 : i32
        %sub3A_269 = arith.subi %add3A_268, %sub3A : i32
        %dma_wait3A_270 = arith.constant 1 : i32
        %dma_wait3A_271 = arith.constant 1 : i32
        %dma_wait3A_272 = arith.constant 0 : i32
        %dma_wait3A_273 = arith.constant 0 : i32
        %dma_wait3A_274 = tpu.memref_slice %arg8[%dma_wait3A_270, %dma_wait3A_272, %dma_wait3A_273] : memref<4x125x32xf32, #tpu.memory_space<vmem>> -> memref<1x125x32xf32, #tpu.memory_space<vmem>>
        %dma_wait3A_275 = tpu.memref_squeeze %dma_wait3A_274 : memref<1x125x32xf32, #tpu.memory_space<vmem>> -> memref<125x32xf32, #tpu.memory_space<vmem>>
        %dma_wait3A_276 = arith.constant 0 : i32
        %dma_wait3A_277 = tpu.memref_slice %arg7[%sub3A_269, %dma_wait3A_276] : memref<80x125xi32, #tpu.memory_space<vmem>> -> memref<1x125xi32, #tpu.memory_space<vmem>>
        %dma_wait3A_278 = tpu.memref_squeeze %dma_wait3A_277 : memref<1x125xi32, #tpu.memory_space<vmem>> -> memref<125xi32, #tpu.memory_space<vmem>>
        %dma_wait3A_279 = arith.constant 0 : i32
        %dma_wait3A_280 = arith.constant 0 : i32
        %dma_wait3A_281 = tpu.memref_slice %arg9[%dma_wait3A_279, %dma_wait3A_280] : memref<10000x32xf32, #tpu.memory_space<vmem_shared>> -> memref<10000x32xf32, #tpu.memory_space<vmem_shared>>
        %dma_wait3A_282 = tpu.memref_slice %arg11[%dma_wait3A_271] : memref<4x!tpu.dma_semaphore, #tpu.memory_space<semaphore_mem>> -> memref<1x!tpu.dma_semaphore, #tpu.memory_space<semaphore_mem>>
        %dma_wait3A_283 = tpu.memref_squeeze %dma_wait3A_282 : memref<1x!tpu.dma_semaphore, #tpu.memory_space<semaphore_mem>> -> memref<!tpu.dma_semaphore, #tpu.memory_space<semaphore_mem>>
        tpu.wait_indirect_dma semaphore(%dma_wait3A_283 : memref<!tpu.dma_semaphore, #tpu.memory_space<semaphore_mem>>) src(%dma_wait3A_275 : memref<125x32xf32, #tpu.memory_space<vmem>>) dst(%dma_wait3A_281 : memref<10000x32xf32, #tpu.memory_space<vmem_shared>>)
      } else {
      }
      %add3A_232 = arith.constant 2 : i32
      %add3A_233 = arith.addi %add3A_224, %add3A_232 : i32
      %lt3A_234 = arith.constant 80 : i32
      %lt3A_235 = arith.cmpi slt, %add3A_233, %lt3A_234 : i32
      %convert_element_type3A_236 = arith.extui %lt3A_235 : i1 to i32
      %cond3A_237 = arith.constant 0 : i32
      %cond3A_238 = arith.cmpi ne, %convert_element_type3A_236, %cond3A_237 : i32
      scf.if %cond3A_238 {
        %add3A_267 = arith.constant 2 : i32
        %add3A_268 = arith.addi %add3A_224, %add3A_267 : i32
        %dma_start3A_269 = arith.constant 1 : i32
        %dma_start3A_270 = arith.constant 1 : i32
        %dma_start3A_271 = arith.constant 0 : i32
        %dma_start3A_272 = arith.constant 0 : i32
        %dma_start3A_273 = tpu.memref_slice %arg8[%dma_start3A_269, %dma_start3A_271, %dma_start3A_272] : memref<4x125x32xf32, #tpu.memory_space<vmem>> -> memref<1x125x32xf32, #tpu.memory_space<vmem>>
        %dma_start3A_274 = tpu.memref_squeeze %dma_start3A_273 : memref<1x125x32xf32, #tpu.memory_space<vmem>> -> memref<125x32xf32, #tpu.memory_space<vmem>>
        %dma_start3A_275 = arith.constant 0 : i32
        %dma_start3A_276 = tpu.memref_slice %arg6[%add3A_268, %dma_start3A_275] : memref<80x125xi32, #tpu.memory_space<vmem>> -> memref<1x125xi32, #tpu.memory_space<vmem>>
        %dma_start3A_277 = tpu.memref_squeeze %dma_start3A_276 : memref<1x125xi32, #tpu.memory_space<vmem>> -> memref<125xi32, #tpu.memory_space<vmem>>
        %dma_start3A_278 = arith.constant 0 : i32
        %dma_start3A_279 = arith.constant 0 : i32
        %dma_start3A_280 = tpu.memref_slice %arg2[%dma_start3A_278, %dma_start3A_279] : memref<10000x32xf32, #tpu.memory_space<hbm>> -> memref<10000x32xf32, #tpu.memory_space<hbm>>
        %dma_start3A_281 = tpu.memref_slice %arg10[%dma_start3A_270] : memref<4x!tpu.dma_semaphore, #tpu.memory_space<semaphore_mem>> -> memref<1x!tpu.dma_semaphore, #tpu.memory_space<semaphore_mem>>
        %dma_start3A_282 = tpu.memref_squeeze %dma_start3A_281 : memref<1x!tpu.dma_semaphore, #tpu.memory_space<semaphore_mem>> -> memref<!tpu.dma_semaphore, #tpu.memory_space<semaphore_mem>>
        tpu.enqueue_indirect_dma source(%dma_start3A_280 : memref<10000x32xf32, #tpu.memory_space<hbm>>) target(%dma_start3A_274 : memref<125x32xf32, #tpu.memory_space<vmem>>) offsets(%dma_start3A_277 : memref<125xi32, #tpu.memory_space<vmem>>) semaphore(%dma_start3A_282 : memref<!tpu.dma_semaphore, #tpu.memory_space<semaphore_mem>>)
      } else {
      }
      %dma_wait3A_239 = arith.constant 3 : i32
      %dma_wait3A_240 = arith.constant 3 : i32
      %dma_wait3A_241 = arith.constant 0 : i32
      %dma_wait3A_242 = arith.constant 0 : i32
      %dma_wait3A_243 = tpu.memref_slice %arg8[%dma_wait3A_239, %dma_wait3A_241, %dma_wait3A_242] : memref<4x125x32xf32, #tpu.memory_space<vmem>> -> memref<1x125x32xf32, #tpu.memory_space<vmem>>
      %dma_wait3A_244 = tpu.memref_squeeze %dma_wait3A_243 : memref<1x125x32xf32, #tpu.memory_space<vmem>> -> memref<125x32xf32, #tpu.memory_space<vmem>>
      %dma_wait3A_245 = arith.constant 0 : i32
      %dma_wait3A_246 = tpu.memref_slice %arg6[%add3A_224, %dma_wait3A_245] : memref<80x125xi32, #tpu.memory_space<vmem>> -> memref<1x125xi32, #tpu.memory_space<vmem>>
      %dma_wait3A_247 = tpu.memref_squeeze %dma_wait3A_246 : memref<1x125xi32, #tpu.memory_space<vmem>> -> memref<125xi32, #tpu.memory_space<vmem>>
      %dma_wait3A_248 = arith.constant 0 : i32
      %dma_wait3A_249 = arith.constant 0 : i32
      %dma_wait3A_250 = tpu.memref_slice %arg2[%dma_wait3A_248, %dma_wait3A_249] : memref<10000x32xf32, #tpu.memory_space<hbm>> -> memref<10000x32xf32, #tpu.memory_space<hbm>>
      %dma_wait3A_251 = tpu.memref_slice %arg10[%dma_wait3A_240] : memref<4x!tpu.dma_semaphore, #tpu.memory_space<semaphore_mem>> -> memref<1x!tpu.dma_semaphore, #tpu.memory_space<semaphore_mem>>
      %dma_wait3A_252 = tpu.memref_squeeze %dma_wait3A_251 : memref<1x!tpu.dma_semaphore, #tpu.memory_space<semaphore_mem>> -> memref<!tpu.dma_semaphore, #tpu.memory_space<semaphore_mem>>
      tpu.wait_indirect_dma semaphore(%dma_wait3A_252 : memref<!tpu.dma_semaphore, #tpu.memory_space<semaphore_mem>>) src(%dma_wait3A_250 : memref<10000x32xf32, #tpu.memory_space<hbm>>) dst(%dma_wait3A_244 : memref<125x32xf32, #tpu.memory_space<vmem>>)
      %dma_start3A_253 = arith.constant 3 : i32
      %dma_start3A_254 = arith.constant 3 : i32
      %dma_start3A_255 = arith.constant 0 : i32
      %dma_start3A_256 = arith.constant 0 : i32
      %dma_start3A_257 = tpu.memref_slice %arg8[%dma_start3A_253, %dma_start3A_255, %dma_start3A_256] : memref<4x125x32xf32, #tpu.memory_space<vmem>> -> memref<1x125x32xf32, #tpu.memory_space<vmem>>
      %dma_start3A_258 = tpu.memref_squeeze %dma_start3A_257 : memref<1x125x32xf32, #tpu.memory_space<vmem>> -> memref<125x32xf32, #tpu.memory_space<vmem>>
      %dma_start3A_259 = arith.constant 0 : i32
      %dma_start3A_260 = tpu.memref_slice %arg7[%add3A_224, %dma_start3A_259] : memref<80x125xi32, #tpu.memory_space<vmem>> -> memref<1x125xi32, #tpu.memory_space<vmem>>
      %dma_start3A_261 = tpu.memref_squeeze %dma_start3A_260 : memref<1x125xi32, #tpu.memory_space<vmem>> -> memref<125xi32, #tpu.memory_space<vmem>>
      %dma_start3A_262 = arith.constant 0 : i32
      %dma_start3A_263 = arith.constant 0 : i32
      %dma_start3A_264 = tpu.memref_slice %arg9[%dma_start3A_262, %dma_start3A_263] : memref<10000x32xf32, #tpu.memory_space<vmem_shared>> -> memref<10000x32xf32, #tpu.memory_space<vmem_shared>>
      %dma_start3A_265 = tpu.memref_slice %arg11[%dma_start3A_254] : memref<4x!tpu.dma_semaphore, #tpu.memory_space<semaphore_mem>> -> memref<1x!tpu.dma_semaphore, #tpu.memory_space<semaphore_mem>>
      %dma_start3A_266 = tpu.memref_squeeze %dma_start3A_265 : memref<1x!tpu.dma_semaphore, #tpu.memory_space<semaphore_mem>> -> memref<!tpu.dma_semaphore, #tpu.memory_space<semaphore_mem>>
      tpu.enqueue_indirect_dma source(%dma_start3A_258 : memref<125x32xf32, #tpu.memory_space<vmem>>) target(%dma_start3A_264 : memref<10000x32xf32, #tpu.memory_space<vmem_shared>>) offsets(%dma_start3A_261 : memref<125xi32, #tpu.memory_space<vmem>>) semaphore(%dma_start3A_266 : memref<!tpu.dma_semaphore, #tpu.memory_space<semaphore_mem>>) {add = true}
    }
    %scan3A_51 = arith.constant 20 : i32
    %dma_wait3A = arith.constant 2 : i32
    %dma_wait3A_52 = arith.constant 78 : i32
    %dma_wait3A_53 = arith.constant 2 : i32
    %dma_wait3A_54 = arith.constant 0 : i32
    %dma_wait3A_55 = arith.constant 0 : i32
    %dma_wait3A_56 = tpu.memref_slice %arg8[%dma_wait3A, %dma_wait3A_54, %dma_wait3A_55] : memref<4x125x32xf32, #tpu.memory_space<vmem>> -> memref<1x125x32xf32, #tpu.memory_space<vmem>>
    %dma_wait3A_57 = tpu.memref_squeeze %dma_wait3A_56 : memref<1x125x32xf32, #tpu.memory_space<vmem>> -> memref<125x32xf32, #tpu.memory_space<vmem>>
    %dma_wait3A_58 = arith.constant 0 : i32
    %dma_wait3A_59 = tpu.memref_slice %arg7[%dma_wait3A_52, %dma_wait3A_58] : memref<80x125xi32, #tpu.memory_space<vmem>> -> memref<1x125xi32, #tpu.memory_space<vmem>>
    %dma_wait3A_60 = tpu.memref_squeeze %dma_wait3A_59 : memref<1x125xi32, #tpu.memory_space<vmem>> -> memref<125xi32, #tpu.memory_space<vmem>>
    %dma_wait3A_61 = arith.constant 0 : i32
    %dma_wait3A_62 = arith.constant 0 : i32
    %dma_wait3A_63 = tpu.memref_slice %arg9[%dma_wait3A_61, %dma_wait3A_62] : memref<10000x32xf32, #tpu.memory_space<vmem_shared>> -> memref<10000x32xf32, #tpu.memory_space<vmem_shared>>
    %dma_wait3A_64 = tpu.memref_slice %arg11[%dma_wait3A_53] : memref<4x!tpu.dma_semaphore, #tpu.memory_space<semaphore_mem>> -> memref<1x!tpu.dma_semaphore, #tpu.memory_space<semaphore_mem>>
    %dma_wait3A_65 = tpu.memref_squeeze %dma_wait3A_64 : memref<1x!tpu.dma_semaphore, #tpu.memory_space<semaphore_mem>> -> memref<!tpu.dma_semaphore, #tpu.memory_space<semaphore_mem>>
    tpu.wait_indirect_dma semaphore(%dma_wait3A_65 : memref<!tpu.dma_semaphore, #tpu.memory_space<semaphore_mem>>) src(%dma_wait3A_57 : memref<125x32xf32, #tpu.memory_space<vmem>>) dst(%dma_wait3A_63 : memref<10000x32xf32, #tpu.memory_space<vmem_shared>>)
    %dma_wait3A_66 = arith.constant 3 : i32
    %dma_wait3A_67 = arith.constant 79 : i32
    %dma_wait3A_68 = arith.constant 3 : i32
    %dma_wait3A_69 = arith.constant 0 : i32
    %dma_wait3A_70 = arith.constant 0 : i32
    %dma_wait3A_71 = tpu.memref_slice %arg8[%dma_wait3A_66, %dma_wait3A_69, %dma_wait3A_70] : memref<4x125x32xf32, #tpu.memory_space<vmem>> -> memref<1x125x32xf32, #tpu.memory_space<vmem>>
    %dma_wait3A_72 = tpu.memref_squeeze %dma_wait3A_71 : memref<1x125x32xf32, #tpu.memory_space<vmem>> -> memref<125x32xf32, #tpu.memory_space<vmem>>
    %dma_wait3A_73 = arith.constant 0 : i32
    %dma_wait3A_74 = tpu.memref_slice %arg7[%dma_wait3A_67, %dma_wait3A_73] : memref<80x125xi32, #tpu.memory_space<vmem>> -> memref<1x125xi32, #tpu.memory_space<vmem>>
    %dma_wait3A_75 = tpu.memref_squeeze %dma_wait3A_74 : memref<1x125xi32, #tpu.memory_space<vmem>> -> memref<125xi32, #tpu.memory_space<vmem>>
    %dma_wait3A_76 = arith.constant 0 : i32
    %dma_wait3A_77 = arith.constant 0 : i32
    %dma_wait3A_78 = tpu.memref_slice %arg9[%dma_wait3A_76, %dma_wait3A_77] : memref<10000x32xf32, #tpu.memory_space<vmem_shared>> -> memref<10000x32xf32, #tpu.memory_space<vmem_shared>>
    %dma_wait3A_79 = tpu.memref_slice %arg11[%dma_wait3A_68] : memref<4x!tpu.dma_semaphore, #tpu.memory_space<semaphore_mem>> -> memref<1x!tpu.dma_semaphore, #tpu.memory_space<semaphore_mem>>
    %dma_wait3A_80 = tpu.memref_squeeze %dma_wait3A_79 : memref<1x!tpu.dma_semaphore, #tpu.memory_space<semaphore_mem>> -> memref<!tpu.dma_semaphore, #tpu.memory_space<semaphore_mem>>
    tpu.wait_indirect_dma semaphore(%dma_wait3A_80 : memref<!tpu.dma_semaphore, #tpu.memory_space<semaphore_mem>>) src(%dma_wait3A_72 : memref<125x32xf32, #tpu.memory_space<vmem>>) dst(%dma_wait3A_78 : memref<10000x32xf32, #tpu.memory_space<vmem_shared>>)
    %barrier3A_81 = arith.constant 0 : index
    tpu.barrier barrier_id(%barrier3A_81)
    %lt3A_82 = arith.constant 10 : i32
    %lt3A_83 = arith.cmpi slt, %arg1, %lt3A_82 : i32
    %convert_element_type3A_84 = arith.extui %lt3A_83 : i1 to i32
    %cond3A_85 = arith.constant 0 : i32
    %cond3A_86 = arith.cmpi ne, %convert_element_type3A_84, %cond3A_85 : i32
    scf.if %cond3A_86 {
      "tpu.region"() ({
        %run_scoped3A_87 = tpu.sem_alloc : memref<!tpu.dma_semaphore, #tpu.memory_space<semaphore_mem>>
        %dma_start3A_88 = arith.constant 0 : i32
        %dma_start3A_89 = tpu.memref_slice %arg5[%arg0, %mul3A_2, %dma_start3A_88] : memref<2x10000x32xf32, #tpu.memory_space<hbm>> -> memref<1x1000x32xf32, #tpu.memory_space<hbm>>
        %dma_start3A_90 = tpu.memref_squeeze %dma_start3A_89 : memref<1x1000x32xf32, #tpu.memory_space<hbm>> -> memref<1000x32xf32, #tpu.memory_space<hbm>>
        %dma_start3A_91 = arith.constant 0 : i32
        %dma_start3A_92 = tpu.memref_slice %arg9[%mul3A_2, %dma_start3A_91] : memref<10000x32xf32, #tpu.memory_space<vmem_shared>> -> memref<1000x32xf32, #tpu.memory_space<vmem_shared>>
        tpu.enqueue_dma source(%dma_start3A_92 : memref<1000x32xf32, #tpu.memory_space<vmem_shared>>) target(%dma_start3A_90 : memref<1000x32xf32, #tpu.memory_space<hbm>>) target_semaphore(%run_scoped3A_87 : memref<!tpu.dma_semaphore, #tpu.memory_space<semaphore_mem>>)
        %dma_wait3A_93 = arith.constant 0 : i32
        %dma_wait3A_94 = tpu.memref_slice %arg5[%arg0, %mul3A_2, %dma_wait3A_93] : memref<2x10000x32xf32, #tpu.memory_space<hbm>> -> memref<1x1000x32xf32, #tpu.memory_space<hbm>>
        %dma_wait3A_95 = tpu.memref_squeeze %dma_wait3A_94 : memref<1x1000x32xf32, #tpu.memory_space<hbm>> -> memref<1000x32xf32, #tpu.memory_space<hbm>>
        %dma_wait3A_96 = arith.constant 0 : i32
        %dma_wait3A_97 = tpu.memref_slice %arg9[%mul3A_2, %dma_wait3A_96] : memref<10000x32xf32, #tpu.memory_space<vmem_shared>> -> memref<1000x32xf32, #tpu.memory_space<vmem_shared>>
        tpu.wait_dma2 semaphore(%run_scoped3A_87 : memref<!tpu.dma_semaphore, #tpu.memory_space<semaphore_mem>>) src(%dma_wait3A_97 : memref<1000x32xf32, #tpu.memory_space<vmem_shared>>) dst(%dma_wait3A_95 : memref<1000x32xf32, #tpu.memory_space<hbm>>)
        tpu.yield
      }) : () -> ()
    } else {
    }
    return
  }
}

#map = affine_map<(d0, d1) -> (0, 0, 0)>
#map1 = affine_map<(d0, d1) -> (0, 0)>
module attributes {stable_mosaic.version = 14 : i64} {
  func.func @_sc_deg(%arg0: i32, %arg1: i32, %arg2: memref<2x2560x125xi32, #tpu.memory_space<hbm>>, %arg3: memref<125x8xf32, #tpu.memory_space<hbm>>, %arg4: memref<10000x8xf32, #tpu.memory_space<hbm>>, %arg5: memref<2x10000x8xf32, #tpu.memory_space<hbm>>, %arg6: memref<125x8xf32, #tpu.memory_space<vmem>>, %arg7: memref<80x125xi32, #tpu.memory_space<vmem>>, %arg8: memref<10000x8xf32, #tpu.memory_space<vmem_shared>>, %arg9: memref<8x!tpu.dma_semaphore, #tpu.memory_space<semaphore_mem>>) attributes {dimension_semantics = [#tpu.dimension_semantics<core_parallel>, #tpu.dimension_semantics<subcore_parallel>], iteration_bounds = array<i64: 2, 16>, scalar_prefetch = 0 : i64, scratch_operands = 4 : i64, tpu.core_type = #tpu.core_type<sc_vector_subcore>, window_params = [{transform_indices = #map}, {transform_indices = #map1}, {transform_indices = #map1}, {transform_indices = #map}]} {
    %mul3A = arith.constant 16 : i32
    %mul3A_0 = arith.muli %arg0, %mul3A : i32
    %add3A = arith.addi %mul3A_0, %arg1 : i32
    %lt3A = arith.constant 10 : i32
    %lt3A_1 = arith.cmpi slt, %arg1, %lt3A : i32
    %convert_element_type3A = arith.extui %lt3A_1 : i1 to i32
    %cond3A = arith.constant 0 : i32
    %cond3A_2 = arith.cmpi ne, %convert_element_type3A, %cond3A : i32
    scf.if %cond3A_2 {
      %mul3A_94 = arith.constant 1000 : i32
      %mul3A_95 = arith.muli %arg1, %mul3A_94 : i32
      %mul3A_96 = arith.constant 1000 : i32
      %mul3A_97 = arith.muli %arg1, %mul3A_96 : i32
      "tpu.region"() ({
        %run_scoped3A_98 = tpu.sem_alloc : memref<!tpu.dma_semaphore, #tpu.memory_space<semaphore_mem>>
        %dma_start3A = arith.constant 0 : i32
        %dma_start3A_99 = tpu.memref_slice %arg8[%mul3A_97, %dma_start3A] : memref<10000x8xf32, #tpu.memory_space<vmem_shared>> -> memref<1000x8xf32, #tpu.memory_space<vmem_shared>>
        %dma_start3A_100 = arith.constant 0 : i32
        %dma_start3A_101 = tpu.memref_slice %arg4[%mul3A_95, %dma_start3A_100] : memref<10000x8xf32, #tpu.memory_space<hbm>> -> memref<1000x8xf32, #tpu.memory_space<hbm>>
        tpu.enqueue_dma source(%dma_start3A_101 : memref<1000x8xf32, #tpu.memory_space<hbm>>) target(%dma_start3A_99 : memref<1000x8xf32, #tpu.memory_space<vmem_shared>>) target_semaphore(%run_scoped3A_98 : memref<!tpu.dma_semaphore, #tpu.memory_space<semaphore_mem>>)
        %dma_wait3A_102 = arith.constant 0 : i32
        %dma_wait3A_103 = tpu.memref_slice %arg8[%mul3A_97, %dma_wait3A_102] : memref<10000x8xf32, #tpu.memory_space<vmem_shared>> -> memref<1000x8xf32, #tpu.memory_space<vmem_shared>>
        %dma_wait3A_104 = arith.constant 0 : i32
        %dma_wait3A_105 = tpu.memref_slice %arg4[%mul3A_95, %dma_wait3A_104] : memref<10000x8xf32, #tpu.memory_space<hbm>> -> memref<1000x8xf32, #tpu.memory_space<hbm>>
        tpu.wait_dma2 semaphore(%run_scoped3A_98 : memref<!tpu.dma_semaphore, #tpu.memory_space<semaphore_mem>>) src(%dma_wait3A_105 : memref<1000x8xf32, #tpu.memory_space<hbm>>) dst(%dma_wait3A_103 : memref<1000x8xf32, #tpu.memory_space<vmem_shared>>)
        tpu.yield
      }) : () -> ()
    } else {
    }
    "tpu.region"() ({
      %run_scoped3A_94 = tpu.sem_alloc : memref<!tpu.dma_semaphore, #tpu.memory_space<semaphore_mem>>
      tpu.enqueue_dma source(%arg3 : memref<125x8xf32, #tpu.memory_space<hbm>>) target(%arg6 : memref<125x8xf32, #tpu.memory_space<vmem>>) target_semaphore(%run_scoped3A_94 : memref<!tpu.dma_semaphore, #tpu.memory_space<semaphore_mem>>)
      tpu.wait_dma2 semaphore(%run_scoped3A_94 : memref<!tpu.dma_semaphore, #tpu.memory_space<semaphore_mem>>) src(%arg3 : memref<125x8xf32, #tpu.memory_space<hbm>>) dst(%arg6 : memref<125x8xf32, #tpu.memory_space<vmem>>)
      tpu.yield
    }) : () -> ()
    %mul3A_3 = arith.constant 80 : i32
    %mul3A_4 = arith.muli %add3A, %mul3A_3 : i32
    %run_scoped3A = arith.constant 1 : i32
    "tpu.region"() ({
      %run_scoped3A_94 = tpu.sem_alloc : memref<!tpu.dma_semaphore, #tpu.memory_space<semaphore_mem>>
      %dma_start3A = arith.constant 0 : i32
      %dma_start3A_95 = tpu.memref_slice %arg2[%run_scoped3A, %mul3A_4, %dma_start3A] : memref<2x2560x125xi32, #tpu.memory_space<hbm>> -> memref<1x80x125xi32, #tpu.memory_space<hbm>>
      %dma_start3A_96 = tpu.memref_squeeze %dma_start3A_95 : memref<1x80x125xi32, #tpu.memory_space<hbm>> -> memref<80x125xi32, #tpu.memory_space<hbm>>
      %dma_start3A_97 = arith.constant 0 : i32
      %dma_start3A_98 = tpu.memref_slice %arg2[%run_scoped3A, %mul3A_4, %dma_start3A_97] : memref<2x2560x125xi32, #tpu.memory_space<hbm>> -> memref<1x80x125xi32, #tpu.memory_space<hbm>>
      %dma_start3A_99 = tpu.memref_squeeze %dma_start3A_98 : memref<1x80x125xi32, #tpu.memory_space<hbm>> -> memref<80x125xi32, #tpu.memory_space<hbm>>
      tpu.enqueue_dma source(%dma_start3A_99 : memref<80x125xi32, #tpu.memory_space<hbm>>) target(%arg7 : memref<80x125xi32, #tpu.memory_space<vmem>>) target_semaphore(%run_scoped3A_94 : memref<!tpu.dma_semaphore, #tpu.memory_space<semaphore_mem>>)
      %dma_wait3A_100 = arith.constant 0 : i32
      %dma_wait3A_101 = tpu.memref_slice %arg2[%run_scoped3A, %mul3A_4, %dma_wait3A_100] : memref<2x2560x125xi32, #tpu.memory_space<hbm>> -> memref<1x80x125xi32, #tpu.memory_space<hbm>>
      %dma_wait3A_102 = tpu.memref_squeeze %dma_wait3A_101 : memref<1x80x125xi32, #tpu.memory_space<hbm>> -> memref<80x125xi32, #tpu.memory_space<hbm>>
      %dma_wait3A_103 = arith.constant 0 : i32
      %dma_wait3A_104 = tpu.memref_slice %arg2[%run_scoped3A, %mul3A_4, %dma_wait3A_103] : memref<2x2560x125xi32, #tpu.memory_space<hbm>> -> memref<1x80x125xi32, #tpu.memory_space<hbm>>
      %dma_wait3A_105 = tpu.memref_squeeze %dma_wait3A_104 : memref<1x80x125xi32, #tpu.memory_space<hbm>> -> memref<80x125xi32, #tpu.memory_space<hbm>>
      tpu.wait_dma2 semaphore(%run_scoped3A_94 : memref<!tpu.dma_semaphore, #tpu.memory_space<semaphore_mem>>) src(%dma_wait3A_105 : memref<80x125xi32, #tpu.memory_space<hbm>>) dst(%arg7 : memref<80x125xi32, #tpu.memory_space<vmem>>)
      tpu.yield
    }) : () -> ()
    %barrier3A = arith.constant 0 : index
    tpu.barrier barrier_id(%barrier3A)
    %scan3A = arith.constant 0 : i32
    %scan3A_5 = arith.constant 10 : i32
    %scan3A_6 = arith.addi %scan3A, %scan3A_5 : i32
    %scan3A_7 = arith.constant 1 : i32
    scf.for %scan3A_94 = %scan3A to %scan3A_6 step %scan3A_7  : i32 {
      %mul3A_95 = arith.constant 8 : i32
      %mul3A_96 = arith.muli %scan3A_94, %mul3A_95 : i32
      %add3A_97 = arith.constant 0 : i32
      %add3A_98 = arith.addi %add3A_97, %mul3A_96 : i32
      %add3A_99 = arith.constant 0 : i32
      %add3A_100 = arith.addi %add3A_98, %add3A_99 : i32
      %ge3A = arith.constant 8 : i32
      %ge3A_101 = arith.cmpi sge, %add3A_100, %ge3A : i32
      %convert_element_type3A_102 = arith.extui %ge3A_101 : i1 to i32
      %cond3A_103 = arith.constant 0 : i32
      %cond3A_104 = arith.cmpi ne, %convert_element_type3A_102, %cond3A_103 : i32
      scf.if %cond3A_104 {
        %sub3A = arith.constant 8 : i32
        %sub3A_225 = arith.subi %add3A_100, %sub3A : i32
        %dma_wait3A_226 = arith.constant 0 : i32
        %dma_wait3A_227 = arith.constant 0 : i32
        %dma_wait3A_228 = tpu.memref_slice %arg7[%sub3A_225, %dma_wait3A_227] : memref<80x125xi32, #tpu.memory_space<vmem>> -> memref<1x125xi32, #tpu.memory_space<vmem>>
        %dma_wait3A_229 = tpu.memref_squeeze %dma_wait3A_228 : memref<1x125xi32, #tpu.memory_space<vmem>> -> memref<125xi32, #tpu.memory_space<vmem>>
        %dma_wait3A_230 = arith.constant 0 : i32
        %dma_wait3A_231 = arith.constant 0 : i32
        %dma_wait3A_232 = tpu.memref_slice %arg8[%dma_wait3A_230, %dma_wait3A_231] : memref<10000x8xf32, #tpu.memory_space<vmem_shared>> -> memref<10000x8xf32, #tpu.memory_space<vmem_shared>>
        %dma_wait3A_233 = tpu.memref_slice %arg9[%dma_wait3A_226] : memref<8x!tpu.dma_semaphore, #tpu.memory_space<semaphore_mem>> -> memref<1x!tpu.dma_semaphore, #tpu.memory_space<semaphore_mem>>
        %dma_wait3A_234 = tpu.memref_squeeze %dma_wait3A_233 : memref<1x!tpu.dma_semaphore, #tpu.memory_space<semaphore_mem>> -> memref<!tpu.dma_semaphore, #tpu.memory_space<semaphore_mem>>
        tpu.wait_indirect_dma semaphore(%dma_wait3A_234 : memref<!tpu.dma_semaphore, #tpu.memory_space<semaphore_mem>>) src(%arg6 : memref<125x8xf32, #tpu.memory_space<vmem>>) dst(%dma_wait3A_232 : memref<10000x8xf32, #tpu.memory_space<vmem_shared>>)
      } else {
      }
      %dma_start3A = arith.constant 0 : i32
      %dma_start3A_105 = arith.constant 0 : i32
      %dma_start3A_106 = tpu.memref_slice %arg7[%add3A_100, %dma_start3A_105] : memref<80x125xi32, #tpu.memory_space<vmem>> -> memref<1x125xi32, #tpu.memory_space<vmem>>
      %dma_start3A_107 = tpu.memref_squeeze %dma_start3A_106 : memref<1x125xi32, #tpu.memory_space<vmem>> -> memref<125xi32, #tpu.memory_space<vmem>>
      %dma_start3A_108 = arith.constant 0 : i32
      %dma_start3A_109 = arith.constant 0 : i32
      %dma_start3A_110 = tpu.memref_slice %arg8[%dma_start3A_108, %dma_start3A_109] : memref<10000x8xf32, #tpu.memory_space<vmem_shared>> -> memref<10000x8xf32, #tpu.memory_space<vmem_shared>>
      %dma_start3A_111 = tpu.memref_slice %arg9[%dma_start3A] : memref<8x!tpu.dma_semaphore, #tpu.memory_space<semaphore_mem>> -> memref<1x!tpu.dma_semaphore, #tpu.memory_space<semaphore_mem>>
      %dma_start3A_112 = tpu.memref_squeeze %dma_start3A_111 : memref<1x!tpu.dma_semaphore, #tpu.memory_space<semaphore_mem>> -> memref<!tpu.dma_semaphore, #tpu.memory_space<semaphore_mem>>
      tpu.enqueue_indirect_dma source(%arg6 : memref<125x8xf32, #tpu.memory_space<vmem>>) target(%dma_start3A_110 : memref<10000x8xf32, #tpu.memory_space<vmem_shared>>) offsets(%dma_start3A_107 : memref<125xi32, #tpu.memory_space<vmem>>) semaphore(%dma_start3A_112 : memref<!tpu.dma_semaphore, #tpu.memory_space<semaphore_mem>>) {add = true}
      %add3A_113 = arith.constant 1 : i32
      %add3A_114 = arith.addi %add3A_98, %add3A_113 : i32
      %ge3A_115 = arith.constant 8 : i32
      %ge3A_116 = arith.cmpi sge, %add3A_114, %ge3A_115 : i32
      %convert_element_type3A_117 = arith.extui %ge3A_116 : i1 to i32
      %cond3A_118 = arith.constant 0 : i32
      %cond3A_119 = arith.cmpi ne, %convert_element_type3A_117, %cond3A_118 : i32
      scf.if %cond3A_119 {
        %sub3A = arith.constant 8 : i32
        %sub3A_225 = arith.subi %add3A_114, %sub3A : i32
        %dma_wait3A_226 = arith.constant 1 : i32
        %dma_wait3A_227 = arith.constant 0 : i32
        %dma_wait3A_228 = tpu.memref_slice %arg7[%sub3A_225, %dma_wait3A_227] : memref<80x125xi32, #tpu.memory_space<vmem>> -> memref<1x125xi32, #tpu.memory_space<vmem>>
        %dma_wait3A_229 = tpu.memref_squeeze %dma_wait3A_228 : memref<1x125xi32, #tpu.memory_space<vmem>> -> memref<125xi32, #tpu.memory_space<vmem>>
        %dma_wait3A_230 = arith.constant 0 : i32
        %dma_wait3A_231 = arith.constant 0 : i32
        %dma_wait3A_232 = tpu.memref_slice %arg8[%dma_wait3A_230, %dma_wait3A_231] : memref<10000x8xf32, #tpu.memory_space<vmem_shared>> -> memref<10000x8xf32, #tpu.memory_space<vmem_shared>>
        %dma_wait3A_233 = tpu.memref_slice %arg9[%dma_wait3A_226] : memref<8x!tpu.dma_semaphore, #tpu.memory_space<semaphore_mem>> -> memref<1x!tpu.dma_semaphore, #tpu.memory_space<semaphore_mem>>
        %dma_wait3A_234 = tpu.memref_squeeze %dma_wait3A_233 : memref<1x!tpu.dma_semaphore, #tpu.memory_space<semaphore_mem>> -> memref<!tpu.dma_semaphore, #tpu.memory_space<semaphore_mem>>
        tpu.wait_indirect_dma semaphore(%dma_wait3A_234 : memref<!tpu.dma_semaphore, #tpu.memory_space<semaphore_mem>>) src(%arg6 : memref<125x8xf32, #tpu.memory_space<vmem>>) dst(%dma_wait3A_232 : memref<10000x8xf32, #tpu.memory_space<vmem_shared>>)
      } else {
      }
      %dma_start3A_120 = arith.constant 1 : i32
      %dma_start3A_121 = arith.constant 0 : i32
      %dma_start3A_122 = tpu.memref_slice %arg7[%add3A_114, %dma_start3A_121] : memref<80x125xi32, #tpu.memory_space<vmem>> -> memref<1x125xi32, #tpu.memory_space<vmem>>
      %dma_start3A_123 = tpu.memref_squeeze %dma_start3A_122 : memref<1x125xi32, #tpu.memory_space<vmem>> -> memref<125xi32, #tpu.memory_space<vmem>>
      %dma_start3A_124 = arith.constant 0 : i32
      %dma_start3A_125 = arith.constant 0 : i32
      %dma_start3A_126 = tpu.memref_slice %arg8[%dma_start3A_124, %dma_start3A_125] : memref<10000x8xf32, #tpu.memory_space<vmem_shared>> -> memref<10000x8xf32, #tpu.memory_space<vmem_shared>>
      %dma_start3A_127 = tpu.memref_slice %arg9[%dma_start3A_120] : memref<8x!tpu.dma_semaphore, #tpu.memory_space<semaphore_mem>> -> memref<1x!tpu.dma_semaphore, #tpu.memory_space<semaphore_mem>>
      %dma_start3A_128 = tpu.memref_squeeze %dma_start3A_127 : memref<1x!tpu.dma_semaphore, #tpu.memory_space<semaphore_mem>> -> memref<!tpu.dma_semaphore, #tpu.memory_space<semaphore_mem>>
      tpu.enqueue_indirect_dma source(%arg6 : memref<125x8xf32, #tpu.memory_space<vmem>>) target(%dma_start3A_126 : memref<10000x8xf32, #tpu.memory_space<vmem_shared>>) offsets(%dma_start3A_123 : memref<125xi32, #tpu.memory_space<vmem>>) semaphore(%dma_start3A_128 : memref<!tpu.dma_semaphore, #tpu.memory_space<semaphore_mem>>) {add = true}
      %add3A_129 = arith.constant 2 : i32
      %add3A_130 = arith.addi %add3A_98, %add3A_129 : i32
      %ge3A_131 = arith.constant 8 : i32
      %ge3A_132 = arith.cmpi sge, %add3A_130, %ge3A_131 : i32
      %convert_element_type3A_133 = arith.extui %ge3A_132 : i1 to i32
      %cond3A_134 = arith.constant 0 : i32
      %cond3A_135 = arith.cmpi ne, %convert_element_type3A_133, %cond3A_134 : i32
      scf.if %cond3A_135 {
        %sub3A = arith.constant 8 : i32
        %sub3A_225 = arith.subi %add3A_130, %sub3A : i32
        %dma_wait3A_226 = arith.constant 2 : i32
        %dma_wait3A_227 = arith.constant 0 : i32
        %dma_wait3A_228 = tpu.memref_slice %arg7[%sub3A_225, %dma_wait3A_227] : memref<80x125xi32, #tpu.memory_space<vmem>> -> memref<1x125xi32, #tpu.memory_space<vmem>>
        %dma_wait3A_229 = tpu.memref_squeeze %dma_wait3A_228 : memref<1x125xi32, #tpu.memory_space<vmem>> -> memref<125xi32, #tpu.memory_space<vmem>>
        %dma_wait3A_230 = arith.constant 0 : i32
        %dma_wait3A_231 = arith.constant 0 : i32
        %dma_wait3A_232 = tpu.memref_slice %arg8[%dma_wait3A_230, %dma_wait3A_231] : memref<10000x8xf32, #tpu.memory_space<vmem_shared>> -> memref<10000x8xf32, #tpu.memory_space<vmem_shared>>
        %dma_wait3A_233 = tpu.memref_slice %arg9[%dma_wait3A_226] : memref<8x!tpu.dma_semaphore, #tpu.memory_space<semaphore_mem>> -> memref<1x!tpu.dma_semaphore, #tpu.memory_space<semaphore_mem>>
        %dma_wait3A_234 = tpu.memref_squeeze %dma_wait3A_233 : memref<1x!tpu.dma_semaphore, #tpu.memory_space<semaphore_mem>> -> memref<!tpu.dma_semaphore, #tpu.memory_space<semaphore_mem>>
        tpu.wait_indirect_dma semaphore(%dma_wait3A_234 : memref<!tpu.dma_semaphore, #tpu.memory_space<semaphore_mem>>) src(%arg6 : memref<125x8xf32, #tpu.memory_space<vmem>>) dst(%dma_wait3A_232 : memref<10000x8xf32, #tpu.memory_space<vmem_shared>>)
      } else {
      }
      %dma_start3A_136 = arith.constant 2 : i32
      %dma_start3A_137 = arith.constant 0 : i32
      %dma_start3A_138 = tpu.memref_slice %arg7[%add3A_130, %dma_start3A_137] : memref<80x125xi32, #tpu.memory_space<vmem>> -> memref<1x125xi32, #tpu.memory_space<vmem>>
      %dma_start3A_139 = tpu.memref_squeeze %dma_start3A_138 : memref<1x125xi32, #tpu.memory_space<vmem>> -> memref<125xi32, #tpu.memory_space<vmem>>
      %dma_start3A_140 = arith.constant 0 : i32
      %dma_start3A_141 = arith.constant 0 : i32
      %dma_start3A_142 = tpu.memref_slice %arg8[%dma_start3A_140, %dma_start3A_141] : memref<10000x8xf32, #tpu.memory_space<vmem_shared>> -> memref<10000x8xf32, #tpu.memory_space<vmem_shared>>
      %dma_start3A_143 = tpu.memref_slice %arg9[%dma_start3A_136] : memref<8x!tpu.dma_semaphore, #tpu.memory_space<semaphore_mem>> -> memref<1x!tpu.dma_semaphore, #tpu.memory_space<semaphore_mem>>
      %dma_start3A_144 = tpu.memref_squeeze %dma_start3A_143 : memref<1x!tpu.dma_semaphore, #tpu.memory_space<semaphore_mem>> -> memref<!tpu.dma_semaphore, #tpu.memory_space<semaphore_mem>>
      tpu.enqueue_indirect_dma source(%arg6 : memref<125x8xf32, #tpu.memory_space<vmem>>) target(%dma_start3A_142 : memref<10000x8xf32, #tpu.memory_space<vmem_shared>>) offsets(%dma_start3A_139 : memref<125xi32, #tpu.memory_space<vmem>>) semaphore(%dma_start3A_144 : memref<!tpu.dma_semaphore, #tpu.memory_space<semaphore_mem>>) {add = true}
      %add3A_145 = arith.constant 3 : i32
      %add3A_146 = arith.addi %add3A_98, %add3A_145 : i32
      %ge3A_147 = arith.constant 8 : i32
      %ge3A_148 = arith.cmpi sge, %add3A_146, %ge3A_147 : i32
      %convert_element_type3A_149 = arith.extui %ge3A_148 : i1 to i32
      %cond3A_150 = arith.constant 0 : i32
      %cond3A_151 = arith.cmpi ne, %convert_element_type3A_149, %cond3A_150 : i32
      scf.if %cond3A_151 {
        %sub3A = arith.constant 8 : i32
        %sub3A_225 = arith.subi %add3A_146, %sub3A : i32
        %dma_wait3A_226 = arith.constant 3 : i32
        %dma_wait3A_227 = arith.constant 0 : i32
        %dma_wait3A_228 = tpu.memref_slice %arg7[%sub3A_225, %dma_wait3A_227] : memref<80x125xi32, #tpu.memory_space<vmem>> -> memref<1x125xi32, #tpu.memory_space<vmem>>
        %dma_wait3A_229 = tpu.memref_squeeze %dma_wait3A_228 : memref<1x125xi32, #tpu.memory_space<vmem>> -> memref<125xi32, #tpu.memory_space<vmem>>
        %dma_wait3A_230 = arith.constant 0 : i32
        %dma_wait3A_231 = arith.constant 0 : i32
        %dma_wait3A_232 = tpu.memref_slice %arg8[%dma_wait3A_230, %dma_wait3A_231] : memref<10000x8xf32, #tpu.memory_space<vmem_shared>> -> memref<10000x8xf32, #tpu.memory_space<vmem_shared>>
        %dma_wait3A_233 = tpu.memref_slice %arg9[%dma_wait3A_226] : memref<8x!tpu.dma_semaphore, #tpu.memory_space<semaphore_mem>> -> memref<1x!tpu.dma_semaphore, #tpu.memory_space<semaphore_mem>>
        %dma_wait3A_234 = tpu.memref_squeeze %dma_wait3A_233 : memref<1x!tpu.dma_semaphore, #tpu.memory_space<semaphore_mem>> -> memref<!tpu.dma_semaphore, #tpu.memory_space<semaphore_mem>>
        tpu.wait_indirect_dma semaphore(%dma_wait3A_234 : memref<!tpu.dma_semaphore, #tpu.memory_space<semaphore_mem>>) src(%arg6 : memref<125x8xf32, #tpu.memory_space<vmem>>) dst(%dma_wait3A_232 : memref<10000x8xf32, #tpu.memory_space<vmem_shared>>)
      } else {
      }
      %dma_start3A_152 = arith.constant 3 : i32
      %dma_start3A_153 = arith.constant 0 : i32
      %dma_start3A_154 = tpu.memref_slice %arg7[%add3A_146, %dma_start3A_153] : memref<80x125xi32, #tpu.memory_space<vmem>> -> memref<1x125xi32, #tpu.memory_space<vmem>>
      %dma_start3A_155 = tpu.memref_squeeze %dma_start3A_154 : memref<1x125xi32, #tpu.memory_space<vmem>> -> memref<125xi32, #tpu.memory_space<vmem>>
      %dma_start3A_156 = arith.constant 0 : i32
      %dma_start3A_157 = arith.constant 0 : i32
      %dma_start3A_158 = tpu.memref_slice %arg8[%dma_start3A_156, %dma_start3A_157] : memref<10000x8xf32, #tpu.memory_space<vmem_shared>> -> memref<10000x8xf32, #tpu.memory_space<vmem_shared>>
      %dma_start3A_159 = tpu.memref_slice %arg9[%dma_start3A_152] : memref<8x!tpu.dma_semaphore, #tpu.memory_space<semaphore_mem>> -> memref<1x!tpu.dma_semaphore, #tpu.memory_space<semaphore_mem>>
      %dma_start3A_160 = tpu.memref_squeeze %dma_start3A_159 : memref<1x!tpu.dma_semaphore, #tpu.memory_space<semaphore_mem>> -> memref<!tpu.dma_semaphore, #tpu.memory_space<semaphore_mem>>
      tpu.enqueue_indirect_dma source(%arg6 : memref<125x8xf32, #tpu.memory_space<vmem>>) target(%dma_start3A_158 : memref<10000x8xf32, #tpu.memory_space<vmem_shared>>) offsets(%dma_start3A_155 : memref<125xi32, #tpu.memory_space<vmem>>) semaphore(%dma_start3A_160 : memref<!tpu.dma_semaphore, #tpu.memory_space<semaphore_mem>>) {add = true}
      %add3A_161 = arith.constant 4 : i32
      %add3A_162 = arith.addi %add3A_98, %add3A_161 : i32
      %ge3A_163 = arith.constant 8 : i32
      %ge3A_164 = arith.cmpi sge, %add3A_162, %ge3A_163 : i32
      %convert_element_type3A_165 = arith.extui %ge3A_164 : i1 to i32
      %cond3A_166 = arith.constant 0 : i32
      %cond3A_167 = arith.cmpi ne, %convert_element_type3A_165, %cond3A_166 : i32
      scf.if %cond3A_167 {
        %sub3A = arith.constant 8 : i32
        %sub3A_225 = arith.subi %add3A_162, %sub3A : i32
        %dma_wait3A_226 = arith.constant 4 : i32
        %dma_wait3A_227 = arith.constant 0 : i32
        %dma_wait3A_228 = tpu.memref_slice %arg7[%sub3A_225, %dma_wait3A_227] : memref<80x125xi32, #tpu.memory_space<vmem>> -> memref<1x125xi32, #tpu.memory_space<vmem>>
        %dma_wait3A_229 = tpu.memref_squeeze %dma_wait3A_228 : memref<1x125xi32, #tpu.memory_space<vmem>> -> memref<125xi32, #tpu.memory_space<vmem>>
        %dma_wait3A_230 = arith.constant 0 : i32
        %dma_wait3A_231 = arith.constant 0 : i32
        %dma_wait3A_232 = tpu.memref_slice %arg8[%dma_wait3A_230, %dma_wait3A_231] : memref<10000x8xf32, #tpu.memory_space<vmem_shared>> -> memref<10000x8xf32, #tpu.memory_space<vmem_shared>>
        %dma_wait3A_233 = tpu.memref_slice %arg9[%dma_wait3A_226] : memref<8x!tpu.dma_semaphore, #tpu.memory_space<semaphore_mem>> -> memref<1x!tpu.dma_semaphore, #tpu.memory_space<semaphore_mem>>
        %dma_wait3A_234 = tpu.memref_squeeze %dma_wait3A_233 : memref<1x!tpu.dma_semaphore, #tpu.memory_space<semaphore_mem>> -> memref<!tpu.dma_semaphore, #tpu.memory_space<semaphore_mem>>
        tpu.wait_indirect_dma semaphore(%dma_wait3A_234 : memref<!tpu.dma_semaphore, #tpu.memory_space<semaphore_mem>>) src(%arg6 : memref<125x8xf32, #tpu.memory_space<vmem>>) dst(%dma_wait3A_232 : memref<10000x8xf32, #tpu.memory_space<vmem_shared>>)
      } else {
      }
      %dma_start3A_168 = arith.constant 4 : i32
      %dma_start3A_169 = arith.constant 0 : i32
      %dma_start3A_170 = tpu.memref_slice %arg7[%add3A_162, %dma_start3A_169] : memref<80x125xi32, #tpu.memory_space<vmem>> -> memref<1x125xi32, #tpu.memory_space<vmem>>
      %dma_start3A_171 = tpu.memref_squeeze %dma_start3A_170 : memref<1x125xi32, #tpu.memory_space<vmem>> -> memref<125xi32, #tpu.memory_space<vmem>>
      %dma_start3A_172 = arith.constant 0 : i32
      %dma_start3A_173 = arith.constant 0 : i32
      %dma_start3A_174 = tpu.memref_slice %arg8[%dma_start3A_172, %dma_start3A_173] : memref<10000x8xf32, #tpu.memory_space<vmem_shared>> -> memref<10000x8xf32, #tpu.memory_space<vmem_shared>>
      %dma_start3A_175 = tpu.memref_slice %arg9[%dma_start3A_168] : memref<8x!tpu.dma_semaphore, #tpu.memory_space<semaphore_mem>> -> memref<1x!tpu.dma_semaphore, #tpu.memory_space<semaphore_mem>>
      %dma_start3A_176 = tpu.memref_squeeze %dma_start3A_175 : memref<1x!tpu.dma_semaphore, #tpu.memory_space<semaphore_mem>> -> memref<!tpu.dma_semaphore, #tpu.memory_space<semaphore_mem>>
      tpu.enqueue_indirect_dma source(%arg6 : memref<125x8xf32, #tpu.memory_space<vmem>>) target(%dma_start3A_174 : memref<10000x8xf32, #tpu.memory_space<vmem_shared>>) offsets(%dma_start3A_171 : memref<125xi32, #tpu.memory_space<vmem>>) semaphore(%dma_start3A_176 : memref<!tpu.dma_semaphore, #tpu.memory_space<semaphore_mem>>) {add = true}
      %add3A_177 = arith.constant 5 : i32
      %add3A_178 = arith.addi %add3A_98, %add3A_177 : i32
      %ge3A_179 = arith.constant 8 : i32
      %ge3A_180 = arith.cmpi sge, %add3A_178, %ge3A_179 : i32
      %convert_element_type3A_181 = arith.extui %ge3A_180 : i1 to i32
      %cond3A_182 = arith.constant 0 : i32
      %cond3A_183 = arith.cmpi ne, %convert_element_type3A_181, %cond3A_182 : i32
      scf.if %cond3A_183 {
        %sub3A = arith.constant 8 : i32
        %sub3A_225 = arith.subi %add3A_178, %sub3A : i32
        %dma_wait3A_226 = arith.constant 5 : i32
        %dma_wait3A_227 = arith.constant 0 : i32
        %dma_wait3A_228 = tpu.memref_slice %arg7[%sub3A_225, %dma_wait3A_227] : memref<80x125xi32, #tpu.memory_space<vmem>> -> memref<1x125xi32, #tpu.memory_space<vmem>>
        %dma_wait3A_229 = tpu.memref_squeeze %dma_wait3A_228 : memref<1x125xi32, #tpu.memory_space<vmem>> -> memref<125xi32, #tpu.memory_space<vmem>>
        %dma_wait3A_230 = arith.constant 0 : i32
        %dma_wait3A_231 = arith.constant 0 : i32
        %dma_wait3A_232 = tpu.memref_slice %arg8[%dma_wait3A_230, %dma_wait3A_231] : memref<10000x8xf32, #tpu.memory_space<vmem_shared>> -> memref<10000x8xf32, #tpu.memory_space<vmem_shared>>
        %dma_wait3A_233 = tpu.memref_slice %arg9[%dma_wait3A_226] : memref<8x!tpu.dma_semaphore, #tpu.memory_space<semaphore_mem>> -> memref<1x!tpu.dma_semaphore, #tpu.memory_space<semaphore_mem>>
        %dma_wait3A_234 = tpu.memref_squeeze %dma_wait3A_233 : memref<1x!tpu.dma_semaphore, #tpu.memory_space<semaphore_mem>> -> memref<!tpu.dma_semaphore, #tpu.memory_space<semaphore_mem>>
        tpu.wait_indirect_dma semaphore(%dma_wait3A_234 : memref<!tpu.dma_semaphore, #tpu.memory_space<semaphore_mem>>) src(%arg6 : memref<125x8xf32, #tpu.memory_space<vmem>>) dst(%dma_wait3A_232 : memref<10000x8xf32, #tpu.memory_space<vmem_shared>>)
      } else {
      }
      %dma_start3A_184 = arith.constant 5 : i32
      %dma_start3A_185 = arith.constant 0 : i32
      %dma_start3A_186 = tpu.memref_slice %arg7[%add3A_178, %dma_start3A_185] : memref<80x125xi32, #tpu.memory_space<vmem>> -> memref<1x125xi32, #tpu.memory_space<vmem>>
      %dma_start3A_187 = tpu.memref_squeeze %dma_start3A_186 : memref<1x125xi32, #tpu.memory_space<vmem>> -> memref<125xi32, #tpu.memory_space<vmem>>
      %dma_start3A_188 = arith.constant 0 : i32
      %dma_start3A_189 = arith.constant 0 : i32
      %dma_start3A_190 = tpu.memref_slice %arg8[%dma_start3A_188, %dma_start3A_189] : memref<10000x8xf32, #tpu.memory_space<vmem_shared>> -> memref<10000x8xf32, #tpu.memory_space<vmem_shared>>
      %dma_start3A_191 = tpu.memref_slice %arg9[%dma_start3A_184] : memref<8x!tpu.dma_semaphore, #tpu.memory_space<semaphore_mem>> -> memref<1x!tpu.dma_semaphore, #tpu.memory_space<semaphore_mem>>
      %dma_start3A_192 = tpu.memref_squeeze %dma_start3A_191 : memref<1x!tpu.dma_semaphore, #tpu.memory_space<semaphore_mem>> -> memref<!tpu.dma_semaphore, #tpu.memory_space<semaphore_mem>>
      tpu.enqueue_indirect_dma source(%arg6 : memref<125x8xf32, #tpu.memory_space<vmem>>) target(%dma_start3A_190 : memref<10000x8xf32, #tpu.memory_space<vmem_shared>>) offsets(%dma_start3A_187 : memref<125xi32, #tpu.memory_space<vmem>>) semaphore(%dma_start3A_192 : memref<!tpu.dma_semaphore, #tpu.memory_space<semaphore_mem>>) {add = true}
      %add3A_193 = arith.constant 6 : i32
      %add3A_194 = arith.addi %add3A_98, %add3A_193 : i32
      %ge3A_195 = arith.constant 8 : i32
      %ge3A_196 = arith.cmpi sge, %add3A_194, %ge3A_195 : i32
      %convert_element_type3A_197 = arith.extui %ge3A_196 : i1 to i32
      %cond3A_198 = arith.constant 0 : i32
      %cond3A_199 = arith.cmpi ne, %convert_element_type3A_197, %cond3A_198 : i32
      scf.if %cond3A_199 {
        %sub3A = arith.constant 8 : i32
        %sub3A_225 = arith.subi %add3A_194, %sub3A : i32
        %dma_wait3A_226 = arith.constant 6 : i32
        %dma_wait3A_227 = arith.constant 0 : i32
        %dma_wait3A_228 = tpu.memref_slice %arg7[%sub3A_225, %dma_wait3A_227] : memref<80x125xi32, #tpu.memory_space<vmem>> -> memref<1x125xi32, #tpu.memory_space<vmem>>
        %dma_wait3A_229 = tpu.memref_squeeze %dma_wait3A_228 : memref<1x125xi32, #tpu.memory_space<vmem>> -> memref<125xi32, #tpu.memory_space<vmem>>
        %dma_wait3A_230 = arith.constant 0 : i32
        %dma_wait3A_231 = arith.constant 0 : i32
        %dma_wait3A_232 = tpu.memref_slice %arg8[%dma_wait3A_230, %dma_wait3A_231] : memref<10000x8xf32, #tpu.memory_space<vmem_shared>> -> memref<10000x8xf32, #tpu.memory_space<vmem_shared>>
        %dma_wait3A_233 = tpu.memref_slice %arg9[%dma_wait3A_226] : memref<8x!tpu.dma_semaphore, #tpu.memory_space<semaphore_mem>> -> memref<1x!tpu.dma_semaphore, #tpu.memory_space<semaphore_mem>>
        %dma_wait3A_234 = tpu.memref_squeeze %dma_wait3A_233 : memref<1x!tpu.dma_semaphore, #tpu.memory_space<semaphore_mem>> -> memref<!tpu.dma_semaphore, #tpu.memory_space<semaphore_mem>>
        tpu.wait_indirect_dma semaphore(%dma_wait3A_234 : memref<!tpu.dma_semaphore, #tpu.memory_space<semaphore_mem>>) src(%arg6 : memref<125x8xf32, #tpu.memory_space<vmem>>) dst(%dma_wait3A_232 : memref<10000x8xf32, #tpu.memory_space<vmem_shared>>)
      } else {
      }
      %dma_start3A_200 = arith.constant 6 : i32
      %dma_start3A_201 = arith.constant 0 : i32
      %dma_start3A_202 = tpu.memref_slice %arg7[%add3A_194, %dma_start3A_201] : memref<80x125xi32, #tpu.memory_space<vmem>> -> memref<1x125xi32, #tpu.memory_space<vmem>>
      %dma_start3A_203 = tpu.memref_squeeze %dma_start3A_202 : memref<1x125xi32, #tpu.memory_space<vmem>> -> memref<125xi32, #tpu.memory_space<vmem>>
      %dma_start3A_204 = arith.constant 0 : i32
      %dma_start3A_205 = arith.constant 0 : i32
      %dma_start3A_206 = tpu.memref_slice %arg8[%dma_start3A_204, %dma_start3A_205] : memref<10000x8xf32, #tpu.memory_space<vmem_shared>> -> memref<10000x8xf32, #tpu.memory_space<vmem_shared>>
      %dma_start3A_207 = tpu.memref_slice %arg9[%dma_start3A_200] : memref<8x!tpu.dma_semaphore, #tpu.memory_space<semaphore_mem>> -> memref<1x!tpu.dma_semaphore, #tpu.memory_space<semaphore_mem>>
      %dma_start3A_208 = tpu.memref_squeeze %dma_start3A_207 : memref<1x!tpu.dma_semaphore, #tpu.memory_space<semaphore_mem>> -> memref<!tpu.dma_semaphore, #tpu.memory_space<semaphore_mem>>
      tpu.enqueue_indirect_dma source(%arg6 : memref<125x8xf32, #tpu.memory_space<vmem>>) target(%dma_start3A_206 : memref<10000x8xf32, #tpu.memory_space<vmem_shared>>) offsets(%dma_start3A_203 : memref<125xi32, #tpu.memory_space<vmem>>) semaphore(%dma_start3A_208 : memref<!tpu.dma_semaphore, #tpu.memory_space<semaphore_mem>>) {add = true}
      %add3A_209 = arith.constant 7 : i32
      %add3A_210 = arith.addi %add3A_98, %add3A_209 : i32
      %ge3A_211 = arith.constant 8 : i32
      %ge3A_212 = arith.cmpi sge, %add3A_210, %ge3A_211 : i32
      %convert_element_type3A_213 = arith.extui %ge3A_212 : i1 to i32
      %cond3A_214 = arith.constant 0 : i32
      %cond3A_215 = arith.cmpi ne, %convert_element_type3A_213, %cond3A_214 : i32
      scf.if %cond3A_215 {
        %sub3A = arith.constant 8 : i32
        %sub3A_225 = arith.subi %add3A_210, %sub3A : i32
        %dma_wait3A_226 = arith.constant 7 : i32
        %dma_wait3A_227 = arith.constant 0 : i32
        %dma_wait3A_228 = tpu.memref_slice %arg7[%sub3A_225, %dma_wait3A_227] : memref<80x125xi32, #tpu.memory_space<vmem>> -> memref<1x125xi32, #tpu.memory_space<vmem>>
        %dma_wait3A_229 = tpu.memref_squeeze %dma_wait3A_228 : memref<1x125xi32, #tpu.memory_space<vmem>> -> memref<125xi32, #tpu.memory_space<vmem>>
        %dma_wait3A_230 = arith.constant 0 : i32
        %dma_wait3A_231 = arith.constant 0 : i32
        %dma_wait3A_232 = tpu.memref_slice %arg8[%dma_wait3A_230, %dma_wait3A_231] : memref<10000x8xf32, #tpu.memory_space<vmem_shared>> -> memref<10000x8xf32, #tpu.memory_space<vmem_shared>>
        %dma_wait3A_233 = tpu.memref_slice %arg9[%dma_wait3A_226] : memref<8x!tpu.dma_semaphore, #tpu.memory_space<semaphore_mem>> -> memref<1x!tpu.dma_semaphore, #tpu.memory_space<semaphore_mem>>
        %dma_wait3A_234 = tpu.memref_squeeze %dma_wait3A_233 : memref<1x!tpu.dma_semaphore, #tpu.memory_space<semaphore_mem>> -> memref<!tpu.dma_semaphore, #tpu.memory_space<semaphore_mem>>
        tpu.wait_indirect_dma semaphore(%dma_wait3A_234 : memref<!tpu.dma_semaphore, #tpu.memory_space<semaphore_mem>>) src(%arg6 : memref<125x8xf32, #tpu.memory_space<vmem>>) dst(%dma_wait3A_232 : memref<10000x8xf32, #tpu.memory_space<vmem_shared>>)
      } else {
      }
      %dma_start3A_216 = arith.constant 7 : i32
      %dma_start3A_217 = arith.constant 0 : i32
      %dma_start3A_218 = tpu.memref_slice %arg7[%add3A_210, %dma_start3A_217] : memref<80x125xi32, #tpu.memory_space<vmem>> -> memref<1x125xi32, #tpu.memory_space<vmem>>
      %dma_start3A_219 = tpu.memref_squeeze %dma_start3A_218 : memref<1x125xi32, #tpu.memory_space<vmem>> -> memref<125xi32, #tpu.memory_space<vmem>>
      %dma_start3A_220 = arith.constant 0 : i32
      %dma_start3A_221 = arith.constant 0 : i32
      %dma_start3A_222 = tpu.memref_slice %arg8[%dma_start3A_220, %dma_start3A_221] : memref<10000x8xf32, #tpu.memory_space<vmem_shared>> -> memref<10000x8xf32, #tpu.memory_space<vmem_shared>>
      %dma_start3A_223 = tpu.memref_slice %arg9[%dma_start3A_216] : memref<8x!tpu.dma_semaphore, #tpu.memory_space<semaphore_mem>> -> memref<1x!tpu.dma_semaphore, #tpu.memory_space<semaphore_mem>>
      %dma_start3A_224 = tpu.memref_squeeze %dma_start3A_223 : memref<1x!tpu.dma_semaphore, #tpu.memory_space<semaphore_mem>> -> memref<!tpu.dma_semaphore, #tpu.memory_space<semaphore_mem>>
      tpu.enqueue_indirect_dma source(%arg6 : memref<125x8xf32, #tpu.memory_space<vmem>>) target(%dma_start3A_222 : memref<10000x8xf32, #tpu.memory_space<vmem_shared>>) offsets(%dma_start3A_219 : memref<125xi32, #tpu.memory_space<vmem>>) semaphore(%dma_start3A_224 : memref<!tpu.dma_semaphore, #tpu.memory_space<semaphore_mem>>) {add = true}
    }
    %scan3A_8 = arith.constant 10 : i32
    %dma_wait3A = arith.constant 72 : i32
    %dma_wait3A_9 = arith.constant 0 : i32
    %dma_wait3A_10 = arith.constant 0 : i32
    %dma_wait3A_11 = tpu.memref_slice %arg7[%dma_wait3A, %dma_wait3A_10] : memref<80x125xi32, #tpu.memory_space<vmem>> -> memref<1x125xi32, #tpu.memory_space<vmem>>
    %dma_wait3A_12 = tpu.memref_squeeze %dma_wait3A_11 : memref<1x125xi32, #tpu.memory_space<vmem>> -> memref<125xi32, #tpu.memory_space<vmem>>
    %dma_wait3A_13 = arith.constant 0 : i32
    %dma_wait3A_14 = arith.constant 0 : i32
    %dma_wait3A_15 = tpu.memref_slice %arg8[%dma_wait3A_13, %dma_wait3A_14] : memref<10000x8xf32, #tpu.memory_space<vmem_shared>> -> memref<10000x8xf32, #tpu.memory_space<vmem_shared>>
    %dma_wait3A_16 = tpu.memref_slice %arg9[%dma_wait3A_9] : memref<8x!tpu.dma_semaphore, #tpu.memory_space<semaphore_mem>> -> memref<1x!tpu.dma_semaphore, #tpu.memory_space<semaphore_mem>>
    %dma_wait3A_17 = tpu.memref_squeeze %dma_wait3A_16 : memref<1x!tpu.dma_semaphore, #tpu.memory_space<semaphore_mem>> -> memref<!tpu.dma_semaphore, #tpu.memory_space<semaphore_mem>>
    tpu.wait_indirect_dma semaphore(%dma_wait3A_17 : memref<!tpu.dma_semaphore, #tpu.memory_space<semaphore_mem>>) src(%arg6 : memref<125x8xf32, #tpu.memory_space<vmem>>) dst(%dma_wait3A_15 : memref<10000x8xf32, #tpu.memory_space<vmem_shared>>)
    %dma_wait3A_18 = arith.constant 73 : i32
    %dma_wait3A_19 = arith.constant 1 : i32
    %dma_wait3A_20 = arith.constant 0 : i32
    %dma_wait3A_21 = tpu.memref_slice %arg7[%dma_wait3A_18, %dma_wait3A_20] : memref<80x125xi32, #tpu.memory_space<vmem>> -> memref<1x125xi32, #tpu.memory_space<vmem>>
    %dma_wait3A_22 = tpu.memref_squeeze %dma_wait3A_21 : memref<1x125xi32, #tpu.memory_space<vmem>> -> memref<125xi32, #tpu.memory_space<vmem>>
    %dma_wait3A_23 = arith.constant 0 : i32
    %dma_wait3A_24 = arith.constant 0 : i32
    %dma_wait3A_25 = tpu.memref_slice %arg8[%dma_wait3A_23, %dma_wait3A_24] : memref<10000x8xf32, #tpu.memory_space<vmem_shared>> -> memref<10000x8xf32, #tpu.memory_space<vmem_shared>>
    %dma_wait3A_26 = tpu.memref_slice %arg9[%dma_wait3A_19] : memref<8x!tpu.dma_semaphore, #tpu.memory_space<semaphore_mem>> -> memref<1x!tpu.dma_semaphore, #tpu.memory_space<semaphore_mem>>
    %dma_wait3A_27 = tpu.memref_squeeze %dma_wait3A_26 : memref<1x!tpu.dma_semaphore, #tpu.memory_space<semaphore_mem>> -> memref<!tpu.dma_semaphore, #tpu.memory_space<semaphore_mem>>
    tpu.wait_indirect_dma semaphore(%dma_wait3A_27 : memref<!tpu.dma_semaphore, #tpu.memory_space<semaphore_mem>>) src(%arg6 : memref<125x8xf32, #tpu.memory_space<vmem>>) dst(%dma_wait3A_25 : memref<10000x8xf32, #tpu.memory_space<vmem_shared>>)
    %dma_wait3A_28 = arith.constant 74 : i32
    %dma_wait3A_29 = arith.constant 2 : i32
    %dma_wait3A_30 = arith.constant 0 : i32
    %dma_wait3A_31 = tpu.memref_slice %arg7[%dma_wait3A_28, %dma_wait3A_30] : memref<80x125xi32, #tpu.memory_space<vmem>> -> memref<1x125xi32, #tpu.memory_space<vmem>>
    %dma_wait3A_32 = tpu.memref_squeeze %dma_wait3A_31 : memref<1x125xi32, #tpu.memory_space<vmem>> -> memref<125xi32, #tpu.memory_space<vmem>>
    %dma_wait3A_33 = arith.constant 0 : i32
    %dma_wait3A_34 = arith.constant 0 : i32
    %dma_wait3A_35 = tpu.memref_slice %arg8[%dma_wait3A_33, %dma_wait3A_34] : memref<10000x8xf32, #tpu.memory_space<vmem_shared>> -> memref<10000x8xf32, #tpu.memory_space<vmem_shared>>
    %dma_wait3A_36 = tpu.memref_slice %arg9[%dma_wait3A_29] : memref<8x!tpu.dma_semaphore, #tpu.memory_space<semaphore_mem>> -> memref<1x!tpu.dma_semaphore, #tpu.memory_space<semaphore_mem>>
    %dma_wait3A_37 = tpu.memref_squeeze %dma_wait3A_36 : memref<1x!tpu.dma_semaphore, #tpu.memory_space<semaphore_mem>> -> memref<!tpu.dma_semaphore, #tpu.memory_space<semaphore_mem>>
    tpu.wait_indirect_dma semaphore(%dma_wait3A_37 : memref<!tpu.dma_semaphore, #tpu.memory_space<semaphore_mem>>) src(%arg6 : memref<125x8xf32, #tpu.memory_space<vmem>>) dst(%dma_wait3A_35 : memref<10000x8xf32, #tpu.memory_space<vmem_shared>>)
    %dma_wait3A_38 = arith.constant 75 : i32
    %dma_wait3A_39 = arith.constant 3 : i32
    %dma_wait3A_40 = arith.constant 0 : i32
    %dma_wait3A_41 = tpu.memref_slice %arg7[%dma_wait3A_38, %dma_wait3A_40] : memref<80x125xi32, #tpu.memory_space<vmem>> -> memref<1x125xi32, #tpu.memory_space<vmem>>
    %dma_wait3A_42 = tpu.memref_squeeze %dma_wait3A_41 : memref<1x125xi32, #tpu.memory_space<vmem>> -> memref<125xi32, #tpu.memory_space<vmem>>
    %dma_wait3A_43 = arith.constant 0 : i32
    %dma_wait3A_44 = arith.constant 0 : i32
    %dma_wait3A_45 = tpu.memref_slice %arg8[%dma_wait3A_43, %dma_wait3A_44] : memref<10000x8xf32, #tpu.memory_space<vmem_shared>> -> memref<10000x8xf32, #tpu.memory_space<vmem_shared>>
    %dma_wait3A_46 = tpu.memref_slice %arg9[%dma_wait3A_39] : memref<8x!tpu.dma_semaphore, #tpu.memory_space<semaphore_mem>> -> memref<1x!tpu.dma_semaphore, #tpu.memory_space<semaphore_mem>>
    %dma_wait3A_47 = tpu.memref_squeeze %dma_wait3A_46 : memref<1x!tpu.dma_semaphore, #tpu.memory_space<semaphore_mem>> -> memref<!tpu.dma_semaphore, #tpu.memory_space<semaphore_mem>>
    tpu.wait_indirect_dma semaphore(%dma_wait3A_47 : memref<!tpu.dma_semaphore, #tpu.memory_space<semaphore_mem>>) src(%arg6 : memref<125x8xf32, #tpu.memory_space<vmem>>) dst(%dma_wait3A_45 : memref<10000x8xf32, #tpu.memory_space<vmem_shared>>)
    %dma_wait3A_48 = arith.constant 76 : i32
    %dma_wait3A_49 = arith.constant 4 : i32
    %dma_wait3A_50 = arith.constant 0 : i32
    %dma_wait3A_51 = tpu.memref_slice %arg7[%dma_wait3A_48, %dma_wait3A_50] : memref<80x125xi32, #tpu.memory_space<vmem>> -> memref<1x125xi32, #tpu.memory_space<vmem>>
    %dma_wait3A_52 = tpu.memref_squeeze %dma_wait3A_51 : memref<1x125xi32, #tpu.memory_space<vmem>> -> memref<125xi32, #tpu.memory_space<vmem>>
    %dma_wait3A_53 = arith.constant 0 : i32
    %dma_wait3A_54 = arith.constant 0 : i32
    %dma_wait3A_55 = tpu.memref_slice %arg8[%dma_wait3A_53, %dma_wait3A_54] : memref<10000x8xf32, #tpu.memory_space<vmem_shared>> -> memref<10000x8xf32, #tpu.memory_space<vmem_shared>>
    %dma_wait3A_56 = tpu.memref_slice %arg9[%dma_wait3A_49] : memref<8x!tpu.dma_semaphore, #tpu.memory_space<semaphore_mem>> -> memref<1x!tpu.dma_semaphore, #tpu.memory_space<semaphore_mem>>
    %dma_wait3A_57 = tpu.memref_squeeze %dma_wait3A_56 : memref<1x!tpu.dma_semaphore, #tpu.memory_space<semaphore_mem>> -> memref<!tpu.dma_semaphore, #tpu.memory_space<semaphore_mem>>
    tpu.wait_indirect_dma semaphore(%dma_wait3A_57 : memref<!tpu.dma_semaphore, #tpu.memory_space<semaphore_mem>>) src(%arg6 : memref<125x8xf32, #tpu.memory_space<vmem>>) dst(%dma_wait3A_55 : memref<10000x8xf32, #tpu.memory_space<vmem_shared>>)
    %dma_wait3A_58 = arith.constant 77 : i32
    %dma_wait3A_59 = arith.constant 5 : i32
    %dma_wait3A_60 = arith.constant 0 : i32
    %dma_wait3A_61 = tpu.memref_slice %arg7[%dma_wait3A_58, %dma_wait3A_60] : memref<80x125xi32, #tpu.memory_space<vmem>> -> memref<1x125xi32, #tpu.memory_space<vmem>>
    %dma_wait3A_62 = tpu.memref_squeeze %dma_wait3A_61 : memref<1x125xi32, #tpu.memory_space<vmem>> -> memref<125xi32, #tpu.memory_space<vmem>>
    %dma_wait3A_63 = arith.constant 0 : i32
    %dma_wait3A_64 = arith.constant 0 : i32
    %dma_wait3A_65 = tpu.memref_slice %arg8[%dma_wait3A_63, %dma_wait3A_64] : memref<10000x8xf32, #tpu.memory_space<vmem_shared>> -> memref<10000x8xf32, #tpu.memory_space<vmem_shared>>
    %dma_wait3A_66 = tpu.memref_slice %arg9[%dma_wait3A_59] : memref<8x!tpu.dma_semaphore, #tpu.memory_space<semaphore_mem>> -> memref<1x!tpu.dma_semaphore, #tpu.memory_space<semaphore_mem>>
    %dma_wait3A_67 = tpu.memref_squeeze %dma_wait3A_66 : memref<1x!tpu.dma_semaphore, #tpu.memory_space<semaphore_mem>> -> memref<!tpu.dma_semaphore, #tpu.memory_space<semaphore_mem>>
    tpu.wait_indirect_dma semaphore(%dma_wait3A_67 : memref<!tpu.dma_semaphore, #tpu.memory_space<semaphore_mem>>) src(%arg6 : memref<125x8xf32, #tpu.memory_space<vmem>>) dst(%dma_wait3A_65 : memref<10000x8xf32, #tpu.memory_space<vmem_shared>>)
    %dma_wait3A_68 = arith.constant 78 : i32
    %dma_wait3A_69 = arith.constant 6 : i32
    %dma_wait3A_70 = arith.constant 0 : i32
    %dma_wait3A_71 = tpu.memref_slice %arg7[%dma_wait3A_68, %dma_wait3A_70] : memref<80x125xi32, #tpu.memory_space<vmem>> -> memref<1x125xi32, #tpu.memory_space<vmem>>
    %dma_wait3A_72 = tpu.memref_squeeze %dma_wait3A_71 : memref<1x125xi32, #tpu.memory_space<vmem>> -> memref<125xi32, #tpu.memory_space<vmem>>
    %dma_wait3A_73 = arith.constant 0 : i32
    %dma_wait3A_74 = arith.constant 0 : i32
    %dma_wait3A_75 = tpu.memref_slice %arg8[%dma_wait3A_73, %dma_wait3A_74] : memref<10000x8xf32, #tpu.memory_space<vmem_shared>> -> memref<10000x8xf32, #tpu.memory_space<vmem_shared>>
    %dma_wait3A_76 = tpu.memref_slice %arg9[%dma_wait3A_69] : memref<8x!tpu.dma_semaphore, #tpu.memory_space<semaphore_mem>> -> memref<1x!tpu.dma_semaphore, #tpu.memory_space<semaphore_mem>>
    %dma_wait3A_77 = tpu.memref_squeeze %dma_wait3A_76 : memref<1x!tpu.dma_semaphore, #tpu.memory_space<semaphore_mem>> -> memref<!tpu.dma_semaphore, #tpu.memory_space<semaphore_mem>>
    tpu.wait_indirect_dma semaphore(%dma_wait3A_77 : memref<!tpu.dma_semaphore, #tpu.memory_space<semaphore_mem>>) src(%arg6 : memref<125x8xf32, #tpu.memory_space<vmem>>) dst(%dma_wait3A_75 : memref<10000x8xf32, #tpu.memory_space<vmem_shared>>)
    %dma_wait3A_78 = arith.constant 79 : i32
    %dma_wait3A_79 = arith.constant 7 : i32
    %dma_wait3A_80 = arith.constant 0 : i32
    %dma_wait3A_81 = tpu.memref_slice %arg7[%dma_wait3A_78, %dma_wait3A_80] : memref<80x125xi32, #tpu.memory_space<vmem>> -> memref<1x125xi32, #tpu.memory_space<vmem>>
    %dma_wait3A_82 = tpu.memref_squeeze %dma_wait3A_81 : memref<1x125xi32, #tpu.memory_space<vmem>> -> memref<125xi32, #tpu.memory_space<vmem>>
    %dma_wait3A_83 = arith.constant 0 : i32
    %dma_wait3A_84 = arith.constant 0 : i32
    %dma_wait3A_85 = tpu.memref_slice %arg8[%dma_wait3A_83, %dma_wait3A_84] : memref<10000x8xf32, #tpu.memory_space<vmem_shared>> -> memref<10000x8xf32, #tpu.memory_space<vmem_shared>>
    %dma_wait3A_86 = tpu.memref_slice %arg9[%dma_wait3A_79] : memref<8x!tpu.dma_semaphore, #tpu.memory_space<semaphore_mem>> -> memref<1x!tpu.dma_semaphore, #tpu.memory_space<semaphore_mem>>
    %dma_wait3A_87 = tpu.memref_squeeze %dma_wait3A_86 : memref<1x!tpu.dma_semaphore, #tpu.memory_space<semaphore_mem>> -> memref<!tpu.dma_semaphore, #tpu.memory_space<semaphore_mem>>
    tpu.wait_indirect_dma semaphore(%dma_wait3A_87 : memref<!tpu.dma_semaphore, #tpu.memory_space<semaphore_mem>>) src(%arg6 : memref<125x8xf32, #tpu.memory_space<vmem>>) dst(%dma_wait3A_85 : memref<10000x8xf32, #tpu.memory_space<vmem_shared>>)
    %barrier3A_88 = arith.constant 0 : index
    tpu.barrier barrier_id(%barrier3A_88)
    %lt3A_89 = arith.constant 10 : i32
    %lt3A_90 = arith.cmpi slt, %arg1, %lt3A_89 : i32
    %convert_element_type3A_91 = arith.extui %lt3A_90 : i1 to i32
    %cond3A_92 = arith.constant 0 : i32
    %cond3A_93 = arith.cmpi ne, %convert_element_type3A_91, %cond3A_92 : i32
    scf.if %cond3A_93 {
      %mul3A_94 = arith.constant 1000 : i32
      %mul3A_95 = arith.muli %arg1, %mul3A_94 : i32
      %mul3A_96 = arith.constant 1000 : i32
      %mul3A_97 = arith.muli %arg1, %mul3A_96 : i32
      "tpu.region"() ({
        %run_scoped3A_98 = tpu.sem_alloc : memref<!tpu.dma_semaphore, #tpu.memory_space<semaphore_mem>>
        %dma_start3A = arith.constant 0 : i32
        %dma_start3A_99 = tpu.memref_slice %arg5[%arg0, %mul3A_97, %dma_start3A] : memref<2x10000x8xf32, #tpu.memory_space<hbm>> -> memref<1x1000x8xf32, #tpu.memory_space<hbm>>
        %dma_start3A_100 = tpu.memref_squeeze %dma_start3A_99 : memref<1x1000x8xf32, #tpu.memory_space<hbm>> -> memref<1000x8xf32, #tpu.memory_space<hbm>>
        %dma_start3A_101 = arith.constant 0 : i32
        %dma_start3A_102 = tpu.memref_slice %arg8[%mul3A_95, %dma_start3A_101] : memref<10000x8xf32, #tpu.memory_space<vmem_shared>> -> memref<1000x8xf32, #tpu.memory_space<vmem_shared>>
        tpu.enqueue_dma source(%dma_start3A_102 : memref<1000x8xf32, #tpu.memory_space<vmem_shared>>) target(%dma_start3A_100 : memref<1000x8xf32, #tpu.memory_space<hbm>>) target_semaphore(%run_scoped3A_98 : memref<!tpu.dma_semaphore, #tpu.memory_space<semaphore_mem>>)
        %dma_wait3A_103 = arith.constant 0 : i32
        %dma_wait3A_104 = tpu.memref_slice %arg5[%arg0, %mul3A_97, %dma_wait3A_103] : memref<2x10000x8xf32, #tpu.memory_space<hbm>> -> memref<1x1000x8xf32, #tpu.memory_space<hbm>>
        %dma_wait3A_105 = tpu.memref_squeeze %dma_wait3A_104 : memref<1x1000x8xf32, #tpu.memory_space<hbm>> -> memref<1000x8xf32, #tpu.memory_space<hbm>>
        %dma_wait3A_106 = arith.constant 0 : i32
        %dma_wait3A_107 = tpu.memref_slice %arg8[%mul3A_95, %dma_wait3A_106] : memref<10000x8xf32, #tpu.memory_space<vmem_shared>> -> memref<1000x8xf32, #tpu.memory_space<vmem_shared>>
        tpu.wait_dma2 semaphore(%run_scoped3A_98 : memref<!tpu.dma_semaphore, #tpu.memory_space<semaphore_mem>>) src(%dma_wait3A_107 : memref<1000x8xf32, #tpu.memory_space<vmem_shared>>) dst(%dma_wait3A_105 : memref<1000x8xf32, #tpu.memory_space<hbm>>)
        tpu.yield
      }) : () -> ()
    } else {
    }
    return
  }
}

#map = affine_map<(d0, d1) -> (0, 0)>
#map1 = affine_map<(d0, d1) -> (0, 0, 0)>
module attributes {stable_mosaic.version = 14 : i64} {
  func.func @_sc_prop(%arg0: i32, %arg1: i32, %arg2: memref<10000x32xf32, #tpu.memory_space<hbm>>, %arg3: memref<2x2560x125xi32, #tpu.memory_space<hbm>>, %arg4: memref<10000x32xf32, #tpu.memory_space<hbm>>, %arg5: memref<2x10000x32xf32, #tpu.memory_space<hbm>>, %arg6: memref<80x125xi32, #tpu.memory_space<vmem>>, %arg7: memref<80x125xi32, #tpu.memory_space<vmem>>, %arg8: memref<4x125x32xf32, #tpu.memory_space<vmem>>, %arg9: memref<10000x32xf32, #tpu.memory_space<vmem_shared>>, %arg10: memref<4x!tpu.dma_semaphore, #tpu.memory_space<semaphore_mem>>, %arg11: memref<4x!tpu.dma_semaphore, #tpu.memory_space<semaphore_mem>>) attributes {dimension_semantics = [#tpu.dimension_semantics<core_parallel>, #tpu.dimension_semantics<subcore_parallel>], iteration_bounds = array<i64: 2, 16>, scalar_prefetch = 0 : i64, scratch_operands = 6 : i64, tpu.core_type = #tpu.core_type<sc_vector_subcore>, window_params = [{transform_indices = #map}, {transform_indices = #map1}, {transform_indices = #map}, {transform_indices = #map1}]} {
    %mul3A = arith.constant 16 : i32
    %mul3A_0 = arith.muli %arg0, %mul3A : i32
    %add3A = arith.addi %mul3A_0, %arg1 : i32
    %mul3A_1 = arith.constant 1000 : i32
    %mul3A_2 = arith.muli %arg1, %mul3A_1 : i32
    %lt3A = arith.constant 10 : i32
    %lt3A_3 = arith.cmpi slt, %arg1, %lt3A : i32
    %eq3A = arith.constant 0 : i32
    %eq3A_4 = arith.cmpi eq, %arg0, %eq3A : i32
    %and3A = arith.andi %lt3A_3, %eq3A_4 : i1
    %convert_element_type3A = arith.extui %and3A : i1 to i32
    %cond3A = arith.constant 0 : i32
    %cond3A_5 = arith.cmpi ne, %convert_element_type3A, %cond3A : i32
    scf.if %cond3A_5 {
      "tpu.region"() ({
        %run_scoped3A_87 = tpu.sem_alloc : memref<!tpu.dma_semaphore, #tpu.memory_space<semaphore_mem>>
        %dma_start3A_88 = arith.constant 0 : i32
        %dma_start3A_89 = tpu.memref_slice %arg9[%mul3A_2, %dma_start3A_88] : memref<10000x32xf32, #tpu.memory_space<vmem_shared>> -> memref<1000x32xf32, #tpu.memory_space<vmem_shared>>
        %dma_start3A_90 = arith.constant 0 : i32
        %dma_start3A_91 = tpu.memref_slice %arg2[%mul3A_2, %dma_start3A_90] : memref<10000x32xf32, #tpu.memory_space<hbm>> -> memref<1000x32xf32, #tpu.memory_space<hbm>>
        tpu.enqueue_dma source(%dma_start3A_91 : memref<1000x32xf32, #tpu.memory_space<hbm>>) target(%dma_start3A_89 : memref<1000x32xf32, #tpu.memory_space<vmem_shared>>) target_semaphore(%run_scoped3A_87 : memref<!tpu.dma_semaphore, #tpu.memory_space<semaphore_mem>>)
        %dma_wait3A_92 = arith.constant 0 : i32
        %dma_wait3A_93 = tpu.memref_slice %arg9[%mul3A_2, %dma_wait3A_92] : memref<10000x32xf32, #tpu.memory_space<vmem_shared>> -> memref<1000x32xf32, #tpu.memory_space<vmem_shared>>
        %dma_wait3A_94 = arith.constant 0 : i32
        %dma_wait3A_95 = tpu.memref_slice %arg2[%mul3A_2, %dma_wait3A_94] : memref<10000x32xf32, #tpu.memory_space<hbm>> -> memref<1000x32xf32, #tpu.memory_space<hbm>>
        tpu.wait_dma2 semaphore(%run_scoped3A_87 : memref<!tpu.dma_semaphore, #tpu.memory_space<semaphore_mem>>) src(%dma_wait3A_95 : memref<1000x32xf32, #tpu.memory_space<hbm>>) dst(%dma_wait3A_93 : memref<1000x32xf32, #tpu.memory_space<vmem_shared>>)
        tpu.yield
      }) : () -> ()
    } else {
    }
    %lt3A_6 = arith.constant 10 : i32
    %lt3A_7 = arith.cmpi slt, %arg1, %lt3A_6 : i32
    %eq3A_8 = arith.constant 1 : i32
    %eq3A_9 = arith.cmpi eq, %arg0, %eq3A_8 : i32
    %and3A_10 = arith.andi %lt3A_7, %eq3A_9 : i1
    %convert_element_type3A_11 = arith.extui %and3A_10 : i1 to i32
    %cond3A_12 = arith.constant 0 : i32
    %cond3A_13 = arith.cmpi ne, %convert_element_type3A_11, %cond3A_12 : i32
    scf.if %cond3A_13 {
      "tpu.region"() ({
        %run_scoped3A_87 = tpu.sem_alloc : memref<!tpu.dma_semaphore, #tpu.memory_space<semaphore_mem>>
        %dma_start3A_88 = arith.constant 0 : i32
        %dma_start3A_89 = tpu.memref_slice %arg9[%mul3A_2, %dma_start3A_88] : memref<10000x32xf32, #tpu.memory_space<vmem_shared>> -> memref<1000x32xf32, #tpu.memory_space<vmem_shared>>
        %dma_start3A_90 = arith.constant 0 : i32
        %dma_start3A_91 = tpu.memref_slice %arg4[%mul3A_2, %dma_start3A_90] : memref<10000x32xf32, #tpu.memory_space<hbm>> -> memref<1000x32xf32, #tpu.memory_space<hbm>>
        tpu.enqueue_dma source(%dma_start3A_91 : memref<1000x32xf32, #tpu.memory_space<hbm>>) target(%dma_start3A_89 : memref<1000x32xf32, #tpu.memory_space<vmem_shared>>) target_semaphore(%run_scoped3A_87 : memref<!tpu.dma_semaphore, #tpu.memory_space<semaphore_mem>>)
        %dma_wait3A_92 = arith.constant 0 : i32
        %dma_wait3A_93 = tpu.memref_slice %arg9[%mul3A_2, %dma_wait3A_92] : memref<10000x32xf32, #tpu.memory_space<vmem_shared>> -> memref<1000x32xf32, #tpu.memory_space<vmem_shared>>
        %dma_wait3A_94 = arith.constant 0 : i32
        %dma_wait3A_95 = tpu.memref_slice %arg4[%mul3A_2, %dma_wait3A_94] : memref<10000x32xf32, #tpu.memory_space<hbm>> -> memref<1000x32xf32, #tpu.memory_space<hbm>>
        tpu.wait_dma2 semaphore(%run_scoped3A_87 : memref<!tpu.dma_semaphore, #tpu.memory_space<semaphore_mem>>) src(%dma_wait3A_95 : memref<1000x32xf32, #tpu.memory_space<hbm>>) dst(%dma_wait3A_93 : memref<1000x32xf32, #tpu.memory_space<vmem_shared>>)
        tpu.yield
      }) : () -> ()
    } else {
    }
    %mul3A_14 = arith.constant 80 : i32
    %mul3A_15 = arith.muli %add3A, %mul3A_14 : i32
    %run_scoped3A = arith.constant 0 : i32
    "tpu.region"() ({
      %run_scoped3A_87 = tpu.sem_alloc : memref<!tpu.dma_semaphore, #tpu.memory_space<semaphore_mem>>
      %dma_start3A_88 = arith.constant 0 : i32
      %dma_start3A_89 = tpu.memref_slice %arg3[%run_scoped3A, %mul3A_15, %dma_start3A_88] : memref<2x2560x125xi32, #tpu.memory_space<hbm>> -> memref<1x80x125xi32, #tpu.memory_space<hbm>>
      %dma_start3A_90 = tpu.memref_squeeze %dma_start3A_89 : memref<1x80x125xi32, #tpu.memory_space<hbm>> -> memref<80x125xi32, #tpu.memory_space<hbm>>
      %dma_start3A_91 = arith.constant 0 : i32
      %dma_start3A_92 = tpu.memref_slice %arg3[%run_scoped3A, %mul3A_15, %dma_start3A_91] : memref<2x2560x125xi32, #tpu.memory_space<hbm>> -> memref<1x80x125xi32, #tpu.memory_space<hbm>>
      %dma_start3A_93 = tpu.memref_squeeze %dma_start3A_92 : memref<1x80x125xi32, #tpu.memory_space<hbm>> -> memref<80x125xi32, #tpu.memory_space<hbm>>
      tpu.enqueue_dma source(%dma_start3A_93 : memref<80x125xi32, #tpu.memory_space<hbm>>) target(%arg6 : memref<80x125xi32, #tpu.memory_space<vmem>>) target_semaphore(%run_scoped3A_87 : memref<!tpu.dma_semaphore, #tpu.memory_space<semaphore_mem>>)
      %dma_wait3A_94 = arith.constant 0 : i32
      %dma_wait3A_95 = tpu.memref_slice %arg3[%run_scoped3A, %mul3A_15, %dma_wait3A_94] : memref<2x2560x125xi32, #tpu.memory_space<hbm>> -> memref<1x80x125xi32, #tpu.memory_space<hbm>>
      %dma_wait3A_96 = tpu.memref_squeeze %dma_wait3A_95 : memref<1x80x125xi32, #tpu.memory_space<hbm>> -> memref<80x125xi32, #tpu.memory_space<hbm>>
      %dma_wait3A_97 = arith.constant 0 : i32
      %dma_wait3A_98 = tpu.memref_slice %arg3[%run_scoped3A, %mul3A_15, %dma_wait3A_97] : memref<2x2560x125xi32, #tpu.memory_space<hbm>> -> memref<1x80x125xi32, #tpu.memory_space<hbm>>
      %dma_wait3A_99 = tpu.memref_squeeze %dma_wait3A_98 : memref<1x80x125xi32, #tpu.memory_space<hbm>> -> memref<80x125xi32, #tpu.memory_space<hbm>>
      tpu.wait_dma2 semaphore(%run_scoped3A_87 : memref<!tpu.dma_semaphore, #tpu.memory_space<semaphore_mem>>) src(%dma_wait3A_99 : memref<80x125xi32, #tpu.memory_space<hbm>>) dst(%arg6 : memref<80x125xi32, #tpu.memory_space<vmem>>)
      tpu.yield
    }) : () -> ()
    %mul3A_16 = arith.constant 80 : i32
    %mul3A_17 = arith.muli %add3A, %mul3A_16 : i32
    %run_scoped3A_18 = arith.constant 1 : i32
    "tpu.region"() ({
      %run_scoped3A_87 = tpu.sem_alloc : memref<!tpu.dma_semaphore, #tpu.memory_space<semaphore_mem>>
      %dma_start3A_88 = arith.constant 0 : i32
      %dma_start3A_89 = tpu.memref_slice %arg3[%run_scoped3A_18, %mul3A_17, %dma_start3A_88] : memref<2x2560x125xi32, #tpu.memory_space<hbm>> -> memref<1x80x125xi32, #tpu.memory_space<hbm>>
      %dma_start3A_90 = tpu.memref_squeeze %dma_start3A_89 : memref<1x80x125xi32, #tpu.memory_space<hbm>> -> memref<80x125xi32, #tpu.memory_space<hbm>>
      %dma_start3A_91 = arith.constant 0 : i32
      %dma_start3A_92 = tpu.memref_slice %arg3[%run_scoped3A_18, %mul3A_17, %dma_start3A_91] : memref<2x2560x125xi32, #tpu.memory_space<hbm>> -> memref<1x80x125xi32, #tpu.memory_space<hbm>>
      %dma_start3A_93 = tpu.memref_squeeze %dma_start3A_92 : memref<1x80x125xi32, #tpu.memory_space<hbm>> -> memref<80x125xi32, #tpu.memory_space<hbm>>
      tpu.enqueue_dma source(%dma_start3A_93 : memref<80x125xi32, #tpu.memory_space<hbm>>) target(%arg7 : memref<80x125xi32, #tpu.memory_space<vmem>>) target_semaphore(%run_scoped3A_87 : memref<!tpu.dma_semaphore, #tpu.memory_space<semaphore_mem>>)
      %dma_wait3A_94 = arith.constant 0 : i32
      %dma_wait3A_95 = tpu.memref_slice %arg3[%run_scoped3A_18, %mul3A_17, %dma_wait3A_94] : memref<2x2560x125xi32, #tpu.memory_space<hbm>> -> memref<1x80x125xi32, #tpu.memory_space<hbm>>
      %dma_wait3A_96 = tpu.memref_squeeze %dma_wait3A_95 : memref<1x80x125xi32, #tpu.memory_space<hbm>> -> memref<80x125xi32, #tpu.memory_space<hbm>>
      %dma_wait3A_97 = arith.constant 0 : i32
      %dma_wait3A_98 = tpu.memref_slice %arg3[%run_scoped3A_18, %mul3A_17, %dma_wait3A_97] : memref<2x2560x125xi32, #tpu.memory_space<hbm>> -> memref<1x80x125xi32, #tpu.memory_space<hbm>>
      %dma_wait3A_99 = tpu.memref_squeeze %dma_wait3A_98 : memref<1x80x125xi32, #tpu.memory_space<hbm>> -> memref<80x125xi32, #tpu.memory_space<hbm>>
      tpu.wait_dma2 semaphore(%run_scoped3A_87 : memref<!tpu.dma_semaphore, #tpu.memory_space<semaphore_mem>>) src(%dma_wait3A_99 : memref<80x125xi32, #tpu.memory_space<hbm>>) dst(%arg7 : memref<80x125xi32, #tpu.memory_space<vmem>>)
      tpu.yield
    }) : () -> ()
    %barrier3A = arith.constant 0 : index
    tpu.barrier barrier_id(%barrier3A)
    %dma_start3A = arith.constant 0 : i32
    %dma_start3A_19 = arith.constant 0 : i32
    %dma_start3A_20 = arith.constant 0 : i32
    %dma_start3A_21 = arith.constant 0 : i32
    %dma_start3A_22 = arith.constant 0 : i32
    %dma_start3A_23 = tpu.memref_slice %arg8[%dma_start3A_19, %dma_start3A_21, %dma_start3A_22] : memref<4x125x32xf32, #tpu.memory_space<vmem>> -> memref<1x125x32xf32, #tpu.memory_space<vmem>>
    %dma_start3A_24 = tpu.memref_squeeze %dma_start3A_23 : memref<1x125x32xf32, #tpu.memory_space<vmem>> -> memref<125x32xf32, #tpu.memory_space<vmem>>
    %dma_start3A_25 = arith.constant 0 : i32
    %dma_start3A_26 = tpu.memref_slice %arg6[%dma_start3A, %dma_start3A_25] : memref<80x125xi32, #tpu.memory_space<vmem>> -> memref<1x125xi32, #tpu.memory_space<vmem>>
    %dma_start3A_27 = tpu.memref_squeeze %dma_start3A_26 : memref<1x125xi32, #tpu.memory_space<vmem>> -> memref<125xi32, #tpu.memory_space<vmem>>
    %dma_start3A_28 = arith.constant 0 : i32
    %dma_start3A_29 = arith.constant 0 : i32
    %dma_start3A_30 = tpu.memref_slice %arg2[%dma_start3A_28, %dma_start3A_29] : memref<10000x32xf32, #tpu.memory_space<hbm>> -> memref<10000x32xf32, #tpu.memory_space<hbm>>
    %dma_start3A_31 = tpu.memref_slice %arg10[%dma_start3A_20] : memref<4x!tpu.dma_semaphore, #tpu.memory_space<semaphore_mem>> -> memref<1x!tpu.dma_semaphore, #tpu.memory_space<semaphore_mem>>
    %dma_start3A_32 = tpu.memref_squeeze %dma_start3A_31 : memref<1x!tpu.dma_semaphore, #tpu.memory_space<semaphore_mem>> -> memref<!tpu.dma_semaphore, #tpu.memory_space<semaphore_mem>>
    tpu.enqueue_indirect_dma source(%dma_start3A_30 : memref<10000x32xf32, #tpu.memory_space<hbm>>) target(%dma_start3A_24 : memref<125x32xf32, #tpu.memory_space<vmem>>) offsets(%dma_start3A_27 : memref<125xi32, #tpu.memory_space<vmem>>) semaphore(%dma_start3A_32 : memref<!tpu.dma_semaphore, #tpu.memory_space<semaphore_mem>>)
    %dma_start3A_33 = arith.constant 1 : i32
    %dma_start3A_34 = arith.constant 1 : i32
    %dma_start3A_35 = arith.constant 1 : i32
    %dma_start3A_36 = arith.constant 0 : i32
    %dma_start3A_37 = arith.constant 0 : i32
    %dma_start3A_38 = tpu.memref_slice %arg8[%dma_start3A_34, %dma_start3A_36, %dma_start3A_37] : memref<4x125x32xf32, #tpu.memory_space<vmem>> -> memref<1x125x32xf32, #tpu.memory_space<vmem>>
    %dma_start3A_39 = tpu.memref_squeeze %dma_start3A_38 : memref<1x125x32xf32, #tpu.memory_space<vmem>> -> memref<125x32xf32, #tpu.memory_space<vmem>>
    %dma_start3A_40 = arith.constant 0 : i32
    %dma_start3A_41 = tpu.memref_slice %arg6[%dma_start3A_33, %dma_start3A_40] : memref<80x125xi32, #tpu.memory_space<vmem>> -> memref<1x125xi32, #tpu.memory_space<vmem>>
    %dma_start3A_42 = tpu.memref_squeeze %dma_start3A_41 : memref<1x125xi32, #tpu.memory_space<vmem>> -> memref<125xi32, #tpu.memory_space<vmem>>
    %dma_start3A_43 = arith.constant 0 : i32
    %dma_start3A_44 = arith.constant 0 : i32
    %dma_start3A_45 = tpu.memref_slice %arg2[%dma_start3A_43, %dma_start3A_44] : memref<10000x32xf32, #tpu.memory_space<hbm>> -> memref<10000x32xf32, #tpu.memory_space<hbm>>
    %dma_start3A_46 = tpu.memref_slice %arg10[%dma_start3A_35] : memref<4x!tpu.dma_semaphore, #tpu.memory_space<semaphore_mem>> -> memref<1x!tpu.dma_semaphore, #tpu.memory_space<semaphore_mem>>
    %dma_start3A_47 = tpu.memref_squeeze %dma_start3A_46 : memref<1x!tpu.dma_semaphore, #tpu.memory_space<semaphore_mem>> -> memref<!tpu.dma_semaphore, #tpu.memory_space<semaphore_mem>>
    tpu.enqueue_indirect_dma source(%dma_start3A_45 : memref<10000x32xf32, #tpu.memory_space<hbm>>) target(%dma_start3A_39 : memref<125x32xf32, #tpu.memory_space<vmem>>) offsets(%dma_start3A_42 : memref<125xi32, #tpu.memory_space<vmem>>) semaphore(%dma_start3A_47 : memref<!tpu.dma_semaphore, #tpu.memory_space<semaphore_mem>>)
    %scan3A = arith.constant 0 : i32
    %scan3A_48 = arith.constant 20 : i32
    %scan3A_49 = arith.addi %scan3A, %scan3A_48 : i32
    %scan3A_50 = arith.constant 1 : i32
    scf.for %scan3A_87 = %scan3A to %scan3A_49 step %scan3A_50  : i32 {
      %mul3A_88 = arith.constant 4 : i32
      %mul3A_89 = arith.muli %scan3A_87, %mul3A_88 : i32
      %add3A_90 = arith.constant 0 : i32
      %add3A_91 = arith.addi %add3A_90, %mul3A_89 : i32
      %add3A_92 = arith.constant 0 : i32
      %add3A_93 = arith.addi %add3A_91, %add3A_92 : i32
      %add3A_94 = arith.constant 2 : i32
      %add3A_95 = arith.addi %add3A_93, %add3A_94 : i32
      %ge3A = arith.constant 4 : i32
      %ge3A_96 = arith.cmpi sge, %add3A_95, %ge3A : i32
      %convert_element_type3A_97 = arith.extui %ge3A_96 : i1 to i32
      %cond3A_98 = arith.constant 0 : i32
      %cond3A_99 = arith.cmpi ne, %convert_element_type3A_97, %cond3A_98 : i32
      scf.if %cond3A_99 {
        %add3A_267 = arith.constant 2 : i32
        %add3A_268 = arith.addi %add3A_93, %add3A_267 : i32
        %sub3A = arith.constant 4 : i32
        %sub3A_269 = arith.subi %add3A_268, %sub3A : i32
        %dma_wait3A_270 = arith.constant 2 : i32
        %dma_wait3A_271 = arith.constant 2 : i32
        %dma_wait3A_272 = arith.constant 0 : i32
        %dma_wait3A_273 = arith.constant 0 : i32
        %dma_wait3A_274 = tpu.memref_slice %arg8[%dma_wait3A_270, %dma_wait3A_272, %dma_wait3A_273] : memref<4x125x32xf32, #tpu.memory_space<vmem>> -> memref<1x125x32xf32, #tpu.memory_space<vmem>>
        %dma_wait3A_275 = tpu.memref_squeeze %dma_wait3A_274 : memref<1x125x32xf32, #tpu.memory_space<vmem>> -> memref<125x32xf32, #tpu.memory_space<vmem>>
        %dma_wait3A_276 = arith.constant 0 : i32
        %dma_wait3A_277 = tpu.memref_slice %arg7[%sub3A_269, %dma_wait3A_276] : memref<80x125xi32, #tpu.memory_space<vmem>> -> memref<1x125xi32, #tpu.memory_space<vmem>>
        %dma_wait3A_278 = tpu.memref_squeeze %dma_wait3A_277 : memref<1x125xi32, #tpu.memory_space<vmem>> -> memref<125xi32, #tpu.memory_space<vmem>>
        %dma_wait3A_279 = arith.constant 0 : i32
        %dma_wait3A_280 = arith.constant 0 : i32
        %dma_wait3A_281 = tpu.memref_slice %arg9[%dma_wait3A_279, %dma_wait3A_280] : memref<10000x32xf32, #tpu.memory_space<vmem_shared>> -> memref<10000x32xf32, #tpu.memory_space<vmem_shared>>
        %dma_wait3A_282 = tpu.memref_slice %arg11[%dma_wait3A_271] : memref<4x!tpu.dma_semaphore, #tpu.memory_space<semaphore_mem>> -> memref<1x!tpu.dma_semaphore, #tpu.memory_space<semaphore_mem>>
        %dma_wait3A_283 = tpu.memref_squeeze %dma_wait3A_282 : memref<1x!tpu.dma_semaphore, #tpu.memory_space<semaphore_mem>> -> memref<!tpu.dma_semaphore, #tpu.memory_space<semaphore_mem>>
        tpu.wait_indirect_dma semaphore(%dma_wait3A_283 : memref<!tpu.dma_semaphore, #tpu.memory_space<semaphore_mem>>) src(%dma_wait3A_275 : memref<125x32xf32, #tpu.memory_space<vmem>>) dst(%dma_wait3A_281 : memref<10000x32xf32, #tpu.memory_space<vmem_shared>>)
      } else {
      }
      %add3A_100 = arith.constant 2 : i32
      %add3A_101 = arith.addi %add3A_93, %add3A_100 : i32
      %lt3A_102 = arith.constant 80 : i32
      %lt3A_103 = arith.cmpi slt, %add3A_101, %lt3A_102 : i32
      %convert_element_type3A_104 = arith.extui %lt3A_103 : i1 to i32
      %cond3A_105 = arith.constant 0 : i32
      %cond3A_106 = arith.cmpi ne, %convert_element_type3A_104, %cond3A_105 : i32
      scf.if %cond3A_106 {
        %add3A_267 = arith.constant 2 : i32
        %add3A_268 = arith.addi %add3A_93, %add3A_267 : i32
        %dma_start3A_269 = arith.constant 2 : i32
        %dma_start3A_270 = arith.constant 2 : i32
        %dma_start3A_271 = arith.constant 0 : i32
        %dma_start3A_272 = arith.constant 0 : i32
        %dma_start3A_273 = tpu.memref_slice %arg8[%dma_start3A_269, %dma_start3A_271, %dma_start3A_272] : memref<4x125x32xf32, #tpu.memory_space<vmem>> -> memref<1x125x32xf32, #tpu.memory_space<vmem>>
        %dma_start3A_274 = tpu.memref_squeeze %dma_start3A_273 : memref<1x125x32xf32, #tpu.memory_space<vmem>> -> memref<125x32xf32, #tpu.memory_space<vmem>>
        %dma_start3A_275 = arith.constant 0 : i32
        %dma_start3A_276 = tpu.memref_slice %arg6[%add3A_268, %dma_start3A_275] : memref<80x125xi32, #tpu.memory_space<vmem>> -> memref<1x125xi32, #tpu.memory_space<vmem>>
        %dma_start3A_277 = tpu.memref_squeeze %dma_start3A_276 : memref<1x125xi32, #tpu.memory_space<vmem>> -> memref<125xi32, #tpu.memory_space<vmem>>
        %dma_start3A_278 = arith.constant 0 : i32
        %dma_start3A_279 = arith.constant 0 : i32
        %dma_start3A_280 = tpu.memref_slice %arg2[%dma_start3A_278, %dma_start3A_279] : memref<10000x32xf32, #tpu.memory_space<hbm>> -> memref<10000x32xf32, #tpu.memory_space<hbm>>
        %dma_start3A_281 = tpu.memref_slice %arg10[%dma_start3A_270] : memref<4x!tpu.dma_semaphore, #tpu.memory_space<semaphore_mem>> -> memref<1x!tpu.dma_semaphore, #tpu.memory_space<semaphore_mem>>
        %dma_start3A_282 = tpu.memref_squeeze %dma_start3A_281 : memref<1x!tpu.dma_semaphore, #tpu.memory_space<semaphore_mem>> -> memref<!tpu.dma_semaphore, #tpu.memory_space<semaphore_mem>>
        tpu.enqueue_indirect_dma source(%dma_start3A_280 : memref<10000x32xf32, #tpu.memory_space<hbm>>) target(%dma_start3A_274 : memref<125x32xf32, #tpu.memory_space<vmem>>) offsets(%dma_start3A_277 : memref<125xi32, #tpu.memory_space<vmem>>) semaphore(%dma_start3A_282 : memref<!tpu.dma_semaphore, #tpu.memory_space<semaphore_mem>>)
      } else {
      }
      %dma_wait3A_107 = arith.constant 0 : i32
      %dma_wait3A_108 = arith.constant 0 : i32
      %dma_wait3A_109 = arith.constant 0 : i32
      %dma_wait3A_110 = arith.constant 0 : i32
      %dma_wait3A_111 = tpu.memref_slice %arg8[%dma_wait3A_107, %dma_wait3A_109, %dma_wait3A_110] : memref<4x125x32xf32, #tpu.memory_space<vmem>> -> memref<1x125x32xf32, #tpu.memory_space<vmem>>
      %dma_wait3A_112 = tpu.memref_squeeze %dma_wait3A_111 : memref<1x125x32xf32, #tpu.memory_space<vmem>> -> memref<125x32xf32, #tpu.memory_space<vmem>>
      %dma_wait3A_113 = arith.constant 0 : i32
      %dma_wait3A_114 = tpu.memref_slice %arg6[%add3A_93, %dma_wait3A_113] : memref<80x125xi32, #tpu.memory_space<vmem>> -> memref<1x125xi32, #tpu.memory_space<vmem>>
      %dma_wait3A_115 = tpu.memref_squeeze %dma_wait3A_114 : memref<1x125xi32, #tpu.memory_space<vmem>> -> memref<125xi32, #tpu.memory_space<vmem>>
      %dma_wait3A_116 = arith.constant 0 : i32
      %dma_wait3A_117 = arith.constant 0 : i32
      %dma_wait3A_118 = tpu.memref_slice %arg2[%dma_wait3A_116, %dma_wait3A_117] : memref<10000x32xf32, #tpu.memory_space<hbm>> -> memref<10000x32xf32, #tpu.memory_space<hbm>>
      %dma_wait3A_119 = tpu.memref_slice %arg10[%dma_wait3A_108] : memref<4x!tpu.dma_semaphore, #tpu.memory_space<semaphore_mem>> -> memref<1x!tpu.dma_semaphore, #tpu.memory_space<semaphore_mem>>
      %dma_wait3A_120 = tpu.memref_squeeze %dma_wait3A_119 : memref<1x!tpu.dma_semaphore, #tpu.memory_space<semaphore_mem>> -> memref<!tpu.dma_semaphore, #tpu.memory_space<semaphore_mem>>
      tpu.wait_indirect_dma semaphore(%dma_wait3A_120 : memref<!tpu.dma_semaphore, #tpu.memory_space<semaphore_mem>>) src(%dma_wait3A_118 : memref<10000x32xf32, #tpu.memory_space<hbm>>) dst(%dma_wait3A_112 : memref<125x32xf32, #tpu.memory_space<vmem>>)
      %dma_start3A_121 = arith.constant 0 : i32
      %dma_start3A_122 = arith.constant 0 : i32
      %dma_start3A_123 = arith.constant 0 : i32
      %dma_start3A_124 = arith.constant 0 : i32
      %dma_start3A_125 = tpu.memref_slice %arg8[%dma_start3A_121, %dma_start3A_123, %dma_start3A_124] : memref<4x125x32xf32, #tpu.memory_space<vmem>> -> memref<1x125x32xf32, #tpu.memory_space<vmem>>
      %dma_start3A_126 = tpu.memref_squeeze %dma_start3A_125 : memref<1x125x32xf32, #tpu.memory_space<vmem>> -> memref<125x32xf32, #tpu.memory_space<vmem>>
      %dma_start3A_127 = arith.constant 0 : i32
      %dma_start3A_128 = tpu.memref_slice %arg7[%add3A_93, %dma_start3A_127] : memref<80x125xi32, #tpu.memory_space<vmem>> -> memref<1x125xi32, #tpu.memory_space<vmem>>
      %dma_start3A_129 = tpu.memref_squeeze %dma_start3A_128 : memref<1x125xi32, #tpu.memory_space<vmem>> -> memref<125xi32, #tpu.memory_space<vmem>>
      %dma_start3A_130 = arith.constant 0 : i32
      %dma_start3A_131 = arith.constant 0 : i32
      %dma_start3A_132 = tpu.memref_slice %arg9[%dma_start3A_130, %dma_start3A_131] : memref<10000x32xf32, #tpu.memory_space<vmem_shared>> -> memref<10000x32xf32, #tpu.memory_space<vmem_shared>>
      %dma_start3A_133 = tpu.memref_slice %arg11[%dma_start3A_122] : memref<4x!tpu.dma_semaphore, #tpu.memory_space<semaphore_mem>> -> memref<1x!tpu.dma_semaphore, #tpu.memory_space<semaphore_mem>>
      %dma_start3A_134 = tpu.memref_squeeze %dma_start3A_133 : memref<1x!tpu.dma_semaphore, #tpu.memory_space<semaphore_mem>> -> memref<!tpu.dma_semaphore, #tpu.memory_space<semaphore_mem>>
      tpu.enqueue_indirect_dma source(%dma_start3A_126 : memref<125x32xf32, #tpu.memory_space<vmem>>) target(%dma_start3A_132 : memref<10000x32xf32, #tpu.memory_space<vmem_shared>>) offsets(%dma_start3A_129 : memref<125xi32, #tpu.memory_space<vmem>>) semaphore(%dma_start3A_134 : memref<!tpu.dma_semaphore, #tpu.memory_space<semaphore_mem>>) {add = true}
      %add3A_135 = arith.constant 1 : i32
      %add3A_136 = arith.addi %add3A_91, %add3A_135 : i32
      %add3A_137 = arith.constant 2 : i32
      %add3A_138 = arith.addi %add3A_136, %add3A_137 : i32
      %ge3A_139 = arith.constant 4 : i32
      %ge3A_140 = arith.cmpi sge, %add3A_138, %ge3A_139 : i32
      %convert_element_type3A_141 = arith.extui %ge3A_140 : i1 to i32
      %cond3A_142 = arith.constant 0 : i32
      %cond3A_143 = arith.cmpi ne, %convert_element_type3A_141, %cond3A_142 : i32
      scf.if %cond3A_143 {
        %add3A_267 = arith.constant 2 : i32
        %add3A_268 = arith.addi %add3A_136, %add3A_267 : i32
        %sub3A = arith.constant 4 : i32
        %sub3A_269 = arith.subi %add3A_268, %sub3A : i32
        %dma_wait3A_270 = arith.constant 3 : i32
        %dma_wait3A_271 = arith.constant 3 : i32
        %dma_wait3A_272 = arith.constant 0 : i32
        %dma_wait3A_273 = arith.constant 0 : i32
        %dma_wait3A_274 = tpu.memref_slice %arg8[%dma_wait3A_270, %dma_wait3A_272, %dma_wait3A_273] : memref<4x125x32xf32, #tpu.memory_space<vmem>> -> memref<1x125x32xf32, #tpu.memory_space<vmem>>
        %dma_wait3A_275 = tpu.memref_squeeze %dma_wait3A_274 : memref<1x125x32xf32, #tpu.memory_space<vmem>> -> memref<125x32xf32, #tpu.memory_space<vmem>>
        %dma_wait3A_276 = arith.constant 0 : i32
        %dma_wait3A_277 = tpu.memref_slice %arg7[%sub3A_269, %dma_wait3A_276] : memref<80x125xi32, #tpu.memory_space<vmem>> -> memref<1x125xi32, #tpu.memory_space<vmem>>
        %dma_wait3A_278 = tpu.memref_squeeze %dma_wait3A_277 : memref<1x125xi32, #tpu.memory_space<vmem>> -> memref<125xi32, #tpu.memory_space<vmem>>
        %dma_wait3A_279 = arith.constant 0 : i32
        %dma_wait3A_280 = arith.constant 0 : i32
        %dma_wait3A_281 = tpu.memref_slice %arg9[%dma_wait3A_279, %dma_wait3A_280] : memref<10000x32xf32, #tpu.memory_space<vmem_shared>> -> memref<10000x32xf32, #tpu.memory_space<vmem_shared>>
        %dma_wait3A_282 = tpu.memref_slice %arg11[%dma_wait3A_271] : memref<4x!tpu.dma_semaphore, #tpu.memory_space<semaphore_mem>> -> memref<1x!tpu.dma_semaphore, #tpu.memory_space<semaphore_mem>>
        %dma_wait3A_283 = tpu.memref_squeeze %dma_wait3A_282 : memref<1x!tpu.dma_semaphore, #tpu.memory_space<semaphore_mem>> -> memref<!tpu.dma_semaphore, #tpu.memory_space<semaphore_mem>>
        tpu.wait_indirect_dma semaphore(%dma_wait3A_283 : memref<!tpu.dma_semaphore, #tpu.memory_space<semaphore_mem>>) src(%dma_wait3A_275 : memref<125x32xf32, #tpu.memory_space<vmem>>) dst(%dma_wait3A_281 : memref<10000x32xf32, #tpu.memory_space<vmem_shared>>)
      } else {
      }
      %add3A_144 = arith.constant 2 : i32
      %add3A_145 = arith.addi %add3A_136, %add3A_144 : i32
      %lt3A_146 = arith.constant 80 : i32
      %lt3A_147 = arith.cmpi slt, %add3A_145, %lt3A_146 : i32
      %convert_element_type3A_148 = arith.extui %lt3A_147 : i1 to i32
      %cond3A_149 = arith.constant 0 : i32
      %cond3A_150 = arith.cmpi ne, %convert_element_type3A_148, %cond3A_149 : i32
      scf.if %cond3A_150 {
        %add3A_267 = arith.constant 2 : i32
        %add3A_268 = arith.addi %add3A_136, %add3A_267 : i32
        %dma_start3A_269 = arith.constant 3 : i32
        %dma_start3A_270 = arith.constant 3 : i32
        %dma_start3A_271 = arith.constant 0 : i32
        %dma_start3A_272 = arith.constant 0 : i32
        %dma_start3A_273 = tpu.memref_slice %arg8[%dma_start3A_269, %dma_start3A_271, %dma_start3A_272] : memref<4x125x32xf32, #tpu.memory_space<vmem>> -> memref<1x125x32xf32, #tpu.memory_space<vmem>>
        %dma_start3A_274 = tpu.memref_squeeze %dma_start3A_273 : memref<1x125x32xf32, #tpu.memory_space<vmem>> -> memref<125x32xf32, #tpu.memory_space<vmem>>
        %dma_start3A_275 = arith.constant 0 : i32
        %dma_start3A_276 = tpu.memref_slice %arg6[%add3A_268, %dma_start3A_275] : memref<80x125xi32, #tpu.memory_space<vmem>> -> memref<1x125xi32, #tpu.memory_space<vmem>>
        %dma_start3A_277 = tpu.memref_squeeze %dma_start3A_276 : memref<1x125xi32, #tpu.memory_space<vmem>> -> memref<125xi32, #tpu.memory_space<vmem>>
        %dma_start3A_278 = arith.constant 0 : i32
        %dma_start3A_279 = arith.constant 0 : i32
        %dma_start3A_280 = tpu.memref_slice %arg2[%dma_start3A_278, %dma_start3A_279] : memref<10000x32xf32, #tpu.memory_space<hbm>> -> memref<10000x32xf32, #tpu.memory_space<hbm>>
        %dma_start3A_281 = tpu.memref_slice %arg10[%dma_start3A_270] : memref<4x!tpu.dma_semaphore, #tpu.memory_space<semaphore_mem>> -> memref<1x!tpu.dma_semaphore, #tpu.memory_space<semaphore_mem>>
        %dma_start3A_282 = tpu.memref_squeeze %dma_start3A_281 : memref<1x!tpu.dma_semaphore, #tpu.memory_space<semaphore_mem>> -> memref<!tpu.dma_semaphore, #tpu.memory_space<semaphore_mem>>
        tpu.enqueue_indirect_dma source(%dma_start3A_280 : memref<10000x32xf32, #tpu.memory_space<hbm>>) target(%dma_start3A_274 : memref<125x32xf32, #tpu.memory_space<vmem>>) offsets(%dma_start3A_277 : memref<125xi32, #tpu.memory_space<vmem>>) semaphore(%dma_start3A_282 : memref<!tpu.dma_semaphore, #tpu.memory_space<semaphore_mem>>)
      } else {
      }
      %dma_wait3A_151 = arith.constant 1 : i32
      %dma_wait3A_152 = arith.constant 1 : i32
      %dma_wait3A_153 = arith.constant 0 : i32
      %dma_wait3A_154 = arith.constant 0 : i32
      %dma_wait3A_155 = tpu.memref_slice %arg8[%dma_wait3A_151, %dma_wait3A_153, %dma_wait3A_154] : memref<4x125x32xf32, #tpu.memory_space<vmem>> -> memref<1x125x32xf32, #tpu.memory_space<vmem>>
      %dma_wait3A_156 = tpu.memref_squeeze %dma_wait3A_155 : memref<1x125x32xf32, #tpu.memory_space<vmem>> -> memref<125x32xf32, #tpu.memory_space<vmem>>
      %dma_wait3A_157 = arith.constant 0 : i32
      %dma_wait3A_158 = tpu.memref_slice %arg6[%add3A_136, %dma_wait3A_157] : memref<80x125xi32, #tpu.memory_space<vmem>> -> memref<1x125xi32, #tpu.memory_space<vmem>>
      %dma_wait3A_159 = tpu.memref_squeeze %dma_wait3A_158 : memref<1x125xi32, #tpu.memory_space<vmem>> -> memref<125xi32, #tpu.memory_space<vmem>>
      %dma_wait3A_160 = arith.constant 0 : i32
      %dma_wait3A_161 = arith.constant 0 : i32
      %dma_wait3A_162 = tpu.memref_slice %arg2[%dma_wait3A_160, %dma_wait3A_161] : memref<10000x32xf32, #tpu.memory_space<hbm>> -> memref<10000x32xf32, #tpu.memory_space<hbm>>
      %dma_wait3A_163 = tpu.memref_slice %arg10[%dma_wait3A_152] : memref<4x!tpu.dma_semaphore, #tpu.memory_space<semaphore_mem>> -> memref<1x!tpu.dma_semaphore, #tpu.memory_space<semaphore_mem>>
      %dma_wait3A_164 = tpu.memref_squeeze %dma_wait3A_163 : memref<1x!tpu.dma_semaphore, #tpu.memory_space<semaphore_mem>> -> memref<!tpu.dma_semaphore, #tpu.memory_space<semaphore_mem>>
      tpu.wait_indirect_dma semaphore(%dma_wait3A_164 : memref<!tpu.dma_semaphore, #tpu.memory_space<semaphore_mem>>) src(%dma_wait3A_162 : memref<10000x32xf32, #tpu.memory_space<hbm>>) dst(%dma_wait3A_156 : memref<125x32xf32, #tpu.memory_space<vmem>>)
      %dma_start3A_165 = arith.constant 1 : i32
      %dma_start3A_166 = arith.constant 1 : i32
      %dma_start3A_167 = arith.constant 0 : i32
      %dma_start3A_168 = arith.constant 0 : i32
      %dma_start3A_169 = tpu.memref_slice %arg8[%dma_start3A_165, %dma_start3A_167, %dma_start3A_168] : memref<4x125x32xf32, #tpu.memory_space<vmem>> -> memref<1x125x32xf32, #tpu.memory_space<vmem>>
      %dma_start3A_170 = tpu.memref_squeeze %dma_start3A_169 : memref<1x125x32xf32, #tpu.memory_space<vmem>> -> memref<125x32xf32, #tpu.memory_space<vmem>>
      %dma_start3A_171 = arith.constant 0 : i32
      %dma_start3A_172 = tpu.memref_slice %arg7[%add3A_136, %dma_start3A_171] : memref<80x125xi32, #tpu.memory_space<vmem>> -> memref<1x125xi32, #tpu.memory_space<vmem>>
      %dma_start3A_173 = tpu.memref_squeeze %dma_start3A_172 : memref<1x125xi32, #tpu.memory_space<vmem>> -> memref<125xi32, #tpu.memory_space<vmem>>
      %dma_start3A_174 = arith.constant 0 : i32
      %dma_start3A_175 = arith.constant 0 : i32
      %dma_start3A_176 = tpu.memref_slice %arg9[%dma_start3A_174, %dma_start3A_175] : memref<10000x32xf32, #tpu.memory_space<vmem_shared>> -> memref<10000x32xf32, #tpu.memory_space<vmem_shared>>
      %dma_start3A_177 = tpu.memref_slice %arg11[%dma_start3A_166] : memref<4x!tpu.dma_semaphore, #tpu.memory_space<semaphore_mem>> -> memref<1x!tpu.dma_semaphore, #tpu.memory_space<semaphore_mem>>
      %dma_start3A_178 = tpu.memref_squeeze %dma_start3A_177 : memref<1x!tpu.dma_semaphore, #tpu.memory_space<semaphore_mem>> -> memref<!tpu.dma_semaphore, #tpu.memory_space<semaphore_mem>>
      tpu.enqueue_indirect_dma source(%dma_start3A_170 : memref<125x32xf32, #tpu.memory_space<vmem>>) target(%dma_start3A_176 : memref<10000x32xf32, #tpu.memory_space<vmem_shared>>) offsets(%dma_start3A_173 : memref<125xi32, #tpu.memory_space<vmem>>) semaphore(%dma_start3A_178 : memref<!tpu.dma_semaphore, #tpu.memory_space<semaphore_mem>>) {add = true}
      %add3A_179 = arith.constant 2 : i32
      %add3A_180 = arith.addi %add3A_91, %add3A_179 : i32
      %add3A_181 = arith.constant 2 : i32
      %add3A_182 = arith.addi %add3A_180, %add3A_181 : i32
      %ge3A_183 = arith.constant 4 : i32
      %ge3A_184 = arith.cmpi sge, %add3A_182, %ge3A_183 : i32
      %convert_element_type3A_185 = arith.extui %ge3A_184 : i1 to i32
      %cond3A_186 = arith.constant 0 : i32
      %cond3A_187 = arith.cmpi ne, %convert_element_type3A_185, %cond3A_186 : i32
      scf.if %cond3A_187 {
        %add3A_267 = arith.constant 2 : i32
        %add3A_268 = arith.addi %add3A_180, %add3A_267 : i32
        %sub3A = arith.constant 4 : i32
        %sub3A_269 = arith.subi %add3A_268, %sub3A : i32
        %dma_wait3A_270 = arith.constant 0 : i32
        %dma_wait3A_271 = arith.constant 0 : i32
        %dma_wait3A_272 = arith.constant 0 : i32
        %dma_wait3A_273 = arith.constant 0 : i32
        %dma_wait3A_274 = tpu.memref_slice %arg8[%dma_wait3A_270, %dma_wait3A_272, %dma_wait3A_273] : memref<4x125x32xf32, #tpu.memory_space<vmem>> -> memref<1x125x32xf32, #tpu.memory_space<vmem>>
        %dma_wait3A_275 = tpu.memref_squeeze %dma_wait3A_274 : memref<1x125x32xf32, #tpu.memory_space<vmem>> -> memref<125x32xf32, #tpu.memory_space<vmem>>
        %dma_wait3A_276 = arith.constant 0 : i32
        %dma_wait3A_277 = tpu.memref_slice %arg7[%sub3A_269, %dma_wait3A_276] : memref<80x125xi32, #tpu.memory_space<vmem>> -> memref<1x125xi32, #tpu.memory_space<vmem>>
        %dma_wait3A_278 = tpu.memref_squeeze %dma_wait3A_277 : memref<1x125xi32, #tpu.memory_space<vmem>> -> memref<125xi32, #tpu.memory_space<vmem>>
        %dma_wait3A_279 = arith.constant 0 : i32
        %dma_wait3A_280 = arith.constant 0 : i32
        %dma_wait3A_281 = tpu.memref_slice %arg9[%dma_wait3A_279, %dma_wait3A_280] : memref<10000x32xf32, #tpu.memory_space<vmem_shared>> -> memref<10000x32xf32, #tpu.memory_space<vmem_shared>>
        %dma_wait3A_282 = tpu.memref_slice %arg11[%dma_wait3A_271] : memref<4x!tpu.dma_semaphore, #tpu.memory_space<semaphore_mem>> -> memref<1x!tpu.dma_semaphore, #tpu.memory_space<semaphore_mem>>
        %dma_wait3A_283 = tpu.memref_squeeze %dma_wait3A_282 : memref<1x!tpu.dma_semaphore, #tpu.memory_space<semaphore_mem>> -> memref<!tpu.dma_semaphore, #tpu.memory_space<semaphore_mem>>
        tpu.wait_indirect_dma semaphore(%dma_wait3A_283 : memref<!tpu.dma_semaphore, #tpu.memory_space<semaphore_mem>>) src(%dma_wait3A_275 : memref<125x32xf32, #tpu.memory_space<vmem>>) dst(%dma_wait3A_281 : memref<10000x32xf32, #tpu.memory_space<vmem_shared>>)
      } else {
      }
      %add3A_188 = arith.constant 2 : i32
      %add3A_189 = arith.addi %add3A_180, %add3A_188 : i32
      %lt3A_190 = arith.constant 80 : i32
      %lt3A_191 = arith.cmpi slt, %add3A_189, %lt3A_190 : i32
      %convert_element_type3A_192 = arith.extui %lt3A_191 : i1 to i32
      %cond3A_193 = arith.constant 0 : i32
      %cond3A_194 = arith.cmpi ne, %convert_element_type3A_192, %cond3A_193 : i32
      scf.if %cond3A_194 {
        %add3A_267 = arith.constant 2 : i32
        %add3A_268 = arith.addi %add3A_180, %add3A_267 : i32
        %dma_start3A_269 = arith.constant 0 : i32
        %dma_start3A_270 = arith.constant 0 : i32
        %dma_start3A_271 = arith.constant 0 : i32
        %dma_start3A_272 = arith.constant 0 : i32
        %dma_start3A_273 = tpu.memref_slice %arg8[%dma_start3A_269, %dma_start3A_271, %dma_start3A_272] : memref<4x125x32xf32, #tpu.memory_space<vmem>> -> memref<1x125x32xf32, #tpu.memory_space<vmem>>
        %dma_start3A_274 = tpu.memref_squeeze %dma_start3A_273 : memref<1x125x32xf32, #tpu.memory_space<vmem>> -> memref<125x32xf32, #tpu.memory_space<vmem>>
        %dma_start3A_275 = arith.constant 0 : i32
        %dma_start3A_276 = tpu.memref_slice %arg6[%add3A_268, %dma_start3A_275] : memref<80x125xi32, #tpu.memory_space<vmem>> -> memref<1x125xi32, #tpu.memory_space<vmem>>
        %dma_start3A_277 = tpu.memref_squeeze %dma_start3A_276 : memref<1x125xi32, #tpu.memory_space<vmem>> -> memref<125xi32, #tpu.memory_space<vmem>>
        %dma_start3A_278 = arith.constant 0 : i32
        %dma_start3A_279 = arith.constant 0 : i32
        %dma_start3A_280 = tpu.memref_slice %arg2[%dma_start3A_278, %dma_start3A_279] : memref<10000x32xf32, #tpu.memory_space<hbm>> -> memref<10000x32xf32, #tpu.memory_space<hbm>>
        %dma_start3A_281 = tpu.memref_slice %arg10[%dma_start3A_270] : memref<4x!tpu.dma_semaphore, #tpu.memory_space<semaphore_mem>> -> memref<1x!tpu.dma_semaphore, #tpu.memory_space<semaphore_mem>>
        %dma_start3A_282 = tpu.memref_squeeze %dma_start3A_281 : memref<1x!tpu.dma_semaphore, #tpu.memory_space<semaphore_mem>> -> memref<!tpu.dma_semaphore, #tpu.memory_space<semaphore_mem>>
        tpu.enqueue_indirect_dma source(%dma_start3A_280 : memref<10000x32xf32, #tpu.memory_space<hbm>>) target(%dma_start3A_274 : memref<125x32xf32, #tpu.memory_space<vmem>>) offsets(%dma_start3A_277 : memref<125xi32, #tpu.memory_space<vmem>>) semaphore(%dma_start3A_282 : memref<!tpu.dma_semaphore, #tpu.memory_space<semaphore_mem>>)
      } else {
      }
      %dma_wait3A_195 = arith.constant 2 : i32
      %dma_wait3A_196 = arith.constant 2 : i32
      %dma_wait3A_197 = arith.constant 0 : i32
      %dma_wait3A_198 = arith.constant 0 : i32
      %dma_wait3A_199 = tpu.memref_slice %arg8[%dma_wait3A_195, %dma_wait3A_197, %dma_wait3A_198] : memref<4x125x32xf32, #tpu.memory_space<vmem>> -> memref<1x125x32xf32, #tpu.memory_space<vmem>>
      %dma_wait3A_200 = tpu.memref_squeeze %dma_wait3A_199 : memref<1x125x32xf32, #tpu.memory_space<vmem>> -> memref<125x32xf32, #tpu.memory_space<vmem>>
      %dma_wait3A_201 = arith.constant 0 : i32
      %dma_wait3A_202 = tpu.memref_slice %arg6[%add3A_180, %dma_wait3A_201] : memref<80x125xi32, #tpu.memory_space<vmem>> -> memref<1x125xi32, #tpu.memory_space<vmem>>
      %dma_wait3A_203 = tpu.memref_squeeze %dma_wait3A_202 : memref<1x125xi32, #tpu.memory_space<vmem>> -> memref<125xi32, #tpu.memory_space<vmem>>
      %dma_wait3A_204 = arith.constant 0 : i32
      %dma_wait3A_205 = arith.constant 0 : i32
      %dma_wait3A_206 = tpu.memref_slice %arg2[%dma_wait3A_204, %dma_wait3A_205] : memref<10000x32xf32, #tpu.memory_space<hbm>> -> memref<10000x32xf32, #tpu.memory_space<hbm>>
      %dma_wait3A_207 = tpu.memref_slice %arg10[%dma_wait3A_196] : memref<4x!tpu.dma_semaphore, #tpu.memory_space<semaphore_mem>> -> memref<1x!tpu.dma_semaphore, #tpu.memory_space<semaphore_mem>>
      %dma_wait3A_208 = tpu.memref_squeeze %dma_wait3A_207 : memref<1x!tpu.dma_semaphore, #tpu.memory_space<semaphore_mem>> -> memref<!tpu.dma_semaphore, #tpu.memory_space<semaphore_mem>>
      tpu.wait_indirect_dma semaphore(%dma_wait3A_208 : memref<!tpu.dma_semaphore, #tpu.memory_space<semaphore_mem>>) src(%dma_wait3A_206 : memref<10000x32xf32, #tpu.memory_space<hbm>>) dst(%dma_wait3A_200 : memref<125x32xf32, #tpu.memory_space<vmem>>)
      %dma_start3A_209 = arith.constant 2 : i32
      %dma_start3A_210 = arith.constant 2 : i32
      %dma_start3A_211 = arith.constant 0 : i32
      %dma_start3A_212 = arith.constant 0 : i32
      %dma_start3A_213 = tpu.memref_slice %arg8[%dma_start3A_209, %dma_start3A_211, %dma_start3A_212] : memref<4x125x32xf32, #tpu.memory_space<vmem>> -> memref<1x125x32xf32, #tpu.memory_space<vmem>>
      %dma_start3A_214 = tpu.memref_squeeze %dma_start3A_213 : memref<1x125x32xf32, #tpu.memory_space<vmem>> -> memref<125x32xf32, #tpu.memory_space<vmem>>
      %dma_start3A_215 = arith.constant 0 : i32
      %dma_start3A_216 = tpu.memref_slice %arg7[%add3A_180, %dma_start3A_215] : memref<80x125xi32, #tpu.memory_space<vmem>> -> memref<1x125xi32, #tpu.memory_space<vmem>>
      %dma_start3A_217 = tpu.memref_squeeze %dma_start3A_216 : memref<1x125xi32, #tpu.memory_space<vmem>> -> memref<125xi32, #tpu.memory_space<vmem>>
      %dma_start3A_218 = arith.constant 0 : i32
      %dma_start3A_219 = arith.constant 0 : i32
      %dma_start3A_220 = tpu.memref_slice %arg9[%dma_start3A_218, %dma_start3A_219] : memref<10000x32xf32, #tpu.memory_space<vmem_shared>> -> memref<10000x32xf32, #tpu.memory_space<vmem_shared>>
      %dma_start3A_221 = tpu.memref_slice %arg11[%dma_start3A_210] : memref<4x!tpu.dma_semaphore, #tpu.memory_space<semaphore_mem>> -> memref<1x!tpu.dma_semaphore, #tpu.memory_space<semaphore_mem>>
      %dma_start3A_222 = tpu.memref_squeeze %dma_start3A_221 : memref<1x!tpu.dma_semaphore, #tpu.memory_space<semaphore_mem>> -> memref<!tpu.dma_semaphore, #tpu.memory_space<semaphore_mem>>
      tpu.enqueue_indirect_dma source(%dma_start3A_214 : memref<125x32xf32, #tpu.memory_space<vmem>>) target(%dma_start3A_220 : memref<10000x32xf32, #tpu.memory_space<vmem_shared>>) offsets(%dma_start3A_217 : memref<125xi32, #tpu.memory_space<vmem>>) semaphore(%dma_start3A_222 : memref<!tpu.dma_semaphore, #tpu.memory_space<semaphore_mem>>) {add = true}
      %add3A_223 = arith.constant 3 : i32
      %add3A_224 = arith.addi %add3A_91, %add3A_223 : i32
      %add3A_225 = arith.constant 2 : i32
      %add3A_226 = arith.addi %add3A_224, %add3A_225 : i32
      %ge3A_227 = arith.constant 4 : i32
      %ge3A_228 = arith.cmpi sge, %add3A_226, %ge3A_227 : i32
      %convert_element_type3A_229 = arith.extui %ge3A_228 : i1 to i32
      %cond3A_230 = arith.constant 0 : i32
      %cond3A_231 = arith.cmpi ne, %convert_element_type3A_229, %cond3A_230 : i32
      scf.if %cond3A_231 {
        %add3A_267 = arith.constant 2 : i32
        %add3A_268 = arith.addi %add3A_224, %add3A_267 : i32
        %sub3A = arith.constant 4 : i32
        %sub3A_269 = arith.subi %add3A_268, %sub3A : i32
        %dma_wait3A_270 = arith.constant 1 : i32
        %dma_wait3A_271 = arith.constant 1 : i32
        %dma_wait3A_272 = arith.constant 0 : i32
        %dma_wait3A_273 = arith.constant 0 : i32
        %dma_wait3A_274 = tpu.memref_slice %arg8[%dma_wait3A_270, %dma_wait3A_272, %dma_wait3A_273] : memref<4x125x32xf32, #tpu.memory_space<vmem>> -> memref<1x125x32xf32, #tpu.memory_space<vmem>>
        %dma_wait3A_275 = tpu.memref_squeeze %dma_wait3A_274 : memref<1x125x32xf32, #tpu.memory_space<vmem>> -> memref<125x32xf32, #tpu.memory_space<vmem>>
        %dma_wait3A_276 = arith.constant 0 : i32
        %dma_wait3A_277 = tpu.memref_slice %arg7[%sub3A_269, %dma_wait3A_276] : memref<80x125xi32, #tpu.memory_space<vmem>> -> memref<1x125xi32, #tpu.memory_space<vmem>>
        %dma_wait3A_278 = tpu.memref_squeeze %dma_wait3A_277 : memref<1x125xi32, #tpu.memory_space<vmem>> -> memref<125xi32, #tpu.memory_space<vmem>>
        %dma_wait3A_279 = arith.constant 0 : i32
        %dma_wait3A_280 = arith.constant 0 : i32
        %dma_wait3A_281 = tpu.memref_slice %arg9[%dma_wait3A_279, %dma_wait3A_280] : memref<10000x32xf32, #tpu.memory_space<vmem_shared>> -> memref<10000x32xf32, #tpu.memory_space<vmem_shared>>
        %dma_wait3A_282 = tpu.memref_slice %arg11[%dma_wait3A_271] : memref<4x!tpu.dma_semaphore, #tpu.memory_space<semaphore_mem>> -> memref<1x!tpu.dma_semaphore, #tpu.memory_space<semaphore_mem>>
        %dma_wait3A_283 = tpu.memref_squeeze %dma_wait3A_282 : memref<1x!tpu.dma_semaphore, #tpu.memory_space<semaphore_mem>> -> memref<!tpu.dma_semaphore, #tpu.memory_space<semaphore_mem>>
        tpu.wait_indirect_dma semaphore(%dma_wait3A_283 : memref<!tpu.dma_semaphore, #tpu.memory_space<semaphore_mem>>) src(%dma_wait3A_275 : memref<125x32xf32, #tpu.memory_space<vmem>>) dst(%dma_wait3A_281 : memref<10000x32xf32, #tpu.memory_space<vmem_shared>>)
      } else {
      }
      %add3A_232 = arith.constant 2 : i32
      %add3A_233 = arith.addi %add3A_224, %add3A_232 : i32
      %lt3A_234 = arith.constant 80 : i32
      %lt3A_235 = arith.cmpi slt, %add3A_233, %lt3A_234 : i32
      %convert_element_type3A_236 = arith.extui %lt3A_235 : i1 to i32
      %cond3A_237 = arith.constant 0 : i32
      %cond3A_238 = arith.cmpi ne, %convert_element_type3A_236, %cond3A_237 : i32
      scf.if %cond3A_238 {
        %add3A_267 = arith.constant 2 : i32
        %add3A_268 = arith.addi %add3A_224, %add3A_267 : i32
        %dma_start3A_269 = arith.constant 1 : i32
        %dma_start3A_270 = arith.constant 1 : i32
        %dma_start3A_271 = arith.constant 0 : i32
        %dma_start3A_272 = arith.constant 0 : i32
        %dma_start3A_273 = tpu.memref_slice %arg8[%dma_start3A_269, %dma_start3A_271, %dma_start3A_272] : memref<4x125x32xf32, #tpu.memory_space<vmem>> -> memref<1x125x32xf32, #tpu.memory_space<vmem>>
        %dma_start3A_274 = tpu.memref_squeeze %dma_start3A_273 : memref<1x125x32xf32, #tpu.memory_space<vmem>> -> memref<125x32xf32, #tpu.memory_space<vmem>>
        %dma_start3A_275 = arith.constant 0 : i32
        %dma_start3A_276 = tpu.memref_slice %arg6[%add3A_268, %dma_start3A_275] : memref<80x125xi32, #tpu.memory_space<vmem>> -> memref<1x125xi32, #tpu.memory_space<vmem>>
        %dma_start3A_277 = tpu.memref_squeeze %dma_start3A_276 : memref<1x125xi32, #tpu.memory_space<vmem>> -> memref<125xi32, #tpu.memory_space<vmem>>
        %dma_start3A_278 = arith.constant 0 : i32
        %dma_start3A_279 = arith.constant 0 : i32
        %dma_start3A_280 = tpu.memref_slice %arg2[%dma_start3A_278, %dma_start3A_279] : memref<10000x32xf32, #tpu.memory_space<hbm>> -> memref<10000x32xf32, #tpu.memory_space<hbm>>
        %dma_start3A_281 = tpu.memref_slice %arg10[%dma_start3A_270] : memref<4x!tpu.dma_semaphore, #tpu.memory_space<semaphore_mem>> -> memref<1x!tpu.dma_semaphore, #tpu.memory_space<semaphore_mem>>
        %dma_start3A_282 = tpu.memref_squeeze %dma_start3A_281 : memref<1x!tpu.dma_semaphore, #tpu.memory_space<semaphore_mem>> -> memref<!tpu.dma_semaphore, #tpu.memory_space<semaphore_mem>>
        tpu.enqueue_indirect_dma source(%dma_start3A_280 : memref<10000x32xf32, #tpu.memory_space<hbm>>) target(%dma_start3A_274 : memref<125x32xf32, #tpu.memory_space<vmem>>) offsets(%dma_start3A_277 : memref<125xi32, #tpu.memory_space<vmem>>) semaphore(%dma_start3A_282 : memref<!tpu.dma_semaphore, #tpu.memory_space<semaphore_mem>>)
      } else {
      }
      %dma_wait3A_239 = arith.constant 3 : i32
      %dma_wait3A_240 = arith.constant 3 : i32
      %dma_wait3A_241 = arith.constant 0 : i32
      %dma_wait3A_242 = arith.constant 0 : i32
      %dma_wait3A_243 = tpu.memref_slice %arg8[%dma_wait3A_239, %dma_wait3A_241, %dma_wait3A_242] : memref<4x125x32xf32, #tpu.memory_space<vmem>> -> memref<1x125x32xf32, #tpu.memory_space<vmem>>
      %dma_wait3A_244 = tpu.memref_squeeze %dma_wait3A_243 : memref<1x125x32xf32, #tpu.memory_space<vmem>> -> memref<125x32xf32, #tpu.memory_space<vmem>>
      %dma_wait3A_245 = arith.constant 0 : i32
      %dma_wait3A_246 = tpu.memref_slice %arg6[%add3A_224, %dma_wait3A_245] : memref<80x125xi32, #tpu.memory_space<vmem>> -> memref<1x125xi32, #tpu.memory_space<vmem>>
      %dma_wait3A_247 = tpu.memref_squeeze %dma_wait3A_246 : memref<1x125xi32, #tpu.memory_space<vmem>> -> memref<125xi32, #tpu.memory_space<vmem>>
      %dma_wait3A_248 = arith.constant 0 : i32
      %dma_wait3A_249 = arith.constant 0 : i32
      %dma_wait3A_250 = tpu.memref_slice %arg2[%dma_wait3A_248, %dma_wait3A_249] : memref<10000x32xf32, #tpu.memory_space<hbm>> -> memref<10000x32xf32, #tpu.memory_space<hbm>>
      %dma_wait3A_251 = tpu.memref_slice %arg10[%dma_wait3A_240] : memref<4x!tpu.dma_semaphore, #tpu.memory_space<semaphore_mem>> -> memref<1x!tpu.dma_semaphore, #tpu.memory_space<semaphore_mem>>
      %dma_wait3A_252 = tpu.memref_squeeze %dma_wait3A_251 : memref<1x!tpu.dma_semaphore, #tpu.memory_space<semaphore_mem>> -> memref<!tpu.dma_semaphore, #tpu.memory_space<semaphore_mem>>
      tpu.wait_indirect_dma semaphore(%dma_wait3A_252 : memref<!tpu.dma_semaphore, #tpu.memory_space<semaphore_mem>>) src(%dma_wait3A_250 : memref<10000x32xf32, #tpu.memory_space<hbm>>) dst(%dma_wait3A_244 : memref<125x32xf32, #tpu.memory_space<vmem>>)
      %dma_start3A_253 = arith.constant 3 : i32
      %dma_start3A_254 = arith.constant 3 : i32
      %dma_start3A_255 = arith.constant 0 : i32
      %dma_start3A_256 = arith.constant 0 : i32
      %dma_start3A_257 = tpu.memref_slice %arg8[%dma_start3A_253, %dma_start3A_255, %dma_start3A_256] : memref<4x125x32xf32, #tpu.memory_space<vmem>> -> memref<1x125x32xf32, #tpu.memory_space<vmem>>
      %dma_start3A_258 = tpu.memref_squeeze %dma_start3A_257 : memref<1x125x32xf32, #tpu.memory_space<vmem>> -> memref<125x32xf32, #tpu.memory_space<vmem>>
      %dma_start3A_259 = arith.constant 0 : i32
      %dma_start3A_260 = tpu.memref_slice %arg7[%add3A_224, %dma_start3A_259] : memref<80x125xi32, #tpu.memory_space<vmem>> -> memref<1x125xi32, #tpu.memory_space<vmem>>
      %dma_start3A_261 = tpu.memref_squeeze %dma_start3A_260 : memref<1x125xi32, #tpu.memory_space<vmem>> -> memref<125xi32, #tpu.memory_space<vmem>>
      %dma_start3A_262 = arith.constant 0 : i32
      %dma_start3A_263 = arith.constant 0 : i32
      %dma_start3A_264 = tpu.memref_slice %arg9[%dma_start3A_262, %dma_start3A_263] : memref<10000x32xf32, #tpu.memory_space<vmem_shared>> -> memref<10000x32xf32, #tpu.memory_space<vmem_shared>>
      %dma_start3A_265 = tpu.memref_slice %arg11[%dma_start3A_254] : memref<4x!tpu.dma_semaphore, #tpu.memory_space<semaphore_mem>> -> memref<1x!tpu.dma_semaphore, #tpu.memory_space<semaphore_mem>>
      %dma_start3A_266 = tpu.memref_squeeze %dma_start3A_265 : memref<1x!tpu.dma_semaphore, #tpu.memory_space<semaphore_mem>> -> memref<!tpu.dma_semaphore, #tpu.memory_space<semaphore_mem>>
      tpu.enqueue_indirect_dma source(%dma_start3A_258 : memref<125x32xf32, #tpu.memory_space<vmem>>) target(%dma_start3A_264 : memref<10000x32xf32, #tpu.memory_space<vmem_shared>>) offsets(%dma_start3A_261 : memref<125xi32, #tpu.memory_space<vmem>>) semaphore(%dma_start3A_266 : memref<!tpu.dma_semaphore, #tpu.memory_space<semaphore_mem>>) {add = true}
    }
    %scan3A_51 = arith.constant 20 : i32
    %dma_wait3A = arith.constant 2 : i32
    %dma_wait3A_52 = arith.constant 78 : i32
    %dma_wait3A_53 = arith.constant 2 : i32
    %dma_wait3A_54 = arith.constant 0 : i32
    %dma_wait3A_55 = arith.constant 0 : i32
    %dma_wait3A_56 = tpu.memref_slice %arg8[%dma_wait3A, %dma_wait3A_54, %dma_wait3A_55] : memref<4x125x32xf32, #tpu.memory_space<vmem>> -> memref<1x125x32xf32, #tpu.memory_space<vmem>>
    %dma_wait3A_57 = tpu.memref_squeeze %dma_wait3A_56 : memref<1x125x32xf32, #tpu.memory_space<vmem>> -> memref<125x32xf32, #tpu.memory_space<vmem>>
    %dma_wait3A_58 = arith.constant 0 : i32
    %dma_wait3A_59 = tpu.memref_slice %arg7[%dma_wait3A_52, %dma_wait3A_58] : memref<80x125xi32, #tpu.memory_space<vmem>> -> memref<1x125xi32, #tpu.memory_space<vmem>>
    %dma_wait3A_60 = tpu.memref_squeeze %dma_wait3A_59 : memref<1x125xi32, #tpu.memory_space<vmem>> -> memref<125xi32, #tpu.memory_space<vmem>>
    %dma_wait3A_61 = arith.constant 0 : i32
    %dma_wait3A_62 = arith.constant 0 : i32
    %dma_wait3A_63 = tpu.memref_slice %arg9[%dma_wait3A_61, %dma_wait3A_62] : memref<10000x32xf32, #tpu.memory_space<vmem_shared>> -> memref<10000x32xf32, #tpu.memory_space<vmem_shared>>
    %dma_wait3A_64 = tpu.memref_slice %arg11[%dma_wait3A_53] : memref<4x!tpu.dma_semaphore, #tpu.memory_space<semaphore_mem>> -> memref<1x!tpu.dma_semaphore, #tpu.memory_space<semaphore_mem>>
    %dma_wait3A_65 = tpu.memref_squeeze %dma_wait3A_64 : memref<1x!tpu.dma_semaphore, #tpu.memory_space<semaphore_mem>> -> memref<!tpu.dma_semaphore, #tpu.memory_space<semaphore_mem>>
    tpu.wait_indirect_dma semaphore(%dma_wait3A_65 : memref<!tpu.dma_semaphore, #tpu.memory_space<semaphore_mem>>) src(%dma_wait3A_57 : memref<125x32xf32, #tpu.memory_space<vmem>>) dst(%dma_wait3A_63 : memref<10000x32xf32, #tpu.memory_space<vmem_shared>>)
    %dma_wait3A_66 = arith.constant 3 : i32
    %dma_wait3A_67 = arith.constant 79 : i32
    %dma_wait3A_68 = arith.constant 3 : i32
    %dma_wait3A_69 = arith.constant 0 : i32
    %dma_wait3A_70 = arith.constant 0 : i32
    %dma_wait3A_71 = tpu.memref_slice %arg8[%dma_wait3A_66, %dma_wait3A_69, %dma_wait3A_70] : memref<4x125x32xf32, #tpu.memory_space<vmem>> -> memref<1x125x32xf32, #tpu.memory_space<vmem>>
    %dma_wait3A_72 = tpu.memref_squeeze %dma_wait3A_71 : memref<1x125x32xf32, #tpu.memory_space<vmem>> -> memref<125x32xf32, #tpu.memory_space<vmem>>
    %dma_wait3A_73 = arith.constant 0 : i32
    %dma_wait3A_74 = tpu.memref_slice %arg7[%dma_wait3A_67, %dma_wait3A_73] : memref<80x125xi32, #tpu.memory_space<vmem>> -> memref<1x125xi32, #tpu.memory_space<vmem>>
    %dma_wait3A_75 = tpu.memref_squeeze %dma_wait3A_74 : memref<1x125xi32, #tpu.memory_space<vmem>> -> memref<125xi32, #tpu.memory_space<vmem>>
    %dma_wait3A_76 = arith.constant 0 : i32
    %dma_wait3A_77 = arith.constant 0 : i32
    %dma_wait3A_78 = tpu.memref_slice %arg9[%dma_wait3A_76, %dma_wait3A_77] : memref<10000x32xf32, #tpu.memory_space<vmem_shared>> -> memref<10000x32xf32, #tpu.memory_space<vmem_shared>>
    %dma_wait3A_79 = tpu.memref_slice %arg11[%dma_wait3A_68] : memref<4x!tpu.dma_semaphore, #tpu.memory_space<semaphore_mem>> -> memref<1x!tpu.dma_semaphore, #tpu.memory_space<semaphore_mem>>
    %dma_wait3A_80 = tpu.memref_squeeze %dma_wait3A_79 : memref<1x!tpu.dma_semaphore, #tpu.memory_space<semaphore_mem>> -> memref<!tpu.dma_semaphore, #tpu.memory_space<semaphore_mem>>
    tpu.wait_indirect_dma semaphore(%dma_wait3A_80 : memref<!tpu.dma_semaphore, #tpu.memory_space<semaphore_mem>>) src(%dma_wait3A_72 : memref<125x32xf32, #tpu.memory_space<vmem>>) dst(%dma_wait3A_78 : memref<10000x32xf32, #tpu.memory_space<vmem_shared>>)
    %barrier3A_81 = arith.constant 0 : index
    tpu.barrier barrier_id(%barrier3A_81)
    %lt3A_82 = arith.constant 10 : i32
    %lt3A_83 = arith.cmpi slt, %arg1, %lt3A_82 : i32
    %convert_element_type3A_84 = arith.extui %lt3A_83 : i1 to i32
    %cond3A_85 = arith.constant 0 : i32
    %cond3A_86 = arith.cmpi ne, %convert_element_type3A_84, %cond3A_85 : i32
    scf.if %cond3A_86 {
      "tpu.region"() ({
        %run_scoped3A_87 = tpu.sem_alloc : memref<!tpu.dma_semaphore, #tpu.memory_space<semaphore_mem>>
        %dma_start3A_88 = arith.constant 0 : i32
        %dma_start3A_89 = tpu.memref_slice %arg5[%arg0, %mul3A_2, %dma_start3A_88] : memref<2x10000x32xf32, #tpu.memory_space<hbm>> -> memref<1x1000x32xf32, #tpu.memory_space<hbm>>
        %dma_start3A_90 = tpu.memref_squeeze %dma_start3A_89 : memref<1x1000x32xf32, #tpu.memory_space<hbm>> -> memref<1000x32xf32, #tpu.memory_space<hbm>>
        %dma_start3A_91 = arith.constant 0 : i32
        %dma_start3A_92 = tpu.memref_slice %arg9[%mul3A_2, %dma_start3A_91] : memref<10000x32xf32, #tpu.memory_space<vmem_shared>> -> memref<1000x32xf32, #tpu.memory_space<vmem_shared>>
        tpu.enqueue_dma source(%dma_start3A_92 : memref<1000x32xf32, #tpu.memory_space<vmem_shared>>) target(%dma_start3A_90 : memref<1000x32xf32, #tpu.memory_space<hbm>>) target_semaphore(%run_scoped3A_87 : memref<!tpu.dma_semaphore, #tpu.memory_space<semaphore_mem>>)
        %dma_wait3A_93 = arith.constant 0 : i32
        %dma_wait3A_94 = tpu.memref_slice %arg5[%arg0, %mul3A_2, %dma_wait3A_93] : memref<2x10000x32xf32, #tpu.memory_space<hbm>> -> memref<1x1000x32xf32, #tpu.memory_space<hbm>>
        %dma_wait3A_95 = tpu.memref_squeeze %dma_wait3A_94 : memref<1x1000x32xf32, #tpu.memory_space<hbm>> -> memref<1000x32xf32, #tpu.memory_space<hbm>>
        %dma_wait3A_96 = arith.constant 0 : i32
        %dma_wait3A_97 = tpu.memref_slice %arg9[%mul3A_2, %dma_wait3A_96] : memref<10000x32xf32, #tpu.memory_space<vmem_shared>> -> memref<1000x32xf32, #tpu.memory_space<vmem_shared>>
        tpu.wait_dma2 semaphore(%run_scoped3A_87 : memref<!tpu.dma_semaphore, #tpu.memory_space<semaphore_mem>>) src(%dma_wait3A_97 : memref<1000x32xf32, #tpu.memory_space<vmem_shared>>) dst(%dma_wait3A_95 : memref<1000x32xf32, #tpu.memory_space<hbm>>)
        tpu.yield
      }) : () -> ()
    } else {
    }
    return
  }
}

module attributes {stable_mosaic.version = 14 : i64} {
  func.func @_tc_pre_body(%arg0: memref<10000x128xf32, #tpu.memory_space<vmem>>, %arg1: memref<128x32xf32, #tpu.memory_space<vmem>>, %arg2: memref<2x10000x8xf32, #tpu.memory_space<vmem>>, %arg3: memref<10000x32xf32, #tpu.memory_space<vmem>>, %arg4: memref<10000x32xf32, #tpu.memory_space<vmem>>) attributes {dimension_semantics = [], scalar_prefetch = 0 : i64, scratch_operands = 0 : i64, tpu.core_type = #tpu.core_type<tc>} {
    %get3A = arith.constant 0 : index
    %get3A_0 = arith.constant 0 : index
    %get3A_1 = arith.constant 0 : index
    %get3A_2 = vector.load %arg2[%get3A, %get3A_0, %get3A_1] : memref<2x10000x8xf32, #tpu.memory_space<vmem>>, vector<1x10000x1xf32>
    %get3A_3 = vector.shape_cast %get3A_2 : vector<1x10000x1xf32> to vector<10000x1xf32>
    %get3A_4 = arith.constant 1 : index
    %get3A_5 = arith.constant 0 : index
    %get3A_6 = arith.constant 0 : index
    %get3A_7 = vector.load %arg2[%get3A_4, %get3A_5, %get3A_6] : memref<2x10000x8xf32, #tpu.memory_space<vmem>>, vector<1x10000x1xf32>
    %get3A_8 = vector.shape_cast %get3A_7 : vector<1x10000x1xf32> to vector<10000x1xf32>
    %add3A = arith.addf %get3A_3, %get3A_8 : vector<10000x1xf32>
    %add3A_9 = arith.constant 1.000000e+00 : f32
    %add3A_10 = vector.broadcast %add3A_9 : f32 to vector<10000x1xf32>
    %add3A_11 = arith.addf %add3A, %add3A_10 : vector<10000x1xf32>
    %rsqrt3A = math.rsqrt %add3A_11 : vector<10000x1xf32>
    %get3A_12 = arith.constant 0 : index
    %get3A_13 = arith.constant 0 : index
    %get3A_14 = vector.load %arg0[%get3A_12, %get3A_13] : memref<10000x128xf32, #tpu.memory_space<vmem>>, vector<10000x128xf32>
    %get3A_15 = arith.constant 0 : index
    %get3A_16 = arith.constant 0 : index
    %get3A_17 = vector.load %arg1[%get3A_15, %get3A_16] : memref<128x32xf32, #tpu.memory_space<vmem>>, vector<128x32xf32>
    %dot_general3A = arith.constant dense<0.000000e+00> : vector<10000x32xf32>
    %dot_general3A_18 = tpu.matmul %get3A_14, %get3A_17, %dot_general3A {dimension_numbers = #tpu.dot_dimension_numbers<[1], [0], [0], [1], [0, 0, 1, 1], [], []>, transpose_lhs_hint = false} : vector<10000x128xf32>, vector<128x32xf32>, vector<10000x32xf32> -> vector<10000x32xf32>
    %mul3A = vector.broadcast %rsqrt3A : vector<10000x1xf32> to vector<10000x32xf32>
    %mul3A_19 = arith.mulf %mul3A, %dot_general3A_18 : vector<10000x32xf32>
    %swap3A = arith.constant 0 : index
    %swap3A_20 = arith.constant 0 : index
    %swap3A_21 = vector.load %arg3[%swap3A, %swap3A_20] : memref<10000x32xf32, #tpu.memory_space<vmem>>, vector<10000x32xf32>
    tpu.vector_store %arg3[%swap3A, %swap3A_20], %mul3A_19 {strides = array<i32>} : memref<10000x32xf32, #tpu.memory_space<vmem>>, vector<10000x32xf32>,
    %broadcast_in_dim3A = vector.shape_cast %rsqrt3A : vector<10000x1xf32> to vector<10000x1xf32>
    %broadcast_in_dim3A_22 = vector.broadcast %broadcast_in_dim3A : vector<10000x1xf32> to vector<10000x32xf32>
    %swap3A_23 = arith.constant 0 : index
    %swap3A_24 = arith.constant 0 : index
    %swap3A_25 = vector.load %arg4[%swap3A_23, %swap3A_24] : memref<10000x32xf32, #tpu.memory_space<vmem>>, vector<10000x32xf32>
    tpu.vector_store %arg4[%swap3A_23, %swap3A_24], %broadcast_in_dim3A_22 {strides = array<i32>} : memref<10000x32xf32, #tpu.memory_space<vmem>>, vector<10000x32xf32>,
    return
  }
}

module attributes {stable_mosaic.version = 14 : i64} {
  func.func @_tc_mid_body(%arg0: memref<5000x128xf32, #tpu.memory_space<vmem>>, %arg1: memref<2500x128xf32, #tpu.memory_space<vmem>>, %arg2: memref<2500x128xf32, #tpu.memory_space<vmem>>) attributes {dimension_semantics = [], scalar_prefetch = 0 : i64, scratch_operands = 0 : i64, tpu.core_type = #tpu.core_type<tc>} {
    %get3A = arith.constant 0 : index
    %get3A_0 = arith.constant 0 : index
    %get3A_1 = vector.load %arg1[%get3A, %get3A_0] : memref<2500x128xf32, #tpu.memory_space<vmem>>, vector<2500x128xf32>
    %get3A_2 = arith.constant 0 : index
    %get3A_3 = arith.constant 0 : index
    %get3A_4 = vector.load %arg0[%get3A_2, %get3A_3] : memref<5000x128xf32, #tpu.memory_space<vmem>>, vector<2500x128xf32>
    %get3A_5 = arith.constant 2500 : index
    %get3A_6 = arith.constant 0 : index
    %get3A_7 = vector.load %arg0[%get3A_5, %get3A_6] : memref<5000x128xf32, #tpu.memory_space<vmem>>, vector<2500x128xf32>
    %add3A = arith.addf %get3A_4, %get3A_7 : vector<2500x128xf32>
    %mul3A = arith.mulf %get3A_1, %add3A : vector<2500x128xf32>
    %max3A = arith.constant 0.000000e+00 : f32
    %max3A_8 = vector.broadcast %max3A : f32 to vector<2500x128xf32>
    %max3A_9 = arith.maximumf %mul3A, %max3A_8 : vector<2500x128xf32>
    %mul3A_10 = arith.mulf %get3A_1, %max3A_9 : vector<2500x128xf32>
    %swap3A = arith.constant 0 : index
    %swap3A_11 = arith.constant 0 : index
    %swap3A_12 = vector.load %arg2[%swap3A, %swap3A_11] : memref<2500x128xf32, #tpu.memory_space<vmem>>, vector<2500x128xf32>
    tpu.vector_store %arg2[%swap3A, %swap3A_11], %mul3A_10 {strides = array<i32>} : memref<2500x128xf32, #tpu.memory_space<vmem>>, vector<2500x128xf32>,
    return
  }
}

module attributes {stable_mosaic.version = 14 : i64} {
  func.func @_tc_post_body(%arg0: memref<5000x128xf32, #tpu.memory_space<vmem>>, %arg1: memref<2500x128xf32, #tpu.memory_space<vmem>>, %arg2: memref<128x128xf32, #tpu.memory_space<vmem>>, %arg3: memref<2500x128xf32, #tpu.memory_space<vmem>>) attributes {dimension_semantics = [], scalar_prefetch = 0 : i64, scratch_operands = 0 : i64, tpu.core_type = #tpu.core_type<tc>} {
    %get3A = arith.constant 0 : index
    %get3A_0 = arith.constant 0 : index
    %get3A_1 = vector.load %arg1[%get3A, %get3A_0] : memref<2500x128xf32, #tpu.memory_space<vmem>>, vector<2500x128xf32>
    %get3A_2 = arith.constant 0 : index
    %get3A_3 = arith.constant 0 : index
    %get3A_4 = vector.load %arg0[%get3A_2, %get3A_3] : memref<5000x128xf32, #tpu.memory_space<vmem>>, vector<2500x128xf32>
    %get3A_5 = arith.constant 2500 : index
    %get3A_6 = arith.constant 0 : index
    %get3A_7 = vector.load %arg0[%get3A_5, %get3A_6] : memref<5000x128xf32, #tpu.memory_space<vmem>>, vector<2500x128xf32>
    %add3A = arith.addf %get3A_4, %get3A_7 : vector<2500x128xf32>
    %mul3A = arith.mulf %get3A_1, %add3A : vector<2500x128xf32>
    %get3A_8 = arith.constant 0 : index
    %get3A_9 = arith.constant 0 : index
    %get3A_10 = vector.load %arg2[%get3A_8, %get3A_9] : memref<128x128xf32, #tpu.memory_space<vmem>>, vector<128x128xf32>
    %dot_general3A = arith.constant dense<0.000000e+00> : vector<2500x128xf32>
    %dot_general3A_11 = tpu.matmul %mul3A, %get3A_10, %dot_general3A {dimension_numbers = #tpu.dot_dimension_numbers<[1], [0], [0], [1], [0, 0, 1, 1], [], []>, transpose_lhs_hint = false} : vector<2500x128xf32>, vector<128x128xf32>, vector<2500x128xf32> -> vector<2500x128xf32>
    %swap3A = arith.constant 0 : index
    %swap3A_12 = arith.constant 0 : index
    %swap3A_13 = vector.load %arg3[%swap3A, %swap3A_12] : memref<2500x128xf32, #tpu.memory_space<vmem>>, vector<2500x128xf32>
    tpu.vector_store %arg3[%swap3A, %swap3A_12], %dot_general3A_11 {strides = array<i32>} : memref<2500x128xf32, #tpu.memory_space<vmem>>, vector<2500x128xf32>,
    return
  }
}

</mosaic_0001>

<sc_bundles>
// kernel: kernel.11.cloned.1.call-start
scs
__scs_entry_jumppad:
0x0: {  	(pc) =	sbr.rel $0x88, $3  }
0x1: {  	(tag) =	ssettag $0x0;
	lr =	simm.s32 $0x1  }
0x2: {  	[smem:$0x3F9C] =	sst lr;
	_ =	strace $0xD0000000  }
0x3: {  	_ = 	snop  }
0x4: {  	_ = 	snop  }
0x5: {  	_ = 	snop  }
0x6: {  	_ = 	snop  }
0x7: {  	_ = 	snop  }
__scs_overlays_trampoline_lowered:
0x8: {  	[smem:$0x3FAB] =	sst s0  }
0x9: {  	[smem:$0x3FAC] =	sst s1  }
0xa: {  	[smem:$0x3FAD] =	sst s2  }
0xb: {  	[smem:$0x3FAE] =	sst s3  }
0xc: {  	[smem:$0x3FAF] =	sst s4  }
0xd: {  	[smem:$0x3FB0] =	sst s5  }
0xe: {  	[smem:$0x3FB1] =	sst s6  }
0xf: {  	[smem:$0x3FB2] =	sst s7  }
0x10: {  	[smem:$0x3FB3] =	sst s8  }
0x11: {  	[smem:$0x3FB4] =	sst s9;
	s0 =	simm.s32 @!p0 $0x0  }
0x12: {  	s1 =	sld [smem:$0x3F9A];
	s0 =	simm.s32 @p0 $0x1  }
0x13: {  	[smem:$0x3FB5] =	sst s0;
	s0 =	simm.s32 @!p1 $0x0  }
0x14: {  	s2 =	sld [smem:$0x3F99];
	s0 =	simm.s32 @p1 $0x1  }
0x15: {  	[smem:$0x3FB6] =	sst s0;
	s0 =	simm.s32 @!p2 $0x0  }
0x16: {  	s3 =	sld [smem:$0x3FDB];
	s0 =	simm.s32 @p2 $0x1  }
0x17: {  	s4 =	simm.s32 $0x1BF5;
	[smem:$0x3FB8] =	sst s0  }
0x18: {  	s0 =	sld [smem:$0x3F9B];
	_ =	swait.ge [sflag:s4], $0x0  }
0x19: {  	s7 =	sld [smem:$0x3F9C]  }
0x1a: {  	s8 =	sadd.s32 $0xFFFFE003, lr  }
0x1b: {  	s9 =	sadd.s32 $0xFFFFFEF7, lr;
	s5 =	simm.s32 $0xFFFFFFFF;
	p2 =	slt.u32 s8, $0xFFFFF086  }
0x1c: {  	p1 =	slt.u32 s9, $0xF7A;
	s5 =	simm.s32 @!p2 $0x0  }
0x1d: {  	s5 =	simm.s32 @p1 $0x1;
	p0 =	seq.s32 s7, s2  }
0x1e: {  	s7 =	smul.u32 @!p0 $0xF7A, s2;
	p2 =	seq.s32 @!p0 s5, $0x0  }
0x1f: {  	s9 =	smul.u32 $0xF7A, s1;
	s8 =	simm.s32 @!p0 $0x1BF5;
	p2 =	por !p2, p0  }
0x20: {  	[sflag:s8] =	ssyncset.s32 @!p0 $0xFFFFF086;
	s6 =	sadd.s32 @!p0 s3, s7;
	s7 =	simm.s32 @!p0 $0x108  }
0x21: {  	s3 =	sadd.s32 s3, s9;
	s6 =	sadd.s32 @!p0 $0x88, s6;
	s7 =	simm.s32 @p2 $0x1082  }
0x22: {  	[simem:s7], [sflag:s8] =	dma.local @!p0 [hbm:s6], $0xF7A  }
0x23: {  	s9 =	sor.u32 $0xD0000000, s2;
	s6 =	simm.s32 $0x108;
	_ =	swait.ge @!p0 [sflag:s8], $0x0  }
0x24: {  	s3 =	sadd.s32 $0x88, s3;
	s6 =	simm.s32 @!p1 $0x1082;
	[sflag:s4] =	ssyncset.s32 $0xFFFFF086  }
0x25: {  	[simem:s6], [sflag:s4] =	dma.local [hbm:s3], $0xF7A  }
0x26: {  	[smem:$0x3F9C] =	sst s1;
	(tag) =	ssettag s2;
	_ =	strace s9  }
0x27: {  	s1 =	sld [smem:$0x3FAC]  }
0x28: {  	s2 =	sld [smem:$0x3FAD]  }
0x29: {  	s4 =	sld [smem:$0x3FAF]  }
0x2a: {  	p0 =	seq.s32 s5, $0x0;
	s5 =	sld [smem:$0x3FB0]  }
0x2b: {  	s6 =	sld [smem:$0x3FB1]  }
0x2c: {  	s7 =	sld [smem:$0x3FB2]  }
0x2d: {  	s3 =	simm.s32 $0x108;
	s8 =	sld [smem:$0x3FB3]  }
0x2e: {  	s3 =	simm.s32 @!p0 $0x1082;
	s9 =	sld [smem:$0x3FB4]  }
0x2f: {  	lr =	sadd.s32 s0, s3;
	s0 =	sld [smem:$0x3FAB]  }
0x30: {  	s3 =	sld [smem:$0x3FAE]  }
0x31: {  	[smem:$0x3FB7] =	sst s10  }
0x32: {  	s10 =	sld [smem:$0x3FB5];
	_ =	sdelay $0x3  }
0x33: {  	p0 =	seq.s32 s10, $0x1;
	s10 =	sld [smem:$0x3FB7];
	_ =	sdelay $0x3  }
0x34: {  	[smem:$0x3FB7] =	sst s10  }
0x35: {  	s10 =	sld [smem:$0x3FB6];
	_ =	sdelay $0x3  }
0x36: {  	p1 =	seq.s32 s10, $0x1;
	s10 =	sld [smem:$0x3FB7];
	_ =	sdelay $0x3  }
0x37: {  	[smem:$0x3FB7] =	sst s10  }
0x38: {  	s10 =	sld [smem:$0x3FB8]  }
0x39: {  	_ = 	snop;
	(pc) =	sbr.ind lr, $3  }
0x3a: {  	_ = 	snop  }
0x3b: {  	_ = 	snop  }
0x3c: {  	p2 =	seq.s32 s10, $0x1;
	s10 =	sld [smem:$0x3FB7]  }
0x3d: {  	_ =	shalt  }
0x3e: {  	_ =	shalt  }
0x3f: {  	_ =	shalt  }
0x40: {  	_ =	shalt  }
0x41: {  	_ =	shalt  }
0x42: {  	_ =	shalt  }
0x43: {  	_ =	shalt  }
0x44: {  	_ =	shalt  }
0x45: {  	_ =	shalt  }
0x46: {  	_ =	shalt  }
0x47: {  	_ =	shalt  }
0x48: {  	_ =	shalt  }
0x49: {  	_ =	shalt  }
0x4a: {  	_ =	shalt  }
0x4b: {  	_ =	shalt  }
0x4c: {  	_ =	shalt  }
0x4d: {  	_ =	shalt  }
0x4e: {  	_ =	shalt  }
0x4f: {  	_ =	shalt  }
0x50: {  	_ =	shalt  }
0x51: {  	_ =	shalt  }
0x52: {  	_ =	shalt  }
0x53: {  	_ =	shalt  }
0x54: {  	_ =	shalt  }
0x55: {  	_ =	shalt  }
0x56: {  	_ =	shalt  }
0x57: {  	_ =	shalt  }
0x58: {  	_ =	shalt  }
0x59: {  	_ =	shalt  }
0x5a: {  	_ =	shalt  }
0x5b: {  	_ =	shalt  }
0x5c: {  	_ =	shalt  }
0x5d: {  	_ =	shalt  }
0x5e: {  	_ =	shalt  }
0x5f: {  	_ =	shalt  }
0x60: {  	_ =	shalt  }
0x61: {  	_ =	shalt  }
0x62: {  	_ =	shalt  }
0x63: {  	_ =	shalt  }
0x64: {  	_ =	shalt  }
0x65: {  	_ =	shalt  }
0x66: {  	_ =	shalt  }
0x67: {  	_ =	shalt  }
0x68: {  	_ =	shalt  }
0x69: {  	_ =	shalt  }
0x6a: {  	_ =	shalt  }
0x6b: {  	_ =	shalt  }
0x6c: {  	_ =	shalt  }
0x6d: {  	_ =	shalt  }
0x6e: {  	_ =	shalt  }
0x6f: {  	_ =	shalt  }
0x70: {  	_ =	shalt  }
0x71: {  	_ =	shalt  }
0x72: {  	_ =	shalt  }
0x73: {  	_ =	shalt  }
0x74: {  	_ =	shalt  }
0x75: {  	_ =	shalt  }
0x76: {  	_ =	shalt  }
0x77: {  	_ =	shalt  }
0x78: {  	_ =	shalt  }
0x79: {  	_ =	shalt  }
0x7a: {  	_ =	shalt  }
0x7b: {  	_ =	shalt  }
0x7c: {  	_ =	shalt  }
0x7d: {  	_ =	shalt  }
0x7e: {  	_ =	shalt  }
0x7f: {  	_ =	shalt  }
0x80: {  	_ =	shalt  }
0x81: {  	_ =	shalt  }
0x82: {  	_ =	shalt  }
0x83: {  	_ =	shalt  }
0x84: {  	_ =	shalt  }
0x85: {  	_ =	shalt  }
0x86: {  	_ =	shalt  }
0x87: {  	_ =	shalt  }
.Lfunc_end0:
.L_simem_size_0:
called_computation.1_lowered:
.L_overlay_start_0:
0x88: {  	s2 =	sld [smem:$0x3FD9]  }
0x89: {  	s3 =	sld [smem:$0x3FFE];
	_ =	sdelay $0x1  }
0x8a: {  	s1 =	srdreg.scid  }
0x8b: {  	s0 =	sand.u32 $0x1, s1  }
0x8c: {  	s16 =	sshll.u32 s0, $0xA;
	s2 =	sadd.s32 s3, s2  }
0x8d: {  	s2 =	sadd.s32 s2, s16  }
0x8e: {  	[smem:$0x3FC3] =	sst s2  }
0x8f: {  	_ = 	snop  }
0x90: {  	(tm) =	ssettm $0x1  }
0x91: {  	s17 =	sld [smem:$0x3FFB];
	_ =	sdelay $0x3  }
0x92: {  	_ =	strace s17  }
0x93: {  	s2 =	sld [smem:$0x3FFC];
	_ =	sdelay $0x3  }
0x94: {  	_ =	strace s2  }
0x95: {  	s2 =	sld [smem:$0x3FFD];
	_ =	sdelay $0x3  }
0x96: {  	_ =	strace s2  }
0x97: {  	_ =	strace $0x8FFFFFFF  }
0x98: {  	s18 =	sld [smem:$0x3FDB];
	_ =	sdelay $0x1  }
0x99: {  	s19 =	simm.s32 $_scs_section_size  }
0x9a: {  	s4 =	simm.s32 $_size__tile_overlayer_lowered;
	s5 =	simm.s32 $_tile_overlayer_lowered  }
0x9b: {  	s22 =	simm.s32 $0x1BFF;
	s21 =	sshll.u32 s5, $0x1;
	s2 =	sadd.s32 s19, s18  }
0x9c: {  	s6 =	simm.s32 $0x0;
	s20 =	sshll.u32 s4, $0x1;
	s4 =	sadd.s32 s21, s2  }
0x9d: {  	[timem:s6], [sflag:s22] =	dma.local [hbm:s4], s20  }
0x9e: {  	_ =	swait.ge [sflag:s22], s20  }
0x9f: {  	s3 =	ssub.s32 $0x0, s20;
	[sflag:s22] =	ssyncset.done $0x0  }
0xa0: {  	[sflag:s22] =	ssyncadd.s32 s3;
	_ =	sdelay $0x1  }
0xa1: {  	s23 =	simm.s32 $0x1B8B  }
0xa2: {  	_ =	swait.ge [sflag:s23], $0x1  }
0xa3: {  	[sflag:s23] =	ssyncset.done $0x0  }
0xa4: {  	s25 =	simm.s32 $0x1B8E;
	s24 =	sld [smem:$0x3FFE];
	[sflag:s23] =	ssyncadd.s32 $0xFFFFFFFF  }
0xa5: {  	s26 =	simm.s32 $execute0_lowered;
	[smem:$0x3FD2] =	sst s25  }
0xa6: {  	s4 =	sshll.u32 s26, $0x1;
	_ =	strace $0x80000049;
	[dreg:$0x1] =	wrdreg $0xFFFFFFFF  }
0xa7: {  	s28 =	simm.s32 $_size_execute0_lowered;
	s2 =	sadd.s32 s2, s4;
	[dreg:$0x0] =	wrdreg $0x0  }
0xa8: {  	s4 =	sshll.u32 s28, $0x1;
	[dreg:$0x2] =	wrdreg s2  }
0xa9: {  	[dreg:$0x3] =	wrdreg s4  }
0xaa: {  	[dreg:$0x4] =	wrdreg $0xC0  }
0xab: {  	_ =	task [dreg:s6], $0x5FFFF  }
0xac: {  	[dreg:$0x1] =	wrdreg $0xFFFFFFFF  }
0xad: {  	[dreg:$0x0] =	wrdreg $0x60  }
0xae: {  	[dreg:$0x2] =	wrdreg s24  }
0xaf: {  	[dreg:$0x3] =	wrdreg $0x8E800  }
0xb0: {  	[dreg:$0x4] =	wrdreg $0x9  }
0xb1: {  	_ =	task.clear_ibuf [dreg:s6], $0x5FFFF;
	_ =	strace $0x90000049  }
0xb2: {  	s29 =	simm.s32 $0x9;
	_ =	strace $0x8000004B  }
0xb3: {  	_ =	swait.ge [sflag:s29], $0x1  }
0xb4: {  	[sflag:s29] =	ssyncadd.s32 $0xFFFFFFFF  }
0xb5: {  	_ =	strace $0x9000004B  }
0xb6: {  	_ =	sfence  }
0xb7: {  	s30 =	sld [smem:$0x0];
	_ =	sdelay $0x2  }
0xb8: {  	s31 =	sshll.u32 s1, $0xD;
	s1 =	sshrl.u32 s1, $0x2  }
0xb9: {  	s3 =	sand.u32 $0x4000, s31;
	s1 =	sadd.s32 s1, s30  }
0xba: {  	s0 =	sor.u32 s3, s0;
	s1 =	sshll.u32 s1, $0x11  }
0xbb: {  	s0 =	sor.u32 s1, s0  }
0xbc: {  	s0 =	sadd.s32 $0x8F2B, s0  }
0xbd: {  	[sflag:s0] =	ssyncadd.remote.s32 $0x1  }
0xbe: {  	_ =	sfence.sel $0xFFFF  }
0xbf: {  	[dreg:$0x0] =	wrdreg $0xFFFFFFFF;
	(pc) =	sbr.abs _section_cstart, $3  }
0xc0: {  	[dreg:$0x1] =	wrdreg $0xFFFFFFFF  }
0xc1: {  	_ =	task.clear_ibuf [dreg:s6], $0x2FFFF;
	_ =	strace $0x9FFFFFFF  }
0xc2: {  	(tm) =	ssettm $0x7FFFFFFF  }
0xc3: {  	_ =	shalt  }
tec
execute0_lowered:
.L_overlay_start_1:
0x0: {  	(tag) =	ssettag $0x1  }
0x1: {  	s0 =	rddreg [dreg:$0x0]  }
0x2: {  	s1 =	srdreg.scid;
	s2 =	rddreg [dreg:$0x1]  }
0x3: {  	s20 =	stileid.u32;
	s3 =	simm.s32 $0x0;
	s16 =	simm.s32 $0x9  }
0x4: {  	s17 =	simm.s32 $0x2800;
	s18 =	simm.s32 $0x7D;
	s19 =	simm.s32 $0x5000  }
0x5: {  	s21 =	simm.s32 $0x5FA0;
	s28 =	simm.s32 $0x2;
	s30 =	simm.s32 $0x5  }
0x6: {  	s22 =	simm.s32 $0x6;
	s31 =	simm.s32 $0x7;
	s1 =	sand.u32 $0x1, s1  }
0x7: {  	s5 =	smul.u32 $0x7D00, s20;
	[smem:$0x7FF] =	sst s3;
	p1 =	slt.u32 s20, $0xA  }
0x8: {  	s4 =	sshll.u32 s1, $0x4;
	s6 =	smul.u32 $0x4E200, s1;
	_ =	strace $0x8000004A  }
0x9: {  	s24 =	ssub.s32 $0x2, s1;
	p0 =	seq.s32 s1, $0x0;
	p2 =	seq.s32 s1, $0x1  }
0xa: {  	s1 =	simm.s32 $0x4;
	s4 =	sor.u32 s20, s4;
	s8 =	sshrl.u32 s5, $0x3  }
0xb: {  	s10 =	sshrl.u32 s24, $0x1;
	p0 =	por !p1, !p0;
	p1 =	por !p1, !p2  }
0xc: {  	p2 =	sgt.u32 s20, $0x9;
	s7 =	smul.u32 $0x2800, s4;
	s4 =	sadd.s32 $0x16400, s0  }
0xd: {  	s6 =	sadd.s32 s5, s6;
	s23 =	sadd.s32 s8, s0;
	s25 =	ssub.s32 s24, s10  }
0xe: {  	p0 =	por !p0, !p0;
	s5 =	sadd.s32 s5, s2;
	p1 =	por !p1, !p1  }
0xf: {  	s24 =	simm.s32 $0x1;
	s6 =	sshrl.u32 s6, $0x3;
	s26 =	sadd.s32 s4, s8  }
0x10: {  	s29 =	sadd.s32 $0x20200, s23;
	s11 =	smax.u32 s25, $0x1;
	s13 =	sshrl.u32 @p0 s5, $0x3  }
0x11: {  	s15 =	sshrl.u32 @p1 s5, $0x3;
	s23 =	simm.s32 $0x6F40;
	[dreg:$0x3] =	wrdreg s26  }
0x12: {  	s25 =	simm.s32 $0x0;
	s7 =	sshrl.u32 s7, $0x3;
	[dreg:$0x4] =	wrdreg s29  }
0x13: {  	s26 =	simm.s32 $0x7EE0;
	s9 =	sadd.s32 s7, s0;
	s0 =	sadd.s32 s6, s0  }
0x14: {  	s8 =	sadd.s32 $0x2400, s9;
	s10 =	sadd.s32 $0x2A000, s0;
	s0 =	sshll.u32 @p0 s20, $0x6  }
0x15: {  	s9 =	sadd.s32 $0xC400, s9;
	s12 =	sor.u32 @p0 $0x1C09, s0;
	s0 =	sshll.u32 @p1 s20, $0x6  }
0x16: {  	s20 =	simm.s32 $0x8;
	s14 =	sor.u32 @p1 $0x1C09, s0;
	s0 =	simm.s32 $0x3  }
.LBB2_1:
0x17: {  	s6 =	rddreg [dreg:$0x3]  }
0x18: {  	[spmem:s13], [sflag:s12] =	dma.local @p0 [hbm:s6], $0xFA0  }
0x19: {  	s6 =	simm.s32 @p0 $0x9  }
0x1a: {  	_ =	swait.ge @p0 [sflag:s6], $0xFA0  }
0x1b: {  	[sflag:s6] =	ssyncset.done @p0 $0x0  }
0x1c: {  	[sflag:s6] =	ssyncadd.s32 @p0 $0xFFFFF060;
	s6 =	rddreg [dreg:$0x4]  }
0x1d: {  	[spmem:s15], [sflag:s14] =	dma.local @p1 [hbm:s6], $0xFA0  }
0x1e: {  	s6 =	simm.s32 @p1 $0x9  }
0x1f: {  	_ =	swait.ge @p1 [sflag:s6], $0xFA0  }
0x20: {  	[sflag:s6] =	ssyncset.done @p1 $0x0  }
0x21: {  	[sflag:s6] =	ssyncadd.s32 @p1 $0xFFFFF060  }
0x22: {  	[tilespmem:s3], [sflag:$0x9] =	stream.linear.gather [hbm4b:s8+s3], $0x2800, $0x38;
	[tilespmem:$0xDCA0] =	vst v63  }
0x23: {  	_ =	swait.ge [sflag:s16], $0x2800  }
0x24: {  	[sflag:s16] =	ssyncset.done $0x0  }
0x25: {  	[sflag:s16] =	ssyncadd.s32 $0xFFFFD800  }
0x26: {  	[tilespmem:s17], [sflag:$0x9] =	stream.linear.gather [hbm4b:s9+s3], $0x2800, $0x38;
	[tilespmem:$0xDCA0] =	vst v63  }
0x27: {  	_ =	swait.ge [sflag:s16], $0x2800  }
0x28: {  	[sflag:s16] =	ssyncset.done $0x0  }
0x29: {  	[sflag:s16] =	ssyncadd.s32 $0xFFFFD800  }
0x2a: {  	[bflag:$0x0] =	sbarrier.arrive $0xFFFF  }
0x2b: {  	[tilespmem:s19], [sflag:$0x1] =	stream.indirect.gather [hbm4b:s4+s18], $0x20, s3, s18, $0xb8;
	[tilespmem:$0xDCA0] =	vst v63  }
0x2c: {  	s7 =	simm.s32 $0x80  }
0x2d: {  	[tilespmem:s21], [sflag:$0x2] =	stream.indirect.gather [hbm4b:s4+s18], $0x20, s7, s18, $0xb8;
	[tilespmem:$0xDCA0] =	vst v63  }
0x2e: {  	s7 =	simm.s32 $0x100  }
0x2f: {  	[tilespmem:s23], [sflag:$0x3] =	stream.indirect.gather [hbm4b:s4+s18], $0x20, s7, s18, $0xb8;
	[tilespmem:$0xDCA0] =	vst v63  }
0x30: {  	_ =	swait.ge [sflag:s24], $0xFA0  }
0x31: {  	[sflag:s24] =	ssyncset.done $0x0  }
0x32: {  	[sflag:s24] =	ssyncadd.s32 $0xFFFFF060  }
0x33: {  	[spmem:s2] =	stream.indirect.scatter.add.f32 [tilespmem:s19], [sflag:$0x5], $0x20, s17, s18, $0xb8;
	[tilespmem:$0xDCA0] =	vst v63  }
0x34: {  	s7 =	simm.s32 $0x180  }
0x35: {  	[tilespmem:s26], [sflag:$0x4] =	stream.indirect.gather [hbm4b:s4+s18], $0x20, s7, s18, $0xb8;
	[tilespmem:$0xDCA0] =	vst v63  }
0x36: {  	_ =	swait.ge [sflag:s28], $0xFA0  }
0x37: {  	[sflag:s28] =	ssyncset.done $0x0  }
0x38: {  	s7 =	simm.s32 $0x2880;
	[sflag:s28] =	ssyncadd.s32 $0xFFFFF060  }
0x39: {  	[spmem:s2] =	stream.indirect.scatter.add.f32 [tilespmem:s21], [sflag:$0x6], $0x20, s7, s18, $0xb8;
	[tilespmem:$0xDCA0] =	vst v63  }
0x3a: {  	_ =	swait.ge [sflag:s30], $0xFA0  }
0x3b: {  	[sflag:s30] =	ssyncset.done $0x0  }
0x3c: {  	s7 =	simm.s32 $0x200;
	[sflag:s30] =	ssyncadd.s32 $0xFFFFF060  }
0x3d: {  	[tilespmem:s19], [sflag:$0x1] =	stream.indirect.gather [hbm4b:s4+s18], $0x20, s7, s18, $0xb8;
	[tilespmem:$0xDCA0] =	vst v63  }
0x3e: {  	_ =	swait.ge [sflag:s0], $0xFA0  }
0x3f: {  	[sflag:s0] =	ssyncset.done $0x0  }
0x40: {  	s7 =	simm.s32 $0x2900;
	[sflag:s0] =	ssyncadd.s32 $0xFFFFF060  }
0x41: {  	[spmem:s2] =	stream.indirect.scatter.add.f32 [tilespmem:s23], [sflag:$0x7], $0x20, s7, s18, $0xb8;
	[tilespmem:$0xDCA0] =	vst v63  }
0x42: {  	_ =	swait.ge [sflag:s22], $0xFA0  }
0x43: {  	[sflag:s22] =	ssyncset.done $0x0  }
0x44: {  	s7 =	simm.s32 $0x280;
	[sflag:s22] =	ssyncadd.s32 $0xFFFFF060  }
0x45: {  	[tilespmem:s21], [sflag:$0x2] =	stream.indirect.gather [hbm4b:s4+s18], $0x20, s7, s18, $0xb8;
	[tilespmem:$0xDCA0] =	vst v63  }
0x46: {  	_ =	swait.ge [sflag:s1], $0xFA0  }
0x47: {  	[sflag:s1] =	ssyncset.done $0x0  }
0x48: {  	s7 =	simm.s32 $0x2980;
	[sflag:s1] =	ssyncadd.s32 $0xFFFFF060  }
0x49: {  	[spmem:s2] =	stream.indirect.scatter.add.f32 [tilespmem:s26], [sflag:$0x8], $0x20, s7, s18, $0xb8;
	[tilespmem:$0xDCA0] =	vst v63  }
0x4a: {  	_ =	swait.ge [sflag:s31], $0xFA0  }
0x4b: {  	[sflag:s31] =	ssyncset.done $0x0  }
0x4c: {  	s7 =	simm.s32 $0x300;
	[sflag:s31] =	ssyncadd.s32 $0xFFFFF060  }
0x4d: {  	[tilespmem:s23], [sflag:$0x3] =	stream.indirect.gather [hbm4b:s4+s18], $0x20, s7, s18, $0xb8;
	[tilespmem:$0xDCA0] =	vst v63  }
0x4e: {  	_ =	swait.ge [sflag:s24], $0xFA0  }
0x4f: {  	[sflag:s24] =	ssyncset.done $0x0  }
0x50: {  	s7 =	simm.s32 $0x2A00;
	[sflag:s24] =	ssyncadd.s32 $0xFFFFF060  }
0x51: {  	[spmem:s2] =	stream.indirect.scatter.add.f32 [tilespmem:s19], [sflag:$0x5], $0x20, s7, s18, $0xb8;
	[tilespmem:$0xDCA0] =	vst v63  }
0x52: {  	_ =	swait.ge [sflag:s20], $0xFA0  }
0x53: {  	[sflag:s20] =	ssyncset.done $0x0  }
0x54: {  	s7 =	simm.s32 $0x380;
	[sflag:s20] =	ssyncadd.s32 $0xFFFFF060  }
0x55: {  	[tilespmem:s26], [sflag:$0x4] =	stream.indirect.gather [hbm4b:s4+s18], $0x20, s7, s18, $0xb8;
	[tilespmem:$0xDCA0] =	vst v63  }
0x56: {  	_ =	swait.ge [sflag:s28], $0xFA0  }
0x57: {  	[sflag:s28] =	ssyncset.done $0x0  }
0x58: {  	s7 =	simm.s32 $0x2A80;
	[sflag:s28] =	ssyncadd.s32 $0xFFFFF060  }
0x59: {  	[spmem:s2] =	stream.indirect.scatter.add.f32 [tilespmem:s21], [sflag:$0x6], $0x20, s7, s18, $0xb8;
	[tilespmem:$0xDCA0] =	vst v63  }
0x5a: {  	_ =	swait.ge [sflag:s30], $0xFA0  }
0x5b: {  	[sflag:s30] =	ssyncset.done $0x0  }
0x5c: {  	s7 =	simm.s32 $0x400;
	[sflag:s30] =	ssyncadd.s32 $0xFFFFF060  }
0x5d: {  	[tilespmem:s19], [sflag:$0x1] =	stream.indirect.gather [hbm4b:s4+s18], $0x20, s7, s18, $0xb8;
	[tilespmem:$0xDCA0] =	vst v63  }
0x5e: {  	_ =	swait.ge [sflag:s0], $0xFA0  }
0x5f: {  	[sflag:s0] =	ssyncset.done $0x0  }
0x60: {  	s7 =	simm.s32 $0x2B00;
	[sflag:s0] =	ssyncadd.s32 $0xFFFFF060  }
0x61: {  	[spmem:s2] =	stream.indirect.scatter.add.f32 [tilespmem:s23], [sflag:$0x7], $0x20, s7, s18, $0xb8;
	[tilespmem:$0xDCA0] =	vst v63  }
0x62: {  	_ =	swait.ge [sflag:s22], $0xFA0  }
0x63: {  	[sflag:s22] =	ssyncset.done $0x0  }
0x64: {  	s7 =	simm.s32 $0x480;
	[sflag:s22] =	ssyncadd.s32 $0xFFFFF060  }
0x65: {  	[tilespmem:s21], [sflag:$0x2] =	stream.indirect.gather [hbm4b:s4+s18], $0x20, s7, s18, $0xb8;
	[tilespmem:$0xDCA0] =	vst v63  }
0x66: {  	_ =	swait.ge [sflag:s1], $0xFA0  }
0x67: {  	[sflag:s1] =	ssyncset.done $0x0  }
0x68: {  	s29 =	simm.s32 $0x800;
	s6 =	simm.s32 $0x2B80;
	[sflag:s1] =	ssyncadd.s32 $0xFFFFF060  }
.LBB2_2:
0x69: {  	[spmem:s2] =	stream.indirect.scatter.add.f32 [tilespmem:s26], [sflag:$0x8], $0x20, s6, s18, $0xb8;
	[tilespmem:$0xDCA0] =	vst v63  }
0x6a: {  	s6 =	smov.u32 s29  }
0x6b: {  	p3 =	sne.s32 s29, $0x8800;
	s29 =	sadd.s32 $0x800, s29;
	_ =	swait.ge [sflag:s31], $0xFA0  }
0x6c: {  	s6 =	sshra.s32 s6, $0x2;
	[sflag:s31] =	ssyncset.done $0x0  }
0x6d: {  	s7 =	sadd.s32 $0x300, s6;
	[sflag:s31] =	ssyncadd.s32 $0xFFFFF060  }
0x6e: {  	[tilespmem:s23], [sflag:$0x3] =	stream.indirect.gather [hbm4b:s4+s18], $0x20, s7, s18, $0xb8;
	[tilespmem:$0xDCA0] =	vst v63  }
0x6f: {  	_ =	swait.ge [sflag:s24], $0xFA0  }
0x70: {  	[sflag:s24] =	ssyncset.done $0x0  }
0x71: {  	s7 =	sadd.s32 $0x2A00, s6;
	[sflag:s24] =	ssyncadd.s32 $0xFFFFF060  }
0x72: {  	[spmem:s2] =	stream.indirect.scatter.add.f32 [tilespmem:s19], [sflag:$0x5], $0x20, s7, s18, $0xb8;
	[tilespmem:$0xDCA0] =	vst v63  }
0x73: {  	_ =	swait.ge [sflag:s20], $0xFA0  }
0x74: {  	[sflag:s20] =	ssyncset.done $0x0  }
0x75: {  	s7 =	sadd.s32 $0x380, s6;
	[sflag:s20] =	ssyncadd.s32 $0xFFFFF060  }
0x76: {  	[tilespmem:s26], [sflag:$0x4] =	stream.indirect.gather [hbm4b:s4+s18], $0x20, s7, s18, $0xb8;
	[tilespmem:$0xDCA0] =	vst v63  }
0x77: {  	_ =	swait.ge [sflag:s28], $0xFA0  }
0x78: {  	[sflag:s28] =	ssyncset.done $0x0  }
0x79: {  	s7 =	sadd.s32 $0x2A80, s6;
	[sflag:s28] =	ssyncadd.s32 $0xFFFFF060  }
0x7a: {  	[spmem:s2] =	stream.indirect.scatter.add.f32 [tilespmem:s21], [sflag:$0x6], $0x20, s7, s18, $0xb8;
	[tilespmem:$0xDCA0] =	vst v63  }
0x7b: {  	_ =	swait.ge [sflag:s30], $0xFA0  }
0x7c: {  	[sflag:s30] =	ssyncset.done $0x0  }
0x7d: {  	s7 =	sadd.s32 $0x400, s6;
	[sflag:s30] =	ssyncadd.s32 $0xFFFFF060  }
0x7e: {  	[tilespmem:s19], [sflag:$0x1] =	stream.indirect.gather [hbm4b:s4+s18], $0x20, s7, s18, $0xb8;
	[tilespmem:$0xDCA0] =	vst v63  }
0x7f: {  	_ =	swait.ge [sflag:s0], $0xFA0  }
0x80: {  	[sflag:s0] =	ssyncset.done $0x0  }
0x81: {  	s7 =	sadd.s32 $0x2B00, s6;
	[sflag:s0] =	ssyncadd.s32 $0xFFFFF060  }
0x82: {  	[spmem:s2] =	stream.indirect.scatter.add.f32 [tilespmem:s23], [sflag:$0x7], $0x20, s7, s18, $0xb8;
	[tilespmem:$0xDCA0] =	vst v63  }
0x83: {  	_ =	swait.ge [sflag:s22], $0xFA0  }
0x84: {  	[sflag:s22] =	ssyncset.done $0x0  }
.Ltmp0:
0x85: {  	s7 =	sadd.s32 $0x480, s6;
	[sflag:s22] =	ssyncadd.s32 $0xFFFFF060;
	(pc) =	sbr.rel @p3 .LBB2_2-.Ltmp0, $4  }
0x86: {  	[tilespmem:s21], [sflag:$0x2] =	stream.indirect.gather [hbm4b:s4+s18], $0x20, s7, s18, $0xb8;
	[tilespmem:$0xDCA0] =	vst v63  }
0x87: {  	_ =	swait.ge [sflag:s1], $0xFA0  }
0x88: {  	[sflag:s1] =	ssyncset.done $0x0  }
0x89: {  	s6 =	sadd.s32 $0x2B80, s6;
	[sflag:s1] =	ssyncadd.s32 $0xFFFFF060  }
0x8a: {  	[spmem:s2] =	stream.indirect.scatter.add.f32 [tilespmem:s26], [sflag:$0x8], $0x20, s6, s18, $0xb8;
	[tilespmem:$0xDCA0] =	vst v63  }
0x8b: {  	_ =	swait.ge [sflag:s31], $0xFA0  }
0x8c: {  	[sflag:s31] =	ssyncset.done $0x0  }
0x8d: {  	s7 =	simm.s32 $0x2700;
	[sflag:s31] =	ssyncadd.s32 $0xFFFFF060  }
0x8e: {  	[tilespmem:s23], [sflag:$0x3] =	stream.indirect.gather [hbm4b:s4+s18], $0x20, s7, s18, $0xb8;
	[tilespmem:$0xDCA0] =	vst v63  }
0x8f: {  	_ =	swait.ge [sflag:s24], $0xFA0  }
0x90: {  	[sflag:s24] =	ssyncset.done $0x0  }
0x91: {  	s29 =	simm.s32 $0x4E00;
	[sflag:s24] =	ssyncadd.s32 $0xFFFFF060  }
0x92: {  	[spmem:s2] =	stream.indirect.scatter.add.f32 [tilespmem:s19], [sflag:$0x5], $0x20, s29, s18, $0xb8;
	[tilespmem:$0xDCA0] =	vst v63  }
0x93: {  	_ =	swait.ge [sflag:s20], $0xFA0  }
0x94: {  	[sflag:s20] =	ssyncset.done $0x0  }
0x95: {  	s7 =	simm.s32 $0x2780;
	[sflag:s20] =	ssyncadd.s32 $0xFFFFF060  }
0x96: {  	[tilespmem:s26], [sflag:$0x4] =	stream.indirect.gather [hbm4b:s4+s18], $0x20, s7, s18, $0xb8;
	[tilespmem:$0xDCA0] =	vst v63  }
0x97: {  	_ =	swait.ge [sflag:s28], $0xFA0  }
0x98: {  	[sflag:s28] =	ssyncset.done $0x0  }
0x99: {  	s29 =	simm.s32 $0x4E80;
	[sflag:s28] =	ssyncadd.s32 $0xFFFFF060  }
0x9a: {  	[spmem:s2] =	stream.indirect.scatter.add.f32 [tilespmem:s21], [sflag:$0x6], $0x20, s29, s18, $0xb8;
	[tilespmem:$0xDCA0] =	vst v63  }
0x9b: {  	_ =	swait.ge [sflag:s30], $0xFA0  }
0x9c: {  	[sflag:s30] =	ssyncset.done $0x0  }
0x9d: {  	[sflag:s30] =	ssyncadd.s32 $0xFFFFF060  }
0x9e: {  	_ =	swait.ge [sflag:s0], $0xFA0  }
0x9f: {  	[sflag:s0] =	ssyncset.done $0x0  }
0xa0: {  	s7 =	simm.s32 $0x4F00;
	[sflag:s0] =	ssyncadd.s32 $0xFFFFF060  }
0xa1: {  	[spmem:s2] =	stream.indirect.scatter.add.f32 [tilespmem:s23], [sflag:$0x7], $0x20, s7, s18, $0xb8;
	[tilespmem:$0xDCA0] =	vst v63  }
0xa2: {  	_ =	swait.ge [sflag:s22], $0xFA0  }
0xa3: {  	[sflag:s22] =	ssyncset.done $0x0  }
0xa4: {  	[sflag:s22] =	ssyncadd.s32 $0xFFFFF060  }
0xa5: {  	_ =	swait.ge [sflag:s1], $0xFA0  }
0xa6: {  	[sflag:s1] =	ssyncset.done $0x0  }
0xa7: {  	s29 =	simm.s32 $0x4F80;
	[sflag:s1] =	ssyncadd.s32 $0xFFFFF060  }
0xa8: {  	[spmem:s2] =	stream.indirect.scatter.add.f32 [tilespmem:s26], [sflag:$0x8], $0x20, s29, s18, $0xb8;
	[tilespmem:$0xDCA0] =	vst v63  }
0xa9: {  	_ =	swait.ge [sflag:s31], $0xFA0  }
0xaa: {  	[sflag:s31] =	ssyncset.done $0x0  }
0xab: {  	[sflag:s31] =	ssyncadd.s32 $0xFFFFF060  }
0xac: {  	_ =	swait.ge [sflag:s20], $0xFA0  }
0xad: {  	s6 =	stileid.u32;
	s25 =	sadd.s32 $0x1, s25;
	[sflag:s20] =	ssyncset.done $0x0  }
0xae: {  	s6 =	sshll.u32 @!p2 s6, $0x6;
	p3 =	sne.s32 s25, s11;
	[sflag:s20] =	ssyncadd.s32 $0xFFFFF060  }
0xaf: {  	s6 =	sor.u32 @!p2 $0x1C09, s6;
	s7 =	sshrl.u32 @!p2 s5, $0x3;
	[bflag:$0x0] =	sbarrier.arrive $0xFFFF  }
0xb0: {  	[hbm:s10], [sflag:s6] =	dma.local @!p2 [spmem:s7], $0xFA0  }
.Ltmp1:
0xb1: {  	_ = 	snop;
	(pc) =	sbr.rel @p3 .LBB2_1-.Ltmp1, $4  }
0xb2: {  	s6 =	simm.s32 @!p2 $0x9  }
0xb3: {  	_ =	swait.ge @!p2 [sflag:s6], $0xFA0  }
0xb4: {  	[sflag:s6] =	ssyncset.done @!p2 $0x0  }
0xb5: {  	[sflag:s6] =	ssyncadd.s32 @!p2 $0xFFFFF060  }
0xb6: {  	_ =	sfence.sel $0x180000  }
0xb7: {  	[bflag:$0x0] =	sbarrier.arrive $0xFFFF  }
0xb8: {  	_ =	strace $0x9000004A  }
0xb9: {  	s0 =	stileid.u32;
	[bflag:$0x2] =	sbarrier.arrive $0xFFFF  }
0xba: {  	p0 =	sne.s32 s0, $0x0;
	s0 =	rddreg [dreg:$0x2]  }
0xbb: {  	s0 =	sadd.s32 @!p0 $0x100000, s0  }
0xbc: {  	[sflag:s0] =	ssyncadd.tile.s32 @!p0 $0x1;
	_ =	shalt  }
.Lfunc_end2:
_tile_overlayer_lowered:
.L_overlay_start_2:
0xbd: {  	(tag) =	ssettag $0x2  }
0xbe: {  	s0 =	rddreg [dreg:$0x0];
	s2 =	stileid.u32  }
0xbf: {  	s1 =	rddreg [dreg:$0x1];
	p0 =	sne.s32 s2, $0x0  }
0xc0: {  	s3 =	rddreg [dreg:$0x2];
	[bflag:$0x3] =	sbarrier.arrive $0xFFFF;
	s2 =	simm.s32 @!p0 $0x1C09  }
0xc1: {  	[timem:s3], [sflag:s2] =	dma.local @!p0 [hbm:s0], s1  }
0xc2: {  	s0 =	simm.s32 @!p0 $0x9  }
0xc3: {  	_ =	swait.ge @!p0 [sflag:s0], s1  }
0xc4: {  	s1 =	ssub.s32 @!p0 $0x0, s1;
	[sflag:s0] =	ssyncset.done @!p0 $0x0  }
0xc5: {  	[sflag:s0] =	ssyncadd.s32 @!p0 s1  }
0xc6: {  	[bflag:$0x3] =	sbarrier.arrive $0xFFFF  }
0xc7: {  	_ =	shalt  }

// kernel: kernel.14.cloned.1.call-start
scs
__scs_entry_jumppad:
0x0: {  	(pc) =	sbr.rel $0x88, $3  }
0x1: {  	(tag) =	ssettag $0x0;
	lr =	simm.s32 $0x1  }
0x2: {  	[smem:$0x3F9C] =	sst lr;
	_ =	strace $0xD0000000  }
0x3: {  	_ = 	snop  }
0x4: {  	_ = 	snop  }
0x5: {  	_ = 	snop  }
0x6: {  	_ = 	snop  }
0x7: {  	_ = 	snop  }
__scs_overlays_trampoline_lowered:
0x8: {  	[smem:$0x3FAB] =	sst s0  }
0x9: {  	[smem:$0x3FAC] =	sst s1  }
0xa: {  	[smem:$0x3FAD] =	sst s2  }
0xb: {  	[smem:$0x3FAE] =	sst s3  }
0xc: {  	[smem:$0x3FAF] =	sst s4  }
0xd: {  	[smem:$0x3FB0] =	sst s5  }
0xe: {  	[smem:$0x3FB1] =	sst s6  }
0xf: {  	[smem:$0x3FB2] =	sst s7  }
0x10: {  	[smem:$0x3FB3] =	sst s8  }
0x11: {  	[smem:$0x3FB4] =	sst s9;
	s0 =	simm.s32 @!p0 $0x0  }
0x12: {  	s1 =	sld [smem:$0x3F9A];
	s0 =	simm.s32 @p0 $0x1  }
0x13: {  	[smem:$0x3FB5] =	sst s0;
	s0 =	simm.s32 @!p1 $0x0  }
0x14: {  	s2 =	sld [smem:$0x3F99];
	s0 =	simm.s32 @p1 $0x1  }
0x15: {  	[smem:$0x3FB6] =	sst s0;
	s0 =	simm.s32 @!p2 $0x0  }
0x16: {  	s3 =	sld [smem:$0x3FDB];
	s0 =	simm.s32 @p2 $0x1  }
0x17: {  	s4 =	simm.s32 $0x1BF5;
	[smem:$0x3FB8] =	sst s0  }
0x18: {  	s0 =	sld [smem:$0x3F9B];
	_ =	swait.ge [sflag:s4], $0x0  }
0x19: {  	s7 =	sld [smem:$0x3F9C]  }
0x1a: {  	s8 =	sadd.s32 $0xFFFFE003, lr  }
0x1b: {  	s9 =	sadd.s32 $0xFFFFFEF7, lr;
	s5 =	simm.s32 $0xFFFFFFFF;
	p2 =	slt.u32 s8, $0xFFFFF086  }
0x1c: {  	p1 =	slt.u32 s9, $0xF7A;
	s5 =	simm.s32 @!p2 $0x0  }
0x1d: {  	s5 =	simm.s32 @p1 $0x1;
	p0 =	seq.s32 s7, s2  }
0x1e: {  	s7 =	smul.u32 @!p0 $0xF7A, s2;
	p2 =	seq.s32 @!p0 s5, $0x0  }
0x1f: {  	s9 =	smul.u32 $0xF7A, s1;
	s8 =	simm.s32 @!p0 $0x1BF5;
	p2 =	por !p2, p0  }
0x20: {  	[sflag:s8] =	ssyncset.s32 @!p0 $0xFFFFF086;
	s6 =	sadd.s32 @!p0 s3, s7;
	s7 =	simm.s32 @!p0 $0x108  }
0x21: {  	s3 =	sadd.s32 s3, s9;
	s6 =	sadd.s32 @!p0 $0x88, s6;
	s7 =	simm.s32 @p2 $0x1082  }
0x22: {  	[simem:s7], [sflag:s8] =	dma.local @!p0 [hbm:s6], $0xF7A  }
0x23: {  	s9 =	sor.u32 $0xD0000000, s2;
	s6 =	simm.s32 $0x108;
	_ =	swait.ge @!p0 [sflag:s8], $0x0  }
0x24: {  	s3 =	sadd.s32 $0x88, s3;
	s6 =	simm.s32 @!p1 $0x1082;
	[sflag:s4] =	ssyncset.s32 $0xFFFFF086  }
0x25: {  	[simem:s6], [sflag:s4] =	dma.local [hbm:s3], $0xF7A  }
0x26: {  	[smem:$0x3F9C] =	sst s1;
	(tag) =	ssettag s2;
	_ =	strace s9  }
0x27: {  	s1 =	sld [smem:$0x3FAC]  }
0x28: {  	s2 =	sld [smem:$0x3FAD]  }
0x29: {  	s4 =	sld [smem:$0x3FAF]  }
0x2a: {  	p0 =	seq.s32 s5, $0x0;
	s5 =	sld [smem:$0x3FB0]  }
0x2b: {  	s6 =	sld [smem:$0x3FB1]  }
0x2c: {  	s7 =	sld [smem:$0x3FB2]  }
0x2d: {  	s3 =	simm.s32 $0x108;
	s8 =	sld [smem:$0x3FB3]  }
0x2e: {  	s3 =	simm.s32 @!p0 $0x1082;
	s9 =	sld [smem:$0x3FB4]  }
0x2f: {  	lr =	sadd.s32 s0, s3;
	s0 =	sld [smem:$0x3FAB]  }
0x30: {  	s3 =	sld [smem:$0x3FAE]  }
0x31: {  	[smem:$0x3FB7] =	sst s10  }
0x32: {  	s10 =	sld [smem:$0x3FB5];
	_ =	sdelay $0x3  }
0x33: {  	p0 =	seq.s32 s10, $0x1;
	s10 =	sld [smem:$0x3FB7];
	_ =	sdelay $0x3  }
0x34: {  	[smem:$0x3FB7] =	sst s10  }
0x35: {  	s10 =	sld [smem:$0x3FB6];
	_ =	sdelay $0x3  }
0x36: {  	p1 =	seq.s32 s10, $0x1;
	s10 =	sld [smem:$0x3FB7];
	_ =	sdelay $0x3  }
0x37: {  	[smem:$0x3FB7] =	sst s10  }
0x38: {  	s10 =	sld [smem:$0x3FB8]  }
0x39: {  	_ = 	snop;
	(pc) =	sbr.ind lr, $3  }
0x3a: {  	_ = 	snop  }
0x3b: {  	_ = 	snop  }
0x3c: {  	p2 =	seq.s32 s10, $0x1;
	s10 =	sld [smem:$0x3FB7]  }
0x3d: {  	_ =	shalt  }
0x3e: {  	_ =	shalt  }
0x3f: {  	_ =	shalt  }
0x40: {  	_ =	shalt  }
0x41: {  	_ =	shalt  }
0x42: {  	_ =	shalt  }
0x43: {  	_ =	shalt  }
0x44: {  	_ =	shalt  }
0x45: {  	_ =	shalt  }
0x46: {  	_ =	shalt  }
0x47: {  	_ =	shalt  }
0x48: {  	_ =	shalt  }
0x49: {  	_ =	shalt  }
0x4a: {  	_ =	shalt  }
0x4b: {  	_ =	shalt  }
0x4c: {  	_ =	shalt  }
0x4d: {  	_ =	shalt  }
0x4e: {  	_ =	shalt  }
0x4f: {  	_ =	shalt  }
0x50: {  	_ =	shalt  }
0x51: {  	_ =	shalt  }
0x52: {  	_ =	shalt  }
0x53: {  	_ =	shalt  }
0x54: {  	_ =	shalt  }
0x55: {  	_ =	shalt  }
0x56: {  	_ =	shalt  }
0x57: {  	_ =	shalt  }
0x58: {  	_ =	shalt  }
0x59: {  	_ =	shalt  }
0x5a: {  	_ =	shalt  }
0x5b: {  	_ =	shalt  }
0x5c: {  	_ =	shalt  }
0x5d: {  	_ =	shalt  }
0x5e: {  	_ =	shalt  }
0x5f: {  	_ =	shalt  }
0x60: {  	_ =	shalt  }
0x61: {  	_ =	shalt  }
0x62: {  	_ =	shalt  }
0x63: {  	_ =	shalt  }
0x64: {  	_ =	shalt  }
0x65: {  	_ =	shalt  }
0x66: {  	_ =	shalt  }
0x67: {  	_ =	shalt  }
0x68: {  	_ =	shalt  }
0x69: {  	_ =	shalt  }
0x6a: {  	_ =	shalt  }
0x6b: {  	_ =	shalt  }
0x6c: {  	_ =	shalt  }
0x6d: {  	_ =	shalt  }
0x6e: {  	_ =	shalt  }
0x6f: {  	_ =	shalt  }
0x70: {  	_ =	shalt  }
0x71: {  	_ =	shalt  }
0x72: {  	_ =	shalt  }
0x73: {  	_ =	shalt  }
0x74: {  	_ =	shalt  }
0x75: {  	_ =	shalt  }
0x76: {  	_ =	shalt  }
0x77: {  	_ =	shalt  }
0x78: {  	_ =	shalt  }
0x79: {  	_ =	shalt  }
0x7a: {  	_ =	shalt  }
0x7b: {  	_ =	shalt  }
0x7c: {  	_ =	shalt  }
0x7d: {  	_ =	shalt  }
0x7e: {  	_ =	shalt  }
0x7f: {  	_ =	shalt  }
0x80: {  	_ =	shalt  }
0x81: {  	_ =	shalt  }
0x82: {  	_ =	shalt  }
0x83: {  	_ =	shalt  }
0x84: {  	_ =	shalt  }
0x85: {  	_ =	shalt  }
0x86: {  	_ =	shalt  }
0x87: {  	_ =	shalt  }
.Lfunc_end0:
.L_simem_size_0:
called_computation.2_lowered:
.L_overlay_start_0:
0x88: {  	s2 =	sld [smem:$0x3FD9]  }
0x89: {  	s3 =	sld [smem:$0x3FFE];
	_ =	sdelay $0x1  }
0x8a: {  	s1 =	srdreg.scid  }
0x8b: {  	s0 =	sand.u32 $0x1, s1  }
0x8c: {  	s16 =	sshll.u32 s0, $0xA;
	s2 =	sadd.s32 s3, s2  }
0x8d: {  	s2 =	sadd.s32 s2, s16  }
0x8e: {  	[smem:$0x3FC3] =	sst s2  }
0x8f: {  	_ = 	snop  }
0x90: {  	(tm) =	ssettm $0x1  }
0x91: {  	s17 =	sld [smem:$0x3FFB];
	_ =	sdelay $0x3  }
0x92: {  	_ =	strace s17  }
0x93: {  	s2 =	sld [smem:$0x3FFC];
	_ =	sdelay $0x3  }
0x94: {  	_ =	strace s2  }
0x95: {  	s2 =	sld [smem:$0x3FFD];
	_ =	sdelay $0x3  }
0x96: {  	_ =	strace s2  }
0x97: {  	_ =	strace $0x8FFFFFFF  }
0x98: {  	s18 =	sld [smem:$0x3FDB];
	_ =	sdelay $0x1  }
0x99: {  	s19 =	simm.s32 $_scs_section_size  }
0x9a: {  	s4 =	simm.s32 $_size__tile_overlayer_lowered;
	s5 =	simm.s32 $_tile_overlayer_lowered  }
0x9b: {  	s22 =	simm.s32 $0x1BFF;
	s21 =	sshll.u32 s5, $0x1;
	s2 =	sadd.s32 s19, s18  }
0x9c: {  	s6 =	simm.s32 $0x0;
	s20 =	sshll.u32 s4, $0x1;
	s4 =	sadd.s32 s21, s2  }
0x9d: {  	[timem:s6], [sflag:s22] =	dma.local [hbm:s4], s20  }
0x9e: {  	_ =	swait.ge [sflag:s22], s20  }
0x9f: {  	s3 =	ssub.s32 $0x0, s20;
	[sflag:s22] =	ssyncset.done $0x0  }
0xa0: {  	[sflag:s22] =	ssyncadd.s32 s3;
	_ =	sdelay $0x1  }
0xa1: {  	s23 =	simm.s32 $0x1B8B  }
0xa2: {  	_ =	swait.ge [sflag:s23], $0x1  }
0xa3: {  	[sflag:s23] =	ssyncset.done $0x0  }
0xa4: {  	s25 =	simm.s32 $0x1B8E;
	s24 =	sld [smem:$0x3FFE];
	[sflag:s23] =	ssyncadd.s32 $0xFFFFFFFF  }
0xa5: {  	s26 =	simm.s32 $execute0_lowered;
	[smem:$0x3FD2] =	sst s25  }
0xa6: {  	s4 =	sshll.u32 s26, $0x1;
	_ =	strace $0x8000004C;
	[dreg:$0x1] =	wrdreg $0xFFFFFFFF  }
0xa7: {  	s28 =	simm.s32 $_size_execute0_lowered;
	s2 =	sadd.s32 s2, s4;
	[dreg:$0x0] =	wrdreg $0x0  }
0xa8: {  	s4 =	sshll.u32 s28, $0x1;
	[dreg:$0x2] =	wrdreg s2  }
0xa9: {  	[dreg:$0x3] =	wrdreg s4  }
0xaa: {  	[dreg:$0x4] =	wrdreg $0xC0  }
0xab: {  	_ =	task [dreg:s6], $0x5FFFF  }
0xac: {  	[dreg:$0x1] =	wrdreg $0xFFFFFFFF  }
0xad: {  	[dreg:$0x0] =	wrdreg $0x60  }
0xae: {  	[dreg:$0x2] =	wrdreg s24  }
0xaf: {  	[dreg:$0x3] =	wrdreg $0x8E800  }
0xb0: {  	[dreg:$0x4] =	wrdreg $0x9  }
0xb1: {  	_ =	task.clear_ibuf [dreg:s6], $0x5FFFF;
	_ =	strace $0x9000004C  }
0xb2: {  	s29 =	simm.s32 $0x9;
	_ =	strace $0x8000004E  }
0xb3: {  	_ =	swait.ge [sflag:s29], $0x1  }
0xb4: {  	[sflag:s29] =	ssyncadd.s32 $0xFFFFFFFF  }
0xb5: {  	_ =	strace $0x9000004E  }
0xb6: {  	_ =	sfence  }
0xb7: {  	s30 =	sld [smem:$0x0];
	_ =	sdelay $0x2  }
0xb8: {  	s31 =	sshll.u32 s1, $0xD;
	s1 =	sshrl.u32 s1, $0x2  }
0xb9: {  	s3 =	sand.u32 $0x4000, s31;
	s1 =	sadd.s32 s1, s30  }
0xba: {  	s0 =	sor.u32 s3, s0;
	s1 =	sshll.u32 s1, $0x11  }
0xbb: {  	s0 =	sor.u32 s1, s0  }
0xbc: {  	s0 =	sadd.s32 $0x8F2B, s0  }
0xbd: {  	[sflag:s0] =	ssyncadd.remote.s32 $0x1  }
0xbe: {  	_ =	sfence.sel $0xFFFF  }
0xbf: {  	[dreg:$0x0] =	wrdreg $0xFFFFFFFF;
	(pc) =	sbr.abs _section_cstart, $3  }
0xc0: {  	[dreg:$0x1] =	wrdreg $0xFFFFFFFF  }
0xc1: {  	_ =	task.clear_ibuf [dreg:s6], $0x2FFFF;
	_ =	strace $0x9FFFFFFF  }
0xc2: {  	(tm) =	ssettm $0x7FFFFFFF  }
0xc3: {  	_ =	shalt  }
tec
execute0_lowered:
.L_overlay_start_1:
0x0: {  	(tag) =	ssettag $0x1  }
0x1: {  	s0 =	rddreg [dreg:$0x0]  }
0x2: {  	s1 =	srdreg.scid;
	s2 =	rddreg [dreg:$0x1]  }
0x3: {  	s20 =	stileid.u32;
	s3 =	simm.s32 $0x0;
	s16 =	simm.s32 $0x9  }
0x4: {  	s17 =	simm.s32 $0x2800;
	s18 =	simm.s32 $0x7D;
	s19 =	simm.s32 $0x5000  }
0x5: {  	s21 =	simm.s32 $0x5FA0;
	s28 =	simm.s32 $0x2;
	s30 =	simm.s32 $0x5  }
0x6: {  	s22 =	simm.s32 $0x6;
	s31 =	simm.s32 $0x7;
	s1 =	sand.u32 $0x1, s1  }
0x7: {  	s5 =	smul.u32 $0x7D00, s20;
	[smem:$0x7FF] =	sst s3;
	p1 =	slt.u32 s20, $0xA  }
0x8: {  	s4 =	sshll.u32 s1, $0x4;
	s6 =	smul.u32 $0x4E200, s1;
	_ =	strace $0x8000004D  }
0x9: {  	s24 =	ssub.s32 $0x2, s1;
	p0 =	seq.s32 s1, $0x0;
	p2 =	seq.s32 s1, $0x1  }
0xa: {  	s1 =	simm.s32 $0x4;
	s4 =	sor.u32 s20, s4;
	s8 =	sshrl.u32 s5, $0x3  }
0xb: {  	s10 =	sshrl.u32 s24, $0x1;
	p0 =	por !p1, !p0;
	p1 =	por !p1, !p2  }
0xc: {  	p2 =	sgt.u32 s20, $0x9;
	s7 =	smul.u32 $0x2800, s4;
	s4 =	sadd.s32 $0x16400, s0  }
0xd: {  	s6 =	sadd.s32 s5, s6;
	s23 =	sadd.s32 s8, s0;
	s25 =	ssub.s32 s24, s10  }
0xe: {  	p0 =	por !p0, !p0;
	s5 =	sadd.s32 s5, s2;
	p1 =	por !p1, !p1  }
0xf: {  	s24 =	simm.s32 $0x1;
	s6 =	sshrl.u32 s6, $0x3;
	s26 =	sadd.s32 s4, s8  }
0x10: {  	s29 =	sadd.s32 $0x20200, s23;
	s11 =	smax.u32 s25, $0x1;
	s13 =	sshrl.u32 @p0 s5, $0x3  }
0x11: {  	s15 =	sshrl.u32 @p1 s5, $0x3;
	s23 =	simm.s32 $0x6F40;
	[dreg:$0x3] =	wrdreg s26  }
0x12: {  	s25 =	simm.s32 $0x0;
	s7 =	sshrl.u32 s7, $0x3;
	[dreg:$0x4] =	wrdreg s29  }
0x13: {  	s26 =	simm.s32 $0x7EE0;
	s9 =	sadd.s32 s7, s0;
	s0 =	sadd.s32 s6, s0  }
0x14: {  	s8 =	sadd.s32 $0x2400, s9;
	s10 =	sadd.s32 $0x2A000, s0;
	s0 =	sshll.u32 @p0 s20, $0x6  }
0x15: {  	s9 =	sadd.s32 $0xC400, s9;
	s12 =	sor.u32 @p0 $0x1C09, s0;
	s0 =	sshll.u32 @p1 s20, $0x6  }
0x16: {  	s20 =	simm.s32 $0x8;
	s14 =	sor.u32 @p1 $0x1C09, s0;
	s0 =	simm.s32 $0x3  }
.LBB2_1:
0x17: {  	s6 =	rddreg [dreg:$0x3]  }
0x18: {  	[spmem:s13], [sflag:s12] =	dma.local @p0 [hbm:s6], $0xFA0  }
0x19: {  	s6 =	simm.s32 @p0 $0x9  }
0x1a: {  	_ =	swait.ge @p0 [sflag:s6], $0xFA0  }
0x1b: {  	[sflag:s6] =	ssyncset.done @p0 $0x0  }
0x1c: {  	[sflag:s6] =	ssyncadd.s32 @p0 $0xFFFFF060;
	s6 =	rddreg [dreg:$0x4]  }
0x1d: {  	[spmem:s15], [sflag:s14] =	dma.local @p1 [hbm:s6], $0xFA0  }
0x1e: {  	s6 =	simm.s32 @p1 $0x9  }
0x1f: {  	_ =	swait.ge @p1 [sflag:s6], $0xFA0  }
0x20: {  	[sflag:s6] =	ssyncset.done @p1 $0x0  }
0x21: {  	[sflag:s6] =	ssyncadd.s32 @p1 $0xFFFFF060  }
0x22: {  	[tilespmem:s3], [sflag:$0x9] =	stream.linear.gather [hbm4b:s8+s3], $0x2800, $0x38;
	[tilespmem:$0xDCA0] =	vst v63  }
0x23: {  	_ =	swait.ge [sflag:s16], $0x2800  }
0x24: {  	[sflag:s16] =	ssyncset.done $0x0  }
0x25: {  	[sflag:s16] =	ssyncadd.s32 $0xFFFFD800  }
0x26: {  	[tilespmem:s17], [sflag:$0x9] =	stream.linear.gather [hbm4b:s9+s3], $0x2800, $0x38;
	[tilespmem:$0xDCA0] =	vst v63  }
0x27: {  	_ =	swait.ge [sflag:s16], $0x2800  }
0x28: {  	[sflag:s16] =	ssyncset.done $0x0  }
0x29: {  	[sflag:s16] =	ssyncadd.s32 $0xFFFFD800  }
0x2a: {  	[bflag:$0x0] =	sbarrier.arrive $0xFFFF  }
0x2b: {  	[tilespmem:s19], [sflag:$0x1] =	stream.indirect.gather [hbm4b:s4+s18], $0x20, s3, s18, $0xb8;
	[tilespmem:$0xDCA0] =	vst v63  }
0x2c: {  	s7 =	simm.s32 $0x80  }
0x2d: {  	[tilespmem:s21], [sflag:$0x2] =	stream.indirect.gather [hbm4b:s4+s18], $0x20, s7, s18, $0xb8;
	[tilespmem:$0xDCA0] =	vst v63  }
0x2e: {  	s7 =	simm.s32 $0x100  }
0x2f: {  	[tilespmem:s23], [sflag:$0x3] =	stream.indirect.gather [hbm4b:s4+s18], $0x20, s7, s18, $0xb8;
	[tilespmem:$0xDCA0] =	vst v63  }
0x30: {  	_ =	swait.ge [sflag:s24], $0xFA0  }
0x31: {  	[sflag:s24] =	ssyncset.done $0x0  }
0x32: {  	[sflag:s24] =	ssyncadd.s32 $0xFFFFF060  }
0x33: {  	[spmem:s2] =	stream.indirect.scatter.add.f32 [tilespmem:s19], [sflag:$0x5], $0x20, s17, s18, $0xb8;
	[tilespmem:$0xDCA0] =	vst v63  }
0x34: {  	s7 =	simm.s32 $0x180  }
0x35: {  	[tilespmem:s26], [sflag:$0x4] =	stream.indirect.gather [hbm4b:s4+s18], $0x20, s7, s18, $0xb8;
	[tilespmem:$0xDCA0] =	vst v63  }
0x36: {  	_ =	swait.ge [sflag:s28], $0xFA0  }
0x37: {  	[sflag:s28] =	ssyncset.done $0x0  }
0x38: {  	s7 =	simm.s32 $0x2880;
	[sflag:s28] =	ssyncadd.s32 $0xFFFFF060  }
0x39: {  	[spmem:s2] =	stream.indirect.scatter.add.f32 [tilespmem:s21], [sflag:$0x6], $0x20, s7, s18, $0xb8;
	[tilespmem:$0xDCA0] =	vst v63  }
0x3a: {  	_ =	swait.ge [sflag:s30], $0xFA0  }
0x3b: {  	[sflag:s30] =	ssyncset.done $0x0  }
0x3c: {  	s7 =	simm.s32 $0x200;
	[sflag:s30] =	ssyncadd.s32 $0xFFFFF060  }
0x3d: {  	[tilespmem:s19], [sflag:$0x1] =	stream.indirect.gather [hbm4b:s4+s18], $0x20, s7, s18, $0xb8;
	[tilespmem:$0xDCA0] =	vst v63  }
0x3e: {  	_ =	swait.ge [sflag:s0], $0xFA0  }
0x3f: {  	[sflag:s0] =	ssyncset.done $0x0  }
0x40: {  	s7 =	simm.s32 $0x2900;
	[sflag:s0] =	ssyncadd.s32 $0xFFFFF060  }
0x41: {  	[spmem:s2] =	stream.indirect.scatter.add.f32 [tilespmem:s23], [sflag:$0x7], $0x20, s7, s18, $0xb8;
	[tilespmem:$0xDCA0] =	vst v63  }
0x42: {  	_ =	swait.ge [sflag:s22], $0xFA0  }
0x43: {  	[sflag:s22] =	ssyncset.done $0x0  }
0x44: {  	s7 =	simm.s32 $0x280;
	[sflag:s22] =	ssyncadd.s32 $0xFFFFF060  }
0x45: {  	[tilespmem:s21], [sflag:$0x2] =	stream.indirect.gather [hbm4b:s4+s18], $0x20, s7, s18, $0xb8;
	[tilespmem:$0xDCA0] =	vst v63  }
0x46: {  	_ =	swait.ge [sflag:s1], $0xFA0  }
0x47: {  	[sflag:s1] =	ssyncset.done $0x0  }
0x48: {  	s7 =	simm.s32 $0x2980;
	[sflag:s1] =	ssyncadd.s32 $0xFFFFF060  }
0x49: {  	[spmem:s2] =	stream.indirect.scatter.add.f32 [tilespmem:s26], [sflag:$0x8], $0x20, s7, s18, $0xb8;
	[tilespmem:$0xDCA0] =	vst v63  }
0x4a: {  	_ =	swait.ge [sflag:s31], $0xFA0  }
0x4b: {  	[sflag:s31] =	ssyncset.done $0x0  }
0x4c: {  	s7 =	simm.s32 $0x300;
	[sflag:s31] =	ssyncadd.s32 $0xFFFFF060  }
0x4d: {  	[tilespmem:s23], [sflag:$0x3] =	stream.indirect.gather [hbm4b:s4+s18], $0x20, s7, s18, $0xb8;
	[tilespmem:$0xDCA0] =	vst v63  }
0x4e: {  	_ =	swait.ge [sflag:s24], $0xFA0  }
0x4f: {  	[sflag:s24] =	ssyncset.done $0x0  }
0x50: {  	s7 =	simm.s32 $0x2A00;
	[sflag:s24] =	ssyncadd.s32 $0xFFFFF060  }
0x51: {  	[spmem:s2] =	stream.indirect.scatter.add.f32 [tilespmem:s19], [sflag:$0x5], $0x20, s7, s18, $0xb8;
	[tilespmem:$0xDCA0] =	vst v63  }
0x52: {  	_ =	swait.ge [sflag:s20], $0xFA0  }
0x53: {  	[sflag:s20] =	ssyncset.done $0x0  }
0x54: {  	s7 =	simm.s32 $0x380;
	[sflag:s20] =	ssyncadd.s32 $0xFFFFF060  }
0x55: {  	[tilespmem:s26], [sflag:$0x4] =	stream.indirect.gather [hbm4b:s4+s18], $0x20, s7, s18, $0xb8;
	[tilespmem:$0xDCA0] =	vst v63  }
0x56: {  	_ =	swait.ge [sflag:s28], $0xFA0  }
0x57: {  	[sflag:s28] =	ssyncset.done $0x0  }
0x58: {  	s7 =	simm.s32 $0x2A80;
	[sflag:s28] =	ssyncadd.s32 $0xFFFFF060  }
0x59: {  	[spmem:s2] =	stream.indirect.scatter.add.f32 [tilespmem:s21], [sflag:$0x6], $0x20, s7, s18, $0xb8;
	[tilespmem:$0xDCA0] =	vst v63  }
0x5a: {  	_ =	swait.ge [sflag:s30], $0xFA0  }
0x5b: {  	[sflag:s30] =	ssyncset.done $0x0  }
0x5c: {  	s7 =	simm.s32 $0x400;
	[sflag:s30] =	ssyncadd.s32 $0xFFFFF060  }
0x5d: {  	[tilespmem:s19], [sflag:$0x1] =	stream.indirect.gather [hbm4b:s4+s18], $0x20, s7, s18, $0xb8;
	[tilespmem:$0xDCA0] =	vst v63  }
0x5e: {  	_ =	swait.ge [sflag:s0], $0xFA0  }
0x5f: {  	[sflag:s0] =	ssyncset.done $0x0  }
0x60: {  	s7 =	simm.s32 $0x2B00;
	[sflag:s0] =	ssyncadd.s32 $0xFFFFF060  }
0x61: {  	[spmem:s2] =	stream.indirect.scatter.add.f32 [tilespmem:s23], [sflag:$0x7], $0x20, s7, s18, $0xb8;
	[tilespmem:$0xDCA0] =	vst v63  }
0x62: {  	_ =	swait.ge [sflag:s22], $0xFA0  }
0x63: {  	[sflag:s22] =	ssyncset.done $0x0  }
0x64: {  	s7 =	simm.s32 $0x480;
	[sflag:s22] =	ssyncadd.s32 $0xFFFFF060  }
0x65: {  	[tilespmem:s21], [sflag:$0x2] =	stream.indirect.gather [hbm4b:s4+s18], $0x20, s7, s18, $0xb8;
	[tilespmem:$0xDCA0] =	vst v63  }
0x66: {  	_ =	swait.ge [sflag:s1], $0xFA0  }
0x67: {  	[sflag:s1] =	ssyncset.done $0x0  }
0x68: {  	s29 =	simm.s32 $0x800;
	s6 =	simm.s32 $0x2B80;
	[sflag:s1] =	ssyncadd.s32 $0xFFFFF060  }
.LBB2_2:
0x69: {  	[spmem:s2] =	stream.indirect.scatter.add.f32 [tilespmem:s26], [sflag:$0x8], $0x20, s6, s18, $0xb8;
	[tilespmem:$0xDCA0] =	vst v63  }
0x6a: {  	s6 =	smov.u32 s29  }
0x6b: {  	p3 =	sne.s32 s29, $0x8800;
	s29 =	sadd.s32 $0x800, s29;
	_ =	swait.ge [sflag:s31], $0xFA0  }
0x6c: {  	s6 =	sshra.s32 s6, $0x2;
	[sflag:s31] =	ssyncset.done $0x0  }
0x6d: {  	s7 =	sadd.s32 $0x300, s6;
	[sflag:s31] =	ssyncadd.s32 $0xFFFFF060  }
0x6e: {  	[tilespmem:s23], [sflag:$0x3] =	stream.indirect.gather [hbm4b:s4+s18], $0x20, s7, s18, $0xb8;
	[tilespmem:$0xDCA0] =	vst v63  }
0x6f: {  	_ =	swait.ge [sflag:s24], $0xFA0  }
0x70: {  	[sflag:s24] =	ssyncset.done $0x0  }
0x71: {  	s7 =	sadd.s32 $0x2A00, s6;
	[sflag:s24] =	ssyncadd.s32 $0xFFFFF060  }
0x72: {  	[spmem:s2] =	stream.indirect.scatter.add.f32 [tilespmem:s19], [sflag:$0x5], $0x20, s7, s18, $0xb8;
	[tilespmem:$0xDCA0] =	vst v63  }
0x73: {  	_ =	swait.ge [sflag:s20], $0xFA0  }
0x74: {  	[sflag:s20] =	ssyncset.done $0x0  }
0x75: {  	s7 =	sadd.s32 $0x380, s6;
	[sflag:s20] =	ssyncadd.s32 $0xFFFFF060  }
0x76: {  	[tilespmem:s26], [sflag:$0x4] =	stream.indirect.gather [hbm4b:s4+s18], $0x20, s7, s18, $0xb8;
	[tilespmem:$0xDCA0] =	vst v63  }
0x77: {  	_ =	swait.ge [sflag:s28], $0xFA0  }
0x78: {  	[sflag:s28] =	ssyncset.done $0x0  }
0x79: {  	s7 =	sadd.s32 $0x2A80, s6;
	[sflag:s28] =	ssyncadd.s32 $0xFFFFF060  }
0x7a: {  	[spmem:s2] =	stream.indirect.scatter.add.f32 [tilespmem:s21], [sflag:$0x6], $0x20, s7, s18, $0xb8;
	[tilespmem:$0xDCA0] =	vst v63  }
0x7b: {  	_ =	swait.ge [sflag:s30], $0xFA0  }
0x7c: {  	[sflag:s30] =	ssyncset.done $0x0  }
0x7d: {  	s7 =	sadd.s32 $0x400, s6;
	[sflag:s30] =	ssyncadd.s32 $0xFFFFF060  }
0x7e: {  	[tilespmem:s19], [sflag:$0x1] =	stream.indirect.gather [hbm4b:s4+s18], $0x20, s7, s18, $0xb8;
	[tilespmem:$0xDCA0] =	vst v63  }
0x7f: {  	_ =	swait.ge [sflag:s0], $0xFA0  }
0x80: {  	[sflag:s0] =	ssyncset.done $0x0  }
0x81: {  	s7 =	sadd.s32 $0x2B00, s6;
	[sflag:s0] =	ssyncadd.s32 $0xFFFFF060  }
0x82: {  	[spmem:s2] =	stream.indirect.scatter.add.f32 [tilespmem:s23], [sflag:$0x7], $0x20, s7, s18, $0xb8;
	[tilespmem:$0xDCA0] =	vst v63  }
0x83: {  	_ =	swait.ge [sflag:s22], $0xFA0  }
0x84: {  	[sflag:s22] =	ssyncset.done $0x0  }
.Ltmp0:
0x85: {  	s7 =	sadd.s32 $0x480, s6;
	[sflag:s22] =	ssyncadd.s32 $0xFFFFF060;
	(pc) =	sbr.rel @p3 .LBB2_2-.Ltmp0, $4  }
0x86: {  	[tilespmem:s21], [sflag:$0x2] =	stream.indirect.gather [hbm4b:s4+s18], $0x20, s7, s18, $0xb8;
	[tilespmem:$0xDCA0] =	vst v63  }
0x87: {  	_ =	swait.ge [sflag:s1], $0xFA0  }
0x88: {  	[sflag:s1] =	ssyncset.done $0x0  }
0x89: {  	s6 =	sadd.s32 $0x2B80, s6;
	[sflag:s1] =	ssyncadd.s32 $0xFFFFF060  }
0x8a: {  	[spmem:s2] =	stream.indirect.scatter.add.f32 [tilespmem:s26], [sflag:$0x8], $0x20, s6, s18, $0xb8;
	[tilespmem:$0xDCA0] =	vst v63  }
0x8b: {  	_ =	swait.ge [sflag:s31], $0xFA0  }
0x8c: {  	[sflag:s31] =	ssyncset.done $0x0  }
0x8d: {  	s7 =	simm.s32 $0x2700;
	[sflag:s31] =	ssyncadd.s32 $0xFFFFF060  }
0x8e: {  	[tilespmem:s23], [sflag:$0x3] =	stream.indirect.gather [hbm4b:s4+s18], $0x20, s7, s18, $0xb8;
	[tilespmem:$0xDCA0] =	vst v63  }
0x8f: {  	_ =	swait.ge [sflag:s24], $0xFA0  }
0x90: {  	[sflag:s24] =	ssyncset.done $0x0  }
0x91: {  	s29 =	simm.s32 $0x4E00;
	[sflag:s24] =	ssyncadd.s32 $0xFFFFF060  }
0x92: {  	[spmem:s2] =	stream.indirect.scatter.add.f32 [tilespmem:s19], [sflag:$0x5], $0x20, s29, s18, $0xb8;
	[tilespmem:$0xDCA0] =	vst v63  }
0x93: {  	_ =	swait.ge [sflag:s20], $0xFA0  }
0x94: {  	[sflag:s20] =	ssyncset.done $0x0  }
0x95: {  	s7 =	simm.s32 $0x2780;
	[sflag:s20] =	ssyncadd.s32 $0xFFFFF060  }
0x96: {  	[tilespmem:s26], [sflag:$0x4] =	stream.indirect.gather [hbm4b:s4+s18], $0x20, s7, s18, $0xb8;
	[tilespmem:$0xDCA0] =	vst v63  }
0x97: {  	_ =	swait.ge [sflag:s28], $0xFA0  }
0x98: {  	[sflag:s28] =	ssyncset.done $0x0  }
0x99: {  	s29 =	simm.s32 $0x4E80;
	[sflag:s28] =	ssyncadd.s32 $0xFFFFF060  }
0x9a: {  	[spmem:s2] =	stream.indirect.scatter.add.f32 [tilespmem:s21], [sflag:$0x6], $0x20, s29, s18, $0xb8;
	[tilespmem:$0xDCA0] =	vst v63  }
0x9b: {  	_ =	swait.ge [sflag:s30], $0xFA0  }
0x9c: {  	[sflag:s30] =	ssyncset.done $0x0  }
0x9d: {  	[sflag:s30] =	ssyncadd.s32 $0xFFFFF060  }
0x9e: {  	_ =	swait.ge [sflag:s0], $0xFA0  }
0x9f: {  	[sflag:s0] =	ssyncset.done $0x0  }
0xa0: {  	s7 =	simm.s32 $0x4F00;
	[sflag:s0] =	ssyncadd.s32 $0xFFFFF060  }
0xa1: {  	[spmem:s2] =	stream.indirect.scatter.add.f32 [tilespmem:s23], [sflag:$0x7], $0x20, s7, s18, $0xb8;
	[tilespmem:$0xDCA0] =	vst v63  }
0xa2: {  	_ =	swait.ge [sflag:s22], $0xFA0  }
0xa3: {  	[sflag:s22] =	ssyncset.done $0x0  }
0xa4: {  	[sflag:s22] =	ssyncadd.s32 $0xFFFFF060  }
0xa5: {  	_ =	swait.ge [sflag:s1], $0xFA0  }
0xa6: {  	[sflag:s1] =	ssyncset.done $0x0  }
0xa7: {  	s29 =	simm.s32 $0x4F80;
	[sflag:s1] =	ssyncadd.s32 $0xFFFFF060  }
0xa8: {  	[spmem:s2] =	stream.indirect.scatter.add.f32 [tilespmem:s26], [sflag:$0x8], $0x20, s29, s18, $0xb8;
	[tilespmem:$0xDCA0] =	vst v63  }
0xa9: {  	_ =	swait.ge [sflag:s31], $0xFA0  }
0xaa: {  	[sflag:s31] =	ssyncset.done $0x0  }
0xab: {  	[sflag:s31] =	ssyncadd.s32 $0xFFFFF060  }
0xac: {  	_ =	swait.ge [sflag:s20], $0xFA0  }
0xad: {  	s6 =	stileid.u32;
	s25 =	sadd.s32 $0x1, s25;
	[sflag:s20] =	ssyncset.done $0x0  }
0xae: {  	s6 =	sshll.u32 @!p2 s6, $0x6;
	p3 =	sne.s32 s25, s11;
	[sflag:s20] =	ssyncadd.s32 $0xFFFFF060  }
0xaf: {  	s6 =	sor.u32 @!p2 $0x1C09, s6;
	s7 =	sshrl.u32 @!p2 s5, $0x3;
	[bflag:$0x0] =	sbarrier.arrive $0xFFFF  }
0xb0: {  	[hbm:s10], [sflag:s6] =	dma.local @!p2 [spmem:s7], $0xFA0  }
.Ltmp1:
0xb1: {  	_ = 	snop;
	(pc) =	sbr.rel @p3 .LBB2_1-.Ltmp1, $4  }
0xb2: {  	s6 =	simm.s32 @!p2 $0x9  }
0xb3: {  	_ =	swait.ge @!p2 [sflag:s6], $0xFA0  }
0xb4: {  	[sflag:s6] =	ssyncset.done @!p2 $0x0  }
0xb5: {  	[sflag:s6] =	ssyncadd.s32 @!p2 $0xFFFFF060  }
0xb6: {  	_ =	sfence.sel $0x180000  }
0xb7: {  	[bflag:$0x0] =	sbarrier.arrive $0xFFFF  }
0xb8: {  	_ =	strace $0x9000004D  }
0xb9: {  	s0 =	stileid.u32;
	[bflag:$0x2] =	sbarrier.arrive $0xFFFF  }
0xba: {  	p0 =	sne.s32 s0, $0x0;
	s0 =	rddreg [dreg:$0x2]  }
0xbb: {  	s0 =	sadd.s32 @!p0 $0x100000, s0  }
0xbc: {  	[sflag:s0] =	ssyncadd.tile.s32 @!p0 $0x1;
	_ =	shalt  }
.Lfunc_end2:
_tile_overlayer_lowered:
.L_overlay_start_2:
0xbd: {  	(tag) =	ssettag $0x2  }
0xbe: {  	s0 =	rddreg [dreg:$0x0];
	s2 =	stileid.u32  }
0xbf: {  	s1 =	rddreg [dreg:$0x1];
	p0 =	sne.s32 s2, $0x0  }
0xc0: {  	s3 =	rddreg [dreg:$0x2];
	[bflag:$0x3] =	sbarrier.arrive $0xFFFF;
	s2 =	simm.s32 @!p0 $0x1C09  }
0xc1: {  	[timem:s3], [sflag:s2] =	dma.local @!p0 [hbm:s0], s1  }
0xc2: {  	s0 =	simm.s32 @!p0 $0x9  }
0xc3: {  	_ =	swait.ge @!p0 [sflag:s0], s1  }
0xc4: {  	s1 =	ssub.s32 @!p0 $0x0, s1;
	[sflag:s0] =	ssyncset.done @!p0 $0x0  }
0xc5: {  	[sflag:s0] =	ssyncadd.s32 @!p0 s1  }
0xc6: {  	[bflag:$0x3] =	sbarrier.arrive $0xFFFF  }
0xc7: {  	_ =	shalt  }

// kernel: kernel.8.cloned.1.call-start
scs
__scs_entry_jumppad:
0x0: {  	(pc) =	sbr.rel $0x88, $3  }
0x1: {  	(tag) =	ssettag $0x0;
	lr =	simm.s32 $0x1  }
0x2: {  	[smem:$0x3F9C] =	sst lr;
	_ =	strace $0xD0000000  }
0x3: {  	_ = 	snop  }
0x4: {  	_ = 	snop  }
0x5: {  	_ = 	snop  }
0x6: {  	_ = 	snop  }
0x7: {  	_ = 	snop  }
__scs_overlays_trampoline_lowered:
0x8: {  	[smem:$0x3FAB] =	sst s0  }
0x9: {  	[smem:$0x3FAC] =	sst s1  }
0xa: {  	[smem:$0x3FAD] =	sst s2  }
0xb: {  	[smem:$0x3FAE] =	sst s3  }
0xc: {  	[smem:$0x3FAF] =	sst s4  }
0xd: {  	[smem:$0x3FB0] =	sst s5  }
0xe: {  	[smem:$0x3FB1] =	sst s6  }
0xf: {  	[smem:$0x3FB2] =	sst s7  }
0x10: {  	[smem:$0x3FB3] =	sst s8  }
0x11: {  	[smem:$0x3FB4] =	sst s9;
	s0 =	simm.s32 @!p0 $0x0  }
0x12: {  	s1 =	sld [smem:$0x3F9A];
	s0 =	simm.s32 @p0 $0x1  }
0x13: {  	[smem:$0x3FB5] =	sst s0;
	s0 =	simm.s32 @!p1 $0x0  }
0x14: {  	s2 =	sld [smem:$0x3F99];
	s0 =	simm.s32 @p1 $0x1  }
0x15: {  	[smem:$0x3FB6] =	sst s0;
	s0 =	simm.s32 @!p2 $0x0  }
0x16: {  	s3 =	sld [smem:$0x3FDB];
	s0 =	simm.s32 @p2 $0x1  }
0x17: {  	s4 =	simm.s32 $0x1BF5;
	[smem:$0x3FB8] =	sst s0  }
0x18: {  	s0 =	sld [smem:$0x3F9B];
	_ =	swait.ge [sflag:s4], $0x0  }
0x19: {  	s7 =	sld [smem:$0x3F9C]  }
0x1a: {  	s8 =	sadd.s32 $0xFFFFE003, lr  }
0x1b: {  	s9 =	sadd.s32 $0xFFFFFEF7, lr;
	s5 =	simm.s32 $0xFFFFFFFF;
	p2 =	slt.u32 s8, $0xFFFFF086  }
0x1c: {  	p1 =	slt.u32 s9, $0xF7A;
	s5 =	simm.s32 @!p2 $0x0  }
0x1d: {  	s5 =	simm.s32 @p1 $0x1;
	p0 =	seq.s32 s7, s2  }
0x1e: {  	s7 =	smul.u32 @!p0 $0xF7A, s2;
	p2 =	seq.s32 @!p0 s5, $0x0  }
0x1f: {  	s9 =	smul.u32 $0xF7A, s1;
	s8 =	simm.s32 @!p0 $0x1BF5;
	p2 =	por !p2, p0  }
0x20: {  	[sflag:s8] =	ssyncset.s32 @!p0 $0xFFFFF086;
	s6 =	sadd.s32 @!p0 s3, s7;
	s7 =	simm.s32 @!p0 $0x108  }
0x21: {  	s3 =	sadd.s32 s3, s9;
	s6 =	sadd.s32 @!p0 $0x88, s6;
	s7 =	simm.s32 @p2 $0x1082  }
0x22: {  	[simem:s7], [sflag:s8] =	dma.local @!p0 [hbm:s6], $0xF7A  }
0x23: {  	s9 =	sor.u32 $0xD0000000, s2;
	s6 =	simm.s32 $0x108;
	_ =	swait.ge @!p0 [sflag:s8], $0x0  }
0x24: {  	s3 =	sadd.s32 $0x88, s3;
	s6 =	simm.s32 @!p1 $0x1082;
	[sflag:s4] =	ssyncset.s32 $0xFFFFF086  }
0x25: {  	[simem:s6], [sflag:s4] =	dma.local [hbm:s3], $0xF7A  }
0x26: {  	[smem:$0x3F9C] =	sst s1;
	(tag) =	ssettag s2;
	_ =	strace s9  }
0x27: {  	s1 =	sld [smem:$0x3FAC]  }
0x28: {  	s2 =	sld [smem:$0x3FAD]  }
0x29: {  	s4 =	sld [smem:$0x3FAF]  }
0x2a: {  	p0 =	seq.s32 s5, $0x0;
	s5 =	sld [smem:$0x3FB0]  }
0x2b: {  	s6 =	sld [smem:$0x3FB1]  }
0x2c: {  	s7 =	sld [smem:$0x3FB2]  }
0x2d: {  	s3 =	simm.s32 $0x108;
	s8 =	sld [smem:$0x3FB3]  }
0x2e: {  	s3 =	simm.s32 @!p0 $0x1082;
	s9 =	sld [smem:$0x3FB4]  }
0x2f: {  	lr =	sadd.s32 s0, s3;
	s0 =	sld [smem:$0x3FAB]  }
0x30: {  	s3 =	sld [smem:$0x3FAE]  }
0x31: {  	[smem:$0x3FB7] =	sst s10  }
0x32: {  	s10 =	sld [smem:$0x3FB5];
	_ =	sdelay $0x3  }
0x33: {  	p0 =	seq.s32 s10, $0x1;
	s10 =	sld [smem:$0x3FB7];
	_ =	sdelay $0x3  }
0x34: {  	[smem:$0x3FB7] =	sst s10  }
0x35: {  	s10 =	sld [smem:$0x3FB6];
	_ =	sdelay $0x3  }
0x36: {  	p1 =	seq.s32 s10, $0x1;
	s10 =	sld [smem:$0x3FB7];
	_ =	sdelay $0x3  }
0x37: {  	[smem:$0x3FB7] =	sst s10  }
0x38: {  	s10 =	sld [smem:$0x3FB8]  }
0x39: {  	_ = 	snop;
	(pc) =	sbr.ind lr, $3  }
0x3a: {  	_ = 	snop  }
0x3b: {  	_ = 	snop  }
0x3c: {  	p2 =	seq.s32 s10, $0x1;
	s10 =	sld [smem:$0x3FB7]  }
0x3d: {  	_ =	shalt  }
0x3e: {  	_ =	shalt  }
0x3f: {  	_ =	shalt  }
0x40: {  	_ =	shalt  }
0x41: {  	_ =	shalt  }
0x42: {  	_ =	shalt  }
0x43: {  	_ =	shalt  }
0x44: {  	_ =	shalt  }
0x45: {  	_ =	shalt  }
0x46: {  	_ =	shalt  }
0x47: {  	_ =	shalt  }
0x48: {  	_ =	shalt  }
0x49: {  	_ =	shalt  }
0x4a: {  	_ =	shalt  }
0x4b: {  	_ =	shalt  }
0x4c: {  	_ =	shalt  }
0x4d: {  	_ =	shalt  }
0x4e: {  	_ =	shalt  }
0x4f: {  	_ =	shalt  }
0x50: {  	_ =	shalt  }
0x51: {  	_ =	shalt  }
0x52: {  	_ =	shalt  }
0x53: {  	_ =	shalt  }
0x54: {  	_ =	shalt  }
0x55: {  	_ =	shalt  }
0x56: {  	_ =	shalt  }
0x57: {  	_ =	shalt  }
0x58: {  	_ =	shalt  }
0x59: {  	_ =	shalt  }
0x5a: {  	_ =	shalt  }
0x5b: {  	_ =	shalt  }
0x5c: {  	_ =	shalt  }
0x5d: {  	_ =	shalt  }
0x5e: {  	_ =	shalt  }
0x5f: {  	_ =	shalt  }
0x60: {  	_ =	shalt  }
0x61: {  	_ =	shalt  }
0x62: {  	_ =	shalt  }
0x63: {  	_ =	shalt  }
0x64: {  	_ =	shalt  }
0x65: {  	_ =	shalt  }
0x66: {  	_ =	shalt  }
0x67: {  	_ =	shalt  }
0x68: {  	_ =	shalt  }
0x69: {  	_ =	shalt  }
0x6a: {  	_ =	shalt  }
0x6b: {  	_ =	shalt  }
0x6c: {  	_ =	shalt  }
0x6d: {  	_ =	shalt  }
0x6e: {  	_ =	shalt  }
0x6f: {  	_ =	shalt  }
0x70: {  	_ =	shalt  }
0x71: {  	_ =	shalt  }
0x72: {  	_ =	shalt  }
0x73: {  	_ =	shalt  }
0x74: {  	_ =	shalt  }
0x75: {  	_ =	shalt  }
0x76: {  	_ =	shalt  }
0x77: {  	_ =	shalt  }
0x78: {  	_ =	shalt  }
0x79: {  	_ =	shalt  }
0x7a: {  	_ =	shalt  }
0x7b: {  	_ =	shalt  }
0x7c: {  	_ =	shalt  }
0x7d: {  	_ =	shalt  }
0x7e: {  	_ =	shalt  }
0x7f: {  	_ =	shalt  }
0x80: {  	_ =	shalt  }
0x81: {  	_ =	shalt  }
0x82: {  	_ =	shalt  }
0x83: {  	_ =	shalt  }
0x84: {  	_ =	shalt  }
0x85: {  	_ =	shalt  }
0x86: {  	_ =	shalt  }
0x87: {  	_ =	shalt  }
.Lfunc_end0:
.L_simem_size_0:
called_computation_lowered:
.L_overlay_start_0:
0x88: {  	s2 =	sld [smem:$0x3FD9]  }
0x89: {  	s3 =	sld [smem:$0x3FFE];
	_ =	sdelay $0x1  }
0x8a: {  	s1 =	srdreg.scid  }
0x8b: {  	s0 =	sand.u32 $0x1, s1  }
0x8c: {  	s14 =	sshll.u32 s0, $0xA;
	s2 =	sadd.s32 s3, s2  }
0x8d: {  	s2 =	sadd.s32 s2, s14  }
0x8e: {  	[smem:$0x3FC3] =	sst s2  }
0x8f: {  	_ = 	snop  }
0x90: {  	s2 =	sld [smem:$0x3FD0];
	_ =	sdelay $0x2  }
0x91: {  	s15 =	simm.s32 $0xA;
	s4 =	simm.s32 $0x10  }
0x92: {  	[smem:s4], [sflag:s15] =	dma.local [hbm:s2], $0x1  }
0x93: {  	_ =	swait.eq [sflag:s15], $0x1  }
0x94: {  	[sflag:s15] =	ssyncset.done $0x0  }
0x95: {  	s16 =	sld [smem:$0x10];
	[sflag:s15] =	ssyncadd.s32 $0xFFFFFFFF  }
0x96: {  	s17 =	sld [smem:$0x11];
	(tm) =	ssettm $0x1  }
0x97: {  	s18 =	sld [smem:$0x3FFB];
	_ =	sdelay $0x3  }
0x98: {  	_ =	strace s18  }
0x99: {  	s4 =	sld [smem:$0x3FFC];
	_ =	sdelay $0x3  }
0x9a: {  	_ =	strace s4  }
0x9b: {  	s4 =	sld [smem:$0x3FFD];
	_ =	sdelay $0x3  }
0x9c: {  	_ =	strace s4  }
0x9d: {  	_ =	strace $0x8FFFFFFF  }
0x9e: {  	s19 =	sld [smem:$0x3FDB];
	_ =	sdelay $0x1  }
0x9f: {  	s5 =	simm.s32 $_scs_section_size  }
0xa0: {  	s6 =	simm.s32 $_size__tile_overlayer_lowered;
	s7 =	simm.s32 $_tile_overlayer_lowered  }
0xa1: {  	s22 =	simm.s32 $0x1BFF;
	s21 =	sshll.u32 s7, $0x1;
	s4 =	sadd.s32 s5, s19  }
0xa2: {  	s8 =	simm.s32 $0x0;
	s20 =	sshll.u32 s6, $0x1;
	s6 =	sadd.s32 s21, s4  }
0xa3: {  	[timem:s8], [sflag:s22] =	dma.local [hbm:s6], s20  }
0xa4: {  	_ =	swait.ge [sflag:s22], s20  }
0xa5: {  	s5 =	ssub.s32 $0x0, s20;
	[sflag:s22] =	ssyncset.done $0x0  }
0xa6: {  	[sflag:s22] =	ssyncadd.s32 s5;
	_ =	sdelay $0x1  }
0xa7: {  	s23 =	simm.s32 $0x1B8B  }
0xa8: {  	_ =	swait.ge [sflag:s23], $0x1  }
0xa9: {  	[sflag:s23] =	ssyncset.done $0x0  }
0xaa: {  	s25 =	simm.s32 $0x1B8E;
	s24 =	sld [smem:$0x3FFE];
	[sflag:s23] =	ssyncadd.s32 $0xFFFFFFFF  }
0xab: {  	s26 =	simm.s32 $execute0_lowered;
	[smem:$0x3FD2] =	sst s25  }
0xac: {  	s6 =	sshll.u32 s26, $0x1;
	_ =	strace $0x80000046;
	[dreg:$0x1] =	wrdreg $0xFFFFFFFF  }
0xad: {  	s28 =	simm.s32 $_size_execute0_lowered;
	s4 =	sadd.s32 s4, s6;
	[dreg:$0x0] =	wrdreg $0x0  }
0xae: {  	s6 =	sshll.u32 s28, $0x1;
	[dreg:$0x2] =	wrdreg s4  }
0xaf: {  	[dreg:$0x3] =	wrdreg s6  }
0xb0: {  	[dreg:$0x4] =	wrdreg $0xC0  }
0xb1: {  	_ =	task [dreg:s8], $0x5FFFF  }
0xb2: {  	[dreg:$0x1] =	wrdreg $0xFFFFFFFF  }
0xb3: {  	[dreg:$0x0] =	wrdreg $0x60  }
0xb4: {  	[dreg:$0x2] =	wrdreg s24  }
0xb5: {  	[dreg:$0x3] =	wrdreg s16  }
0xb6: {  	[dreg:$0x4] =	wrdreg s17  }
0xb7: {  	[dreg:$0x5] =	wrdreg $0x2BE80  }
0xb8: {  	[dreg:$0x6] =	wrdreg $0x9  }
0xb9: {  	_ =	task.clear_ibuf [dreg:s8], $0x7FFFF;
	_ =	strace $0x90000046  }
0xba: {  	s29 =	simm.s32 $0x9;
	_ =	strace $0x80000048  }
0xbb: {  	_ =	swait.ge [sflag:s29], $0x1  }
0xbc: {  	[sflag:s29] =	ssyncadd.s32 $0xFFFFFFFF  }
0xbd: {  	_ =	strace $0x90000048  }
0xbe: {  	_ =	sfence  }
0xbf: {  	s30 =	sld [smem:$0x0];
	_ =	sdelay $0x2  }
0xc0: {  	s31 =	sshll.u32 s1, $0xD;
	s1 =	sshrl.u32 s1, $0x2  }
0xc1: {  	s3 =	sand.u32 $0x4000, s31;
	s1 =	sadd.s32 s1, s30  }
0xc2: {  	s0 =	sor.u32 s3, s0;
	s1 =	sshll.u32 s1, $0x11  }
0xc3: {  	s0 =	sor.u32 s1, s0  }
0xc4: {  	s0 =	sadd.s32 $0x8F2B, s0  }
0xc5: {  	[sflag:s0] =	ssyncadd.remote.s32 $0x1  }
0xc6: {  	_ =	sfence.sel $0xFFFF  }
0xc7: {  	[dreg:$0x0] =	wrdreg $0xFFFFFFFF;
	(pc) =	sbr.abs _section_cstart, $3  }
0xc8: {  	[dreg:$0x1] =	wrdreg $0xFFFFFFFF  }
0xc9: {  	_ =	task.clear_ibuf [dreg:s8], $0x2FFFF;
	_ =	strace $0x9FFFFFFF  }
0xca: {  	(tm) =	ssettm $0x7FFFFFFF  }
0xcb: {  	_ =	shalt  }
tec
execute0_lowered:
.L_overlay_start_1:
0x0: {  	(tag) =	ssettag $0x1  }
0x1: {  	s0 =	rddreg [dreg:$0x0]  }
0x2: {  	s5 =	rddreg [dreg:$0x1]  }
0x3: {  	s7 =	rddreg [dreg:$0x2]  }
0x4: {  	s1 =	rddreg [dreg:$0x3]  }
0x5: {  	s2 =	srdreg.scid;
	s3 =	simm.s32 $0x0;
	s13 =	simm.s32 $0x7D  }
0x6: {  	s14 =	simm.s32 $0x468;
	s15 =	simm.s32 $0x4E8;
	s16 =	simm.s32 $0x568  }
0x7: {  	s17 =	simm.s32 $0x5E8;
	s18 =	simm.s32 $0x668;
	s19 =	simm.s32 $0x6E8  }
0x8: {  	s20 =	simm.s32 $0x768;
	s21 =	simm.s32 $0x1;
	s22 =	simm.s32 $0x2  }
0x9: {  	s23 =	simm.s32 $0x3;
	s24 =	simm.s32 $0x4;
	s25 =	simm.s32 $0x5  }
0xa: {  	s26 =	simm.s32 $0x6;
	s28 =	simm.s32 $0x7;
	s29 =	simm.s32 $0x8  }
0xb: {  	s30 =	simm.s32 $0x0;
	s6 =	sand.u32 $0x1, s2;
	s2 =	stileid.u32  }
0xc: {  	[smem:$0x7FF] =	sst s3;
	s4 =	sshll.u32 s6, $0x4;
	s9 =	smul.u32 $0x1F40, s2  }
0xd: {  	s8 =	ssub.s32 $0x2, s6;
	_ =	strace $0x80000047;
	s6 =	smul.u32 $0x13880, s6  }
0xe: {  	p0 =	sgt.u32 s2, $0x9;
	s4 =	sor.u32 s2, s4;
	s10 =	sshrl.u32 s8, $0x1  }
0xf: {  	s11 =	smul.u32 $0x2800, s4;
	s4 =	sadd.s32 $0x16400, s0;
	s8 =	ssub.s32 s8, s10  }
0x10: {  	s10 =	sadd.s32 s9, s1;
	s12 =	sshrl.u32 s9, $0x3;
	s9 =	sadd.s32 s9, s6  }
0x11: {  	s5 =	sadd.s32 s5, s12;
	s31 =	sshrl.u32 s9, $0x3;
	s11 =	sshrl.u32 s11, $0x3  }
0x12: {  	s8 =	smax.u32 s8, $0x1;
	s10 =	sshrl.u32 @!p0 s10, $0x3;
	s0 =	sadd.s32 s0, s11  }
0x13: {  	s12 =	simm.s32 $0x3E8;
	s6 =	sadd.s32 $0xC400, s0;
	s0 =	sshll.u32 @!p0 s2, $0x6  }
0x14: {  	s7 =	sadd.s32 s7, s31;
	s11 =	simm.s32 $0x9;
	s9 =	sor.u32 @!p0 $0x1C09, s0  }
.LBB2_1:
0x15: {  	[spmem:s10], [sflag:s9] =	dma.local @!p0 [hbm:s5], $0x3E8  }
0x16: {  	s0 =	simm.s32 @!p0 $0x9  }
0x17: {  	_ =	swait.ge @!p0 [sflag:s0], $0x3E8  }
0x18: {  	[sflag:s0] =	ssyncset.done @!p0 $0x0  }
0x19: {  	[sflag:s0] =	ssyncadd.s32 @!p0 $0xFFFFFC18  }
0x1a: {  	[tilespmem:s3], [sflag:$0x9] =	stream.linear.gather [hbm4b:s4+s3], $0x3E8, $0x38;
	[tilespmem:$0x3F70] =	vst v63  }
0x1b: {  	_ =	swait.ge [sflag:s11], $0x3E8  }
0x1c: {  	[sflag:s11] =	ssyncset.done $0x0  }
0x1d: {  	[sflag:s11] =	ssyncadd.s32 $0xFFFFFC18  }
0x1e: {  	[tilespmem:s12], [sflag:$0x9] =	stream.linear.gather [hbm4b:s6+s3], $0x2800, $0x38;
	[tilespmem:$0x3F70] =	vst v63  }
0x1f: {  	_ =	swait.ge [sflag:s11], $0x2800  }
0x20: {  	[sflag:s11] =	ssyncset.done $0x0  }
0x21: {  	[sflag:s11] =	ssyncadd.s32 $0xFFFFD800  }
0x22: {  	[bflag:$0x0] =	sbarrier.arrive $0xFFFF  }
0x23: {  	[spmem:s1] =	stream.indirect.scatter.add.f32 [tilespmem:s3], [sflag:$0x1], $0x8, s12, s13, $0xb8;
	[tilespmem:$0x3F70] =	vst v63  }
0x24: {  	_ = 	snop  }
0x25: {  	[spmem:s1] =	stream.indirect.scatter.add.f32 [tilespmem:s3], [sflag:$0x2], $0x8, s14, s13, $0xb8;
	[tilespmem:$0x3F70] =	vst v63  }
0x26: {  	_ = 	snop  }
0x27: {  	[spmem:s1] =	stream.indirect.scatter.add.f32 [tilespmem:s3], [sflag:$0x3], $0x8, s15, s13, $0xb8;
	[tilespmem:$0x3F70] =	vst v63  }
0x28: {  	_ = 	snop  }
0x29: {  	[spmem:s1] =	stream.indirect.scatter.add.f32 [tilespmem:s3], [sflag:$0x4], $0x8, s16, s13, $0xb8;
	[tilespmem:$0x3F70] =	vst v63  }
0x2a: {  	_ = 	snop  }
0x2b: {  	[spmem:s1] =	stream.indirect.scatter.add.f32 [tilespmem:s3], [sflag:$0x5], $0x8, s17, s13, $0xb8;
	[tilespmem:$0x3F70] =	vst v63  }
0x2c: {  	_ = 	snop  }
0x2d: {  	[spmem:s1] =	stream.indirect.scatter.add.f32 [tilespmem:s3], [sflag:$0x6], $0x8, s18, s13, $0xb8;
	[tilespmem:$0x3F70] =	vst v63  }
0x2e: {  	_ = 	snop  }
0x2f: {  	[spmem:s1] =	stream.indirect.scatter.add.f32 [tilespmem:s3], [sflag:$0x7], $0x8, s19, s13, $0xb8;
	[tilespmem:$0x3F70] =	vst v63  }
0x30: {  	_ = 	snop  }
0x31: {  	[spmem:s1] =	stream.indirect.scatter.add.f32 [tilespmem:s3], [sflag:$0x8], $0x8, s20, s13, $0xb8;
	[tilespmem:$0x3F70] =	vst v63  }
0x32: {  	_ =	swait.ge [sflag:s21], $0x3E8  }
0x33: {  	[sflag:s21] =	ssyncset.done $0x0  }
0x34: {  	s2 =	simm.s32 $0x7E8;
	[sflag:s21] =	ssyncadd.s32 $0xFFFFFC18  }
0x35: {  	[spmem:s1] =	stream.indirect.scatter.add.f32 [tilespmem:s3], [sflag:$0x1], $0x8, s2, s13, $0xb8;
	[tilespmem:$0x3F70] =	vst v63  }
0x36: {  	_ =	swait.ge [sflag:s22], $0x3E8  }
0x37: {  	[sflag:s22] =	ssyncset.done $0x0  }
0x38: {  	s2 =	simm.s32 $0x868;
	[sflag:s22] =	ssyncadd.s32 $0xFFFFFC18  }
0x39: {  	[spmem:s1] =	stream.indirect.scatter.add.f32 [tilespmem:s3], [sflag:$0x2], $0x8, s2, s13, $0xb8;
	[tilespmem:$0x3F70] =	vst v63  }
0x3a: {  	_ =	swait.ge [sflag:s23], $0x3E8  }
0x3b: {  	[sflag:s23] =	ssyncset.done $0x0  }
0x3c: {  	s2 =	simm.s32 $0x8E8;
	[sflag:s23] =	ssyncadd.s32 $0xFFFFFC18  }
0x3d: {  	[spmem:s1] =	stream.indirect.scatter.add.f32 [tilespmem:s3], [sflag:$0x3], $0x8, s2, s13, $0xb8;
	[tilespmem:$0x3F70] =	vst v63  }
0x3e: {  	_ =	swait.ge [sflag:s24], $0x3E8  }
0x3f: {  	[sflag:s24] =	ssyncset.done $0x0  }
0x40: {  	s2 =	simm.s32 $0x968;
	[sflag:s24] =	ssyncadd.s32 $0xFFFFFC18  }
0x41: {  	[spmem:s1] =	stream.indirect.scatter.add.f32 [tilespmem:s3], [sflag:$0x4], $0x8, s2, s13, $0xb8;
	[tilespmem:$0x3F70] =	vst v63  }
0x42: {  	_ =	swait.ge [sflag:s25], $0x3E8  }
0x43: {  	[sflag:s25] =	ssyncset.done $0x0  }
0x44: {  	s2 =	simm.s32 $0x9E8;
	[sflag:s25] =	ssyncadd.s32 $0xFFFFFC18  }
0x45: {  	[spmem:s1] =	stream.indirect.scatter.add.f32 [tilespmem:s3], [sflag:$0x5], $0x8, s2, s13, $0xb8;
	[tilespmem:$0x3F70] =	vst v63  }
0x46: {  	_ =	swait.ge [sflag:s26], $0x3E8  }
0x47: {  	[sflag:s26] =	ssyncset.done $0x0  }
0x48: {  	s2 =	simm.s32 $0xA68;
	[sflag:s26] =	ssyncadd.s32 $0xFFFFFC18  }
0x49: {  	[spmem:s1] =	stream.indirect.scatter.add.f32 [tilespmem:s3], [sflag:$0x6], $0x8, s2, s13, $0xb8;
	[tilespmem:$0x3F70] =	vst v63  }
0x4a: {  	_ =	swait.ge [sflag:s28], $0x3E8  }
0x4b: {  	[sflag:s28] =	ssyncset.done $0x0  }
0x4c: {  	s2 =	simm.s32 $0xAE8;
	[sflag:s28] =	ssyncadd.s32 $0xFFFFFC18  }
0x4d: {  	[spmem:s1] =	stream.indirect.scatter.add.f32 [tilespmem:s3], [sflag:$0x7], $0x8, s2, s13, $0xb8;
	[tilespmem:$0x3F70] =	vst v63  }
0x4e: {  	_ =	swait.ge [sflag:s29], $0x3E8  }
0x4f: {  	[sflag:s29] =	ssyncset.done $0x0  }
0x50: {  	s31 =	simm.s32 $0x1000;
	s0 =	simm.s32 $0xB68;
	[sflag:s29] =	ssyncadd.s32 $0xFFFFFC18  }
.LBB2_2:
0x51: {  	[spmem:s1] =	stream.indirect.scatter.add.f32 [tilespmem:s3], [sflag:$0x8], $0x8, s0, s13, $0xb8;
	[tilespmem:$0x3F70] =	vst v63  }
0x52: {  	s0 =	smov.u32 s31  }
0x53: {  	p1 =	sne.s32 s31, $0x8000;
	s31 =	sadd.s32 $0x1000, s31;
	_ =	swait.ge [sflag:s21], $0x3E8  }
0x54: {  	s0 =	sshra.s32 s0, $0x2;
	[sflag:s21] =	ssyncset.done $0x0  }
0x55: {  	s2 =	sadd.s32 $0x7E8, s0;
	[sflag:s21] =	ssyncadd.s32 $0xFFFFFC18  }
0x56: {  	[spmem:s1] =	stream.indirect.scatter.add.f32 [tilespmem:s3], [sflag:$0x1], $0x8, s2, s13, $0xb8;
	[tilespmem:$0x3F70] =	vst v63  }
0x57: {  	_ =	swait.ge [sflag:s22], $0x3E8  }
0x58: {  	[sflag:s22] =	ssyncset.done $0x0  }
0x59: {  	s2 =	sadd.s32 $0x868, s0;
	[sflag:s22] =	ssyncadd.s32 $0xFFFFFC18  }
0x5a: {  	[spmem:s1] =	stream.indirect.scatter.add.f32 [tilespmem:s3], [sflag:$0x2], $0x8, s2, s13, $0xb8;
	[tilespmem:$0x3F70] =	vst v63  }
0x5b: {  	_ =	swait.ge [sflag:s23], $0x3E8  }
0x5c: {  	[sflag:s23] =	ssyncset.done $0x0  }
0x5d: {  	s2 =	sadd.s32 $0x8E8, s0;
	[sflag:s23] =	ssyncadd.s32 $0xFFFFFC18  }
0x5e: {  	[spmem:s1] =	stream.indirect.scatter.add.f32 [tilespmem:s3], [sflag:$0x3], $0x8, s2, s13, $0xb8;
	[tilespmem:$0x3F70] =	vst v63  }
0x5f: {  	_ =	swait.ge [sflag:s24], $0x3E8  }
0x60: {  	[sflag:s24] =	ssyncset.done $0x0  }
0x61: {  	s2 =	sadd.s32 $0x968, s0;
	[sflag:s24] =	ssyncadd.s32 $0xFFFFFC18  }
0x62: {  	[spmem:s1] =	stream.indirect.scatter.add.f32 [tilespmem:s3], [sflag:$0x4], $0x8, s2, s13, $0xb8;
	[tilespmem:$0x3F70] =	vst v63  }
0x63: {  	_ =	swait.ge [sflag:s25], $0x3E8  }
0x64: {  	[sflag:s25] =	ssyncset.done $0x0  }
0x65: {  	s2 =	sadd.s32 $0x9E8, s0;
	[sflag:s25] =	ssyncadd.s32 $0xFFFFFC18  }
0x66: {  	[spmem:s1] =	stream.indirect.scatter.add.f32 [tilespmem:s3], [sflag:$0x5], $0x8, s2, s13, $0xb8;
	[tilespmem:$0x3F70] =	vst v63  }
0x67: {  	_ =	swait.ge [sflag:s26], $0x3E8  }
0x68: {  	[sflag:s26] =	ssyncset.done $0x0  }
0x69: {  	s2 =	sadd.s32 $0xA68, s0;
	[sflag:s26] =	ssyncadd.s32 $0xFFFFFC18  }
0x6a: {  	[spmem:s1] =	stream.indirect.scatter.add.f32 [tilespmem:s3], [sflag:$0x6], $0x8, s2, s13, $0xb8;
	[tilespmem:$0x3F70] =	vst v63  }
0x6b: {  	_ =	swait.ge [sflag:s28], $0x3E8  }
0x6c: {  	[sflag:s28] =	ssyncset.done $0x0  }
.Ltmp0:
0x6d: {  	s2 =	sadd.s32 $0xAE8, s0;
	[sflag:s28] =	ssyncadd.s32 $0xFFFFFC18;
	(pc) =	sbr.rel @p1 .LBB2_2-.Ltmp0, $4  }
0x6e: {  	[spmem:s1] =	stream.indirect.scatter.add.f32 [tilespmem:s3], [sflag:$0x7], $0x8, s2, s13, $0xb8;
	[tilespmem:$0x3F70] =	vst v63  }
0x6f: {  	_ =	swait.ge [sflag:s29], $0x3E8  }
0x70: {  	[sflag:s29] =	ssyncset.done $0x0  }
0x71: {  	s0 =	sadd.s32 $0xB68, s0;
	[sflag:s29] =	ssyncadd.s32 $0xFFFFFC18  }
0x72: {  	[spmem:s1] =	stream.indirect.scatter.add.f32 [tilespmem:s3], [sflag:$0x8], $0x8, s0, s13, $0xb8;
	[tilespmem:$0x3F70] =	vst v63  }
0x73: {  	_ =	swait.ge [sflag:s21], $0x3E8  }
0x74: {  	[sflag:s21] =	ssyncset.done $0x0  }
0x75: {  	[sflag:s21] =	ssyncadd.s32 $0xFFFFFC18  }
0x76: {  	_ =	swait.ge [sflag:s22], $0x3E8  }
0x77: {  	[sflag:s22] =	ssyncset.done $0x0  }
0x78: {  	[sflag:s22] =	ssyncadd.s32 $0xFFFFFC18  }
0x79: {  	_ =	swait.ge [sflag:s23], $0x3E8  }
0x7a: {  	[sflag:s23] =	ssyncset.done $0x0  }
0x7b: {  	[sflag:s23] =	ssyncadd.s32 $0xFFFFFC18  }
0x7c: {  	_ =	swait.ge [sflag:s24], $0x3E8  }
0x7d: {  	[sflag:s24] =	ssyncset.done $0x0  }
0x7e: {  	[sflag:s24] =	ssyncadd.s32 $0xFFFFFC18  }
0x7f: {  	_ =	swait.ge [sflag:s25], $0x3E8  }
0x80: {  	[sflag:s25] =	ssyncset.done $0x0  }
0x81: {  	[sflag:s25] =	ssyncadd.s32 $0xFFFFFC18  }
0x82: {  	_ =	swait.ge [sflag:s26], $0x3E8  }
0x83: {  	[sflag:s26] =	ssyncset.done $0x0  }
0x84: {  	[sflag:s26] =	ssyncadd.s32 $0xFFFFFC18  }
0x85: {  	_ =	swait.ge [sflag:s28], $0x3E8  }
0x86: {  	[sflag:s28] =	ssyncset.done $0x0  }
0x87: {  	[sflag:s28] =	ssyncadd.s32 $0xFFFFFC18  }
0x88: {  	_ =	swait.ge [sflag:s29], $0x3E8  }
0x89: {  	s30 =	sadd.s32 $0x1, s30;
	[sflag:s29] =	ssyncset.done $0x0  }
0x8a: {  	p1 =	sne.s32 s30, s8;
	[sflag:s29] =	ssyncadd.s32 $0xFFFFFC18  }
.Ltmp1:
0x8b: {  	s0 =	simm.s32 @!p0 $0x9;
	[bflag:$0x0] =	sbarrier.arrive $0xFFFF;
	(pc) =	sbr.rel @p1 .LBB2_1-.Ltmp1, $4  }
0x8c: {  	[hbm:s7], [sflag:s9] =	dma.local @!p0 [spmem:s10], $0x3E8  }
0x8d: {  	_ =	swait.ge @!p0 [sflag:s0], $0x3E8  }
0x8e: {  	[sflag:s0] =	ssyncset.done @!p0 $0x0  }
0x8f: {  	[sflag:s0] =	ssyncadd.s32 @!p0 $0xFFFFFC18  }
0x90: {  	_ =	sfence.sel $0x180000  }
0x91: {  	[bflag:$0x0] =	sbarrier.arrive $0xFFFF  }
0x92: {  	_ =	strace $0x90000047  }
0x93: {  	s0 =	stileid.u32;
	[bflag:$0x2] =	sbarrier.arrive $0xFFFF  }
0x94: {  	p0 =	sne.s32 s0, $0x0;
	s0 =	rddreg [dreg:$0x4]  }
0x95: {  	s0 =	sadd.s32 @!p0 $0x100000, s0  }
0x96: {  	[sflag:s0] =	ssyncadd.tile.s32 @!p0 $0x1;
	_ =	shalt  }
.Lfunc_end2:
_tile_overlayer_lowered:
.L_overlay_start_2:
0x97: {  	(tag) =	ssettag $0x2  }
0x98: {  	s0 =	rddreg [dreg:$0x0];
	s2 =	stileid.u32  }
0x99: {  	s1 =	rddreg [dreg:$0x1];
	p0 =	sne.s32 s2, $0x0  }
0x9a: {  	s3 =	rddreg [dreg:$0x2];
	[bflag:$0x3] =	sbarrier.arrive $0xFFFF;
	s2 =	simm.s32 @!p0 $0x1C09  }
0x9b: {  	[timem:s3], [sflag:s2] =	dma.local @!p0 [hbm:s0], s1  }
0x9c: {  	s0 =	simm.s32 @!p0 $0x9  }
0x9d: {  	_ =	swait.ge @!p0 [sflag:s0], s1  }
0x9e: {  	s1 =	ssub.s32 @!p0 $0x0, s1;
	[sflag:s0] =	ssyncset.done @!p0 $0x0  }
0x9f: {  	[sflag:s0] =	ssyncadd.s32 @!p0 s1  }
0xa0: {  	[bflag:$0x3] =	sbarrier.arrive $0xFFFF  }
0xa1: {  	_ =	shalt  }

</sc_bundles>
